<compile_context>
chip_gen: v7x
topology: tpu7x:2x2x1
jax: 0.10.2.dev20260603
libtpu: 0.0.44.dev20260713+nightly
codegen_flags: <defaults>
</compile_context>

<pallas_src>
import functools

import jax
import jax.numpy as jnp
from jax import lax
from jax.experimental import pallas as pl
from jax.experimental.pallas import tpu as pltpu
from jax.experimental.pallas import tpu_sc as plsc

N_NODES = 10000
N_PAD = 10000
N_EDGES = 320000
C = 128

NC = 2
NS = 16
NW = NC * NS
CH = C // NC
EPW = N_EDGES // NW
EPT = N_EDGES // NS
CHUNK = 100
DCHUNK = 40
DNCH = EPW // DCHUNK
NCHT = EPT // CHUNK
NBUF = 4
ROWS_PT = N_PAD // NS

def _deg_body(dst_hbm, ones_hbm, deg_hbm, didx, ones_v, dsem0, dsem1, acc):
    c = lax.axis_index("c")
    s = lax.axis_index("s")
    w = c * NS + s
    pltpu.sync_copy(ones_hbm, acc.at[pl.ds(s * ROWS_PT, ROWS_PT)])
    pltpu.sync_copy(dst_hbm.at[w], didx)
    pltpu.sync_copy(ones_hbm.at[pl.ds(0, DCHUNK)], ones_v)
    plsc.subcore_barrier()

    pltpu.async_copy(ones_v, acc.at[didx.at[0]], dsem0, add=True)
    pltpu.async_copy(ones_v, acc.at[didx.at[1]], dsem1, add=True)

    def body(i, carry):
        j = 2 * i + 2
        for b, sem in ((0, dsem0), (1, dsem1)):
            jj = j + b
            pltpu.make_async_copy(ones_v, acc.at[didx.at[jj]], sem).wait()
            pltpu.async_copy(ones_v, acc.at[didx.at[jj]], sem, add=True)
        return carry

    lax.fori_loop(0, DNCH // 2 - 1, body, 0)
    for sem in (dsem0, dsem1):
        pltpu.make_async_copy(ones_v, acc.at[didx.at[0]], sem).wait()
    plsc.subcore_barrier()
    pltpu.sync_copy(acc.at[pl.ds(s * ROWS_PT, ROWS_PT)],
                    deg_hbm.at[c, pl.ds(s * ROWS_PT, ROWS_PT)])


def _edge_body(hs_hbm, src_hbm, dst_hbm, out_hbm,
               sidx, didx, buf0, buf1, buf2, buf3,
               gsem0, gsem1, gsem2, gsem3,
               ssem0, ssem1, ssem2, ssem3, acc):
    c = lax.axis_index("c")
    s = lax.axis_index("s")
    hs_c = hs_hbm.at[c]
    pltpu.sync_copy(hs_c.at[pl.ds(s * ROWS_PT, ROWS_PT)],
                    acc.at[pl.ds(s * ROWS_PT, ROWS_PT)])
    pltpu.sync_copy(src_hbm.at[s], sidx)
    pltpu.sync_copy(dst_hbm.at[s], didx)
    plsc.subcore_barrier()

    bufs = (buf0, buf1, buf2, buf3)
    gsems = (gsem0, gsem1, gsem2, gsem3)
    ssems = (ssem0, ssem1, ssem2, ssem3)

    def g_start(jj, b):
        pltpu.async_copy(hs_c.at[sidx.at[jj]], bufs[b], gsems[b])

    def g_wait(jj, b):
        pltpu.make_async_copy(hs_c.at[sidx.at[jj]], bufs[b], gsems[b]).wait()

    def s_start(jj, b):
        pltpu.async_copy(bufs[b], acc.at[didx.at[jj]], ssems[b], add=True)

    def s_wait(jj, b):
        pltpu.make_async_copy(bufs[b], acc.at[didx.at[jj]], ssems[b]).wait()

    g_start(0, 0)
    g_start(1, 1)
    g_wait(0, 0)
    s_start(0, 0)
    g_start(2, 2)
    g_wait(1, 1)
    s_start(1, 1)
    g_start(3, 3)
    s_wait(0, 0)
    g_start(4, 0)
    g_wait(2, 2)
    s_start(2, 2)
    s_wait(1, 1)
    g_start(5, 1)
    g_wait(3, 3)
    s_start(3, 3)

    def body(i, carry):
        j = 4 * i + 6
        for k in range(4):
            jj = j + k
            b = (k + 2) % 4
            bn = k % 4
            pltpu.make_async_copy(bufs[bn], acc.at[didx.at[jj]], ssems[bn]).wait()
            pltpu.async_copy(hs_c.at[sidx.at[jj + 2]], bufs[bn], gsems[bn])
            g_wait(jj, b)
            s_start(jj, b)
        return carry

    for jj in (4, 5):
        b = jj % 4
        bn = (jj + 2) % 4
        s_wait(jj - 2, bn)
        g_start(jj + 2, bn)
        g_wait(jj, b)
        s_start(jj, b)
    assert (NCHT - 8) % 4 == 0
    lax.fori_loop(0, (NCHT - 8) // 4, body, 0)
    for jj in range(NCHT - 2, NCHT):
        b = jj % 4
        g_wait(jj, b)
        s_start(jj, b)
    for jj in range(NCHT - 4, NCHT):
        s_wait(jj, jj % 4)
    plsc.subcore_barrier()
    pltpu.sync_copy(acc.at[pl.ds(s * ROWS_PT, ROWS_PT)],
                    out_hbm.at[c, pl.ds(s * ROWS_PT, ROWS_PT)])


@functools.cache
def _sc_kernels():
    mesh = plsc.VectorSubcoreMesh(core_axis_name="c", subcore_axis_name="s",
                                  num_cores=NC, num_subcores=NS)
    sc_params = pltpu.CompilerParams(use_tc_tiling_on_sc=False)
    deg_kernel = pl.kernel(
        _deg_body,
        compiler_params=sc_params,
        out_type=jax.ShapeDtypeStruct((NC, N_PAD, 16), jnp.float32),
        mesh=mesh,
        scratch_types=[
            pltpu.VMEM((DNCH, DCHUNK), jnp.int32),
            pltpu.VMEM((DCHUNK, 16), jnp.float32),
            pltpu.SemaphoreType.DMA,
            pltpu.SemaphoreType.DMA,
            pltpu.VMEM_SHARED((N_PAD, 16), jnp.float32),
        ],
    )
    edge_kernel = pl.kernel(
        _edge_body,
        compiler_params=sc_params,
        out_type=jax.ShapeDtypeStruct((NC, N_PAD, CH), jnp.float32),
        mesh=mesh,
        scratch_types=[
            pltpu.VMEM((NCHT, CHUNK), jnp.int32),
            pltpu.VMEM((NCHT, CHUNK), jnp.int32),
            pltpu.VMEM((CHUNK, CH), jnp.float32),
            pltpu.VMEM((CHUNK, CH), jnp.float32),
            pltpu.VMEM((CHUNK, CH), jnp.float32),
            pltpu.VMEM((CHUNK, CH), jnp.float32),
            pltpu.SemaphoreType.DMA,
            pltpu.SemaphoreType.DMA,
            pltpu.SemaphoreType.DMA,
            pltpu.SemaphoreType.DMA,
            pltpu.SemaphoreType.DMA,
            pltpu.SemaphoreType.DMA,
            pltpu.SemaphoreType.DMA,
            pltpu.SemaphoreType.DMA,
            pltpu.VMEM_SHARED((N_PAD, CH), jnp.float32),
        ],
    )
    return deg_kernel, edge_kernel


_BR = 1000
_GRID = N_PAD // _BR


def _dinv_of(deg_ref):
    d3 = deg_ref[...]
    deg = d3[0, :, 0] + d3[1, :, 0] - 1.0
    return lax.rsqrt(jnp.maximum(deg, 1.0))


def _split_store(ref, val):
    ref[0] = val[:, :CH]
    ref[1] = val[:, CH:]


def _join(ref):
    return jnp.concatenate([ref[0], ref[1]], axis=1)


def _mm1_body(x_ref, w1_ref, h1_ref):
    h1_ref[...] = jnp.dot(x_ref[...], w1_ref[...],
                          preferred_element_type=jnp.float32,
                          precision=lax.Precision.HIGHEST)


def _scale1_body(deg_ref, h1_ref, hs1_ref):
    dinv = _dinv_of(deg_ref)
    _split_store(hs1_ref, h1_ref[...] * dinv[:, None])


def _l2_body(deg_ref, t_ref, w2_ref, b1_ref, hs2_ref):
    dinv = _dinv_of(deg_ref)
    agg = _join(t_ref[...])
    z = jnp.maximum(agg * dinv[:, None] + b1_ref[...], 0.0)
    h2 = jnp.dot(z, w2_ref[...], preferred_element_type=jnp.float32,
                 precision=lax.Precision.HIGHEST)
    _split_store(hs2_ref, h2 * dinv[:, None])


def _out_body(deg_ref, t_ref, b2_ref, out_ref):
    dinv = _dinv_of(deg_ref)
    agg = _join(t_ref[...])
    out_ref[...] = agg * dinv[:, None] + b2_ref[...]


_deg_spec = pl.BlockSpec((NC, _BR, 16), lambda i: (0, i, 0))
_row_spec = pl.BlockSpec((_BR, C), lambda i: (i, 0))
_half_spec = pl.BlockSpec((NC, _BR, CH), lambda i: (0, i, 0))
_half_out = jax.ShapeDtypeStruct((NC, N_PAD, CH), jnp.float32)
_w_spec = pl.BlockSpec((C, C), lambda i: (0, 0))
_b_spec = pl.BlockSpec((1, C), lambda i: (0, 0))
_row_out = jax.ShapeDtypeStruct((N_PAD, C), jnp.float32)

_mm1 = pl.pallas_call(
    _mm1_body, grid=(_GRID,),
    in_specs=[_row_spec, _w_spec],
    out_specs=_row_spec, out_shape=_row_out,
)
_scale1 = pl.pallas_call(
    _scale1_body, grid=(_GRID,),
    in_specs=[_deg_spec, _row_spec],
    out_specs=_half_spec, out_shape=_half_out,
)
_l2 = pl.pallas_call(
    _l2_body, grid=(_GRID,),
    in_specs=[_deg_spec, _half_spec, _w_spec, _b_spec],
    out_specs=_half_spec, out_shape=_half_out,
)
_out = pl.pallas_call(
    _out_body, grid=(_GRID,),
    in_specs=[_deg_spec, _half_spec, _b_spec],
    out_specs=_row_spec, out_shape=_row_out,
)


def kernel(x, edge_index, W1, b1, W2, b2):
    _deg_kernel, _edge_kernel = _sc_kernels()
    dstd = edge_index[1].reshape(NW, DNCH, DCHUNK)
    src3 = edge_index[0].reshape(NS, NCHT, CHUNK)
    dst3 = edge_index[1].reshape(NS, NCHT, CHUNK)
    ones = jnp.ones((ROWS_PT, 16), jnp.float32)
    h1 = _mm1(x, W1)
    deg = _deg_kernel(dstd, ones)
    hs1 = _scale1(deg, h1)
    t1 = _edge_kernel(hs1, src3, dst3)
    hs2 = _l2(deg, t1, W2, b1.reshape(1, C))
    t2 = _edge_kernel(hs2, src3, dst3)
    return _out(deg, t2, b2.reshape(1, C))

# --- scband reference (transcript-rebuilt; emitter-appended) ---
"""Pipeline reference for scband-scam-detection-gnn-46316927320191 (READ-ONLY COPY).

The authoritative reference and input builder live on the scoring server;
editing this copy changes nothing except your own understanding.
"""

import jax, jax.numpy as jnp
import numpy as np

N_NODES = 10000
E = 320000
IN_C = 128
HID_C = 128
OUT_C = 128


def setup_inputs(seed: int = 0) -> dict:
    key = jax.random.key(seed)
    k1, k2, k3, k4, k5, k6 = jax.random.split(key, 6)
    x = jax.random.normal(k1, (N_NODES, IN_C), dtype=jnp.float32)
    edge_index = jax.random.randint(k2, (2, E), 0, N_NODES, dtype=jnp.int32)
    W1 = jax.random.normal(k3, (IN_C, HID_C), dtype=jnp.float32) * (1.0 / np.sqrt(IN_C))
    b1 = jnp.zeros((HID_C,), dtype=jnp.float32)
    W2 = jax.random.normal(k4, (HID_C, OUT_C), dtype=jnp.float32) * (1.0 / np.sqrt(HID_C))
    b2 = jnp.zeros((OUT_C,), dtype=jnp.float32)
    return {"x": x, "edge_index": edge_index, "W1": W1, "b1": b1, "W2": W2, "b2": b2}


def _gcn_conv(x, edge_index, W, b):
    # GCNConv: out = D^{-1/2} (A + I) D^{-1/2} (x W) + b
    src = edge_index[0]
    dst = edge_index[1]
    loop = jnp.arange(N_NODES, dtype=src.dtype)
    s = jnp.concatenate([src, loop])
    d = jnp.concatenate([dst, loop])
    ones = jnp.ones(s.shape[0], dtype=x.dtype)
    deg = jax.ops.segment_sum(ones, d, num_segments=N_NODES)
    dinv = jax.lax.rsqrt(jnp.clip(deg, 1.0, None))
    norm = dinv[s] * dinv[d]
    h = x @ W
    msg = h[s] * norm[:, None]
    agg = jax.ops.segment_sum(msg, d, num_segments=N_NODES)
    return agg + b


def reference(x, edge_index, W1, b1, W2, b2):
    h = jax.nn.relu(_gcn_conv(x, edge_index, W1, b1))
    out = _gcn_conv(h, edge_index, W2, b2)
    return out

if __name__ == "__main__":
    import jax
    _d = setup_inputs()
    print(jax.jit(kernel)(*tuple(_d.values())))

</pallas_src>

<mosaic_0001>
#map = affine_map<(d0, d1) -> (0, 0, 0)>
module attributes {stable_mosaic.version = 14 : i64} {
  func.func @_edge_body(%arg0: i32, %arg1: i32, %arg2: memref<2x10000x64xf32, #tpu.memory_space<hbm>>, %arg3: memref<16x200x100xi32, #tpu.memory_space<hbm>>, %arg4: memref<16x200x100xi32, #tpu.memory_space<hbm>>, %arg5: memref<2x10000x64xf32, #tpu.memory_space<hbm>>, %arg6: memref<200x100xi32, #tpu.memory_space<vmem>>, %arg7: memref<200x100xi32, #tpu.memory_space<vmem>>, %arg8: memref<100x64xf32, #tpu.memory_space<vmem>>, %arg9: memref<100x64xf32, #tpu.memory_space<vmem>>, %arg10: memref<100x64xf32, #tpu.memory_space<vmem>>, %arg11: memref<100x64xf32, #tpu.memory_space<vmem>>, %arg12: memref<!tpu.dma_semaphore, #tpu.memory_space<semaphore_mem>>, %arg13: memref<!tpu.dma_semaphore, #tpu.memory_space<semaphore_mem>>, %arg14: memref<!tpu.dma_semaphore, #tpu.memory_space<semaphore_mem>>, %arg15: memref<!tpu.dma_semaphore, #tpu.memory_space<semaphore_mem>>, %arg16: memref<!tpu.dma_semaphore, #tpu.memory_space<semaphore_mem>>, %arg17: memref<!tpu.dma_semaphore, #tpu.memory_space<semaphore_mem>>, %arg18: memref<!tpu.dma_semaphore, #tpu.memory_space<semaphore_mem>>, %arg19: memref<!tpu.dma_semaphore, #tpu.memory_space<semaphore_mem>>, %arg20: memref<10000x64xf32, #tpu.memory_space<vmem_shared>>) attributes {dimension_semantics = [#tpu.dimension_semantics<core_parallel>, #tpu.dimension_semantics<subcore_parallel>], iteration_bounds = array<i64: 2, 16>, scalar_prefetch = 0 : i64, scratch_operands = 15 : i64, tpu.core_type = #tpu.core_type<sc_vector_subcore>, window_params = [{transform_indices = #map}, {transform_indices = #map}, {transform_indices = #map}, {transform_indices = #map}]} {
    %mul3A = arith.constant 625 : i32
    %mul3A_0 = arith.muli %arg1, %mul3A : i32
    %mul3A_1 = arith.constant 625 : i32
    %mul3A_2 = arith.muli %arg1, %mul3A_1 : i32
    "tpu.region"() ({
      %run_scoped3A = tpu.sem_alloc : memref<!tpu.dma_semaphore, #tpu.memory_space<semaphore_mem>>
      %dma_start3A_299 = arith.constant 0 : i32
      %dma_start3A_300 = tpu.memref_slice %arg20[%mul3A_2, %dma_start3A_299] : memref<10000x64xf32, #tpu.memory_space<vmem_shared>> -> memref<625x64xf32, #tpu.memory_space<vmem_shared>>
      %dma_start3A_301 = arith.constant 0 : i32
      %dma_start3A_302 = arith.constant 0 : i32
      %dma_start3A_303 = tpu.memref_slice %arg2[%arg0, %dma_start3A_301, %dma_start3A_302] : memref<2x10000x64xf32, #tpu.memory_space<hbm>> -> memref<1x10000x64xf32, #tpu.memory_space<hbm>>
      %dma_start3A_304 = tpu.memref_squeeze %dma_start3A_303 : memref<1x10000x64xf32, #tpu.memory_space<hbm>> -> memref<10000x64xf32, #tpu.memory_space<hbm>>
      %dma_start3A_305 = arith.constant 0 : i32
      %dma_start3A_306 = tpu.memref_slice %dma_start3A_304[%mul3A_0, %dma_start3A_305] : memref<10000x64xf32, #tpu.memory_space<hbm>> -> memref<625x64xf32, #tpu.memory_space<hbm>>
      tpu.enqueue_dma source(%dma_start3A_306 : memref<625x64xf32, #tpu.memory_space<hbm>>) target(%dma_start3A_300 : memref<625x64xf32, #tpu.memory_space<vmem_shared>>) target_semaphore(%run_scoped3A : memref<!tpu.dma_semaphore, #tpu.memory_space<semaphore_mem>>)
      %dma_wait3A_307 = arith.constant 0 : i32
      %dma_wait3A_308 = tpu.memref_slice %arg20[%mul3A_2, %dma_wait3A_307] : memref<10000x64xf32, #tpu.memory_space<vmem_shared>> -> memref<625x64xf32, #tpu.memory_space<vmem_shared>>
      %dma_wait3A_309 = arith.constant 0 : i32
      %dma_wait3A_310 = arith.constant 0 : i32
      %dma_wait3A_311 = tpu.memref_slice %arg2[%arg0, %dma_wait3A_309, %dma_wait3A_310] : memref<2x10000x64xf32, #tpu.memory_space<hbm>> -> memref<1x10000x64xf32, #tpu.memory_space<hbm>>
      %dma_wait3A_312 = tpu.memref_squeeze %dma_wait3A_311 : memref<1x10000x64xf32, #tpu.memory_space<hbm>> -> memref<10000x64xf32, #tpu.memory_space<hbm>>
      %dma_wait3A_313 = arith.constant 0 : i32
      %dma_wait3A_314 = tpu.memref_slice %dma_wait3A_312[%mul3A_0, %dma_wait3A_313] : memref<10000x64xf32, #tpu.memory_space<hbm>> -> memref<625x64xf32, #tpu.memory_space<hbm>>
      tpu.wait_dma2 semaphore(%run_scoped3A : memref<!tpu.dma_semaphore, #tpu.memory_space<semaphore_mem>>) src(%dma_wait3A_314 : memref<625x64xf32, #tpu.memory_space<hbm>>) dst(%dma_wait3A_308 : memref<625x64xf32, #tpu.memory_space<vmem_shared>>)
      tpu.yield
    }) : () -> ()
    "tpu.region"() ({
      %run_scoped3A = tpu.sem_alloc : memref<!tpu.dma_semaphore, #tpu.memory_space<semaphore_mem>>
      %dma_start3A_299 = arith.constant 0 : i32
      %dma_start3A_300 = arith.constant 0 : i32
      %dma_start3A_301 = tpu.memref_slice %arg3[%arg1, %dma_start3A_299, %dma_start3A_300] : memref<16x200x100xi32, #tpu.memory_space<hbm>> -> memref<1x200x100xi32, #tpu.memory_space<hbm>>
      %dma_start3A_302 = tpu.memref_squeeze %dma_start3A_301 : memref<1x200x100xi32, #tpu.memory_space<hbm>> -> memref<200x100xi32, #tpu.memory_space<hbm>>
      %dma_start3A_303 = arith.constant 0 : i32
      %dma_start3A_304 = arith.constant 0 : i32
      %dma_start3A_305 = tpu.memref_slice %arg3[%arg1, %dma_start3A_303, %dma_start3A_304] : memref<16x200x100xi32, #tpu.memory_space<hbm>> -> memref<1x200x100xi32, #tpu.memory_space<hbm>>
      %dma_start3A_306 = tpu.memref_squeeze %dma_start3A_305 : memref<1x200x100xi32, #tpu.memory_space<hbm>> -> memref<200x100xi32, #tpu.memory_space<hbm>>
      tpu.enqueue_dma source(%dma_start3A_306 : memref<200x100xi32, #tpu.memory_space<hbm>>) target(%arg6 : memref<200x100xi32, #tpu.memory_space<vmem>>) target_semaphore(%run_scoped3A : memref<!tpu.dma_semaphore, #tpu.memory_space<semaphore_mem>>)
      %dma_wait3A_307 = arith.constant 0 : i32
      %dma_wait3A_308 = arith.constant 0 : i32
      %dma_wait3A_309 = tpu.memref_slice %arg3[%arg1, %dma_wait3A_307, %dma_wait3A_308] : memref<16x200x100xi32, #tpu.memory_space<hbm>> -> memref<1x200x100xi32, #tpu.memory_space<hbm>>
      %dma_wait3A_310 = tpu.memref_squeeze %dma_wait3A_309 : memref<1x200x100xi32, #tpu.memory_space<hbm>> -> memref<200x100xi32, #tpu.memory_space<hbm>>
      %dma_wait3A_311 = arith.constant 0 : i32
      %dma_wait3A_312 = arith.constant 0 : i32
      %dma_wait3A_313 = tpu.memref_slice %arg3[%arg1, %dma_wait3A_311, %dma_wait3A_312] : memref<16x200x100xi32, #tpu.memory_space<hbm>> -> memref<1x200x100xi32, #tpu.memory_space<hbm>>
      %dma_wait3A_314 = tpu.memref_squeeze %dma_wait3A_313 : memref<1x200x100xi32, #tpu.memory_space<hbm>> -> memref<200x100xi32, #tpu.memory_space<hbm>>
      tpu.wait_dma2 semaphore(%run_scoped3A : memref<!tpu.dma_semaphore, #tpu.memory_space<semaphore_mem>>) src(%dma_wait3A_314 : memref<200x100xi32, #tpu.memory_space<hbm>>) dst(%arg6 : memref<200x100xi32, #tpu.memory_space<vmem>>)
      tpu.yield
    }) : () -> ()
    "tpu.region"() ({
      %run_scoped3A = tpu.sem_alloc : memref<!tpu.dma_semaphore, #tpu.memory_space<semaphore_mem>>
      %dma_start3A_299 = arith.constant 0 : i32
      %dma_start3A_300 = arith.constant 0 : i32
      %dma_start3A_301 = tpu.memref_slice %arg4[%arg1, %dma_start3A_299, %dma_start3A_300] : memref<16x200x100xi32, #tpu.memory_space<hbm>> -> memref<1x200x100xi32, #tpu.memory_space<hbm>>
      %dma_start3A_302 = tpu.memref_squeeze %dma_start3A_301 : memref<1x200x100xi32, #tpu.memory_space<hbm>> -> memref<200x100xi32, #tpu.memory_space<hbm>>
      %dma_start3A_303 = arith.constant 0 : i32
      %dma_start3A_304 = arith.constant 0 : i32
      %dma_start3A_305 = tpu.memref_slice %arg4[%arg1, %dma_start3A_303, %dma_start3A_304] : memref<16x200x100xi32, #tpu.memory_space<hbm>> -> memref<1x200x100xi32, #tpu.memory_space<hbm>>
      %dma_start3A_306 = tpu.memref_squeeze %dma_start3A_305 : memref<1x200x100xi32, #tpu.memory_space<hbm>> -> memref<200x100xi32, #tpu.memory_space<hbm>>
      tpu.enqueue_dma source(%dma_start3A_306 : memref<200x100xi32, #tpu.memory_space<hbm>>) target(%arg7 : memref<200x100xi32, #tpu.memory_space<vmem>>) target_semaphore(%run_scoped3A : memref<!tpu.dma_semaphore, #tpu.memory_space<semaphore_mem>>)
      %dma_wait3A_307 = arith.constant 0 : i32
      %dma_wait3A_308 = arith.constant 0 : i32
      %dma_wait3A_309 = tpu.memref_slice %arg4[%arg1, %dma_wait3A_307, %dma_wait3A_308] : memref<16x200x100xi32, #tpu.memory_space<hbm>> -> memref<1x200x100xi32, #tpu.memory_space<hbm>>
      %dma_wait3A_310 = tpu.memref_squeeze %dma_wait3A_309 : memref<1x200x100xi32, #tpu.memory_space<hbm>> -> memref<200x100xi32, #tpu.memory_space<hbm>>
      %dma_wait3A_311 = arith.constant 0 : i32
      %dma_wait3A_312 = arith.constant 0 : i32
      %dma_wait3A_313 = tpu.memref_slice %arg4[%arg1, %dma_wait3A_311, %dma_wait3A_312] : memref<16x200x100xi32, #tpu.memory_space<hbm>> -> memref<1x200x100xi32, #tpu.memory_space<hbm>>
      %dma_wait3A_314 = tpu.memref_squeeze %dma_wait3A_313 : memref<1x200x100xi32, #tpu.memory_space<hbm>> -> memref<200x100xi32, #tpu.memory_space<hbm>>
      tpu.wait_dma2 semaphore(%run_scoped3A : memref<!tpu.dma_semaphore, #tpu.memory_space<semaphore_mem>>) src(%dma_wait3A_314 : memref<200x100xi32, #tpu.memory_space<hbm>>) dst(%arg7 : memref<200x100xi32, #tpu.memory_space<vmem>>)
      tpu.yield
    }) : () -> ()
    %barrier3A = arith.constant 0 : index
    tpu.barrier barrier_id(%barrier3A)
    %dma_start3A = arith.constant 0 : i32
    %dma_start3A_3 = arith.constant 0 : i32
    %dma_start3A_4 = tpu.memref_slice %arg6[%dma_start3A, %dma_start3A_3] : memref<200x100xi32, #tpu.memory_space<vmem>> -> memref<1x100xi32, #tpu.memory_space<vmem>>
    %dma_start3A_5 = tpu.memref_squeeze %dma_start3A_4 : memref<1x100xi32, #tpu.memory_space<vmem>> -> memref<100xi32, #tpu.memory_space<vmem>>
    %dma_start3A_6 = arith.constant 0 : i32
    %dma_start3A_7 = arith.constant 0 : i32
    %dma_start3A_8 = tpu.memref_slice %arg2[%arg0, %dma_start3A_6, %dma_start3A_7] : memref<2x10000x64xf32, #tpu.memory_space<hbm>> -> memref<1x10000x64xf32, #tpu.memory_space<hbm>>
    %dma_start3A_9 = tpu.memref_squeeze %dma_start3A_8 : memref<1x10000x64xf32, #tpu.memory_space<hbm>> -> memref<10000x64xf32, #tpu.memory_space<hbm>>
    %dma_start3A_10 = arith.constant 0 : i32
    %dma_start3A_11 = arith.constant 0 : i32
    %dma_start3A_12 = tpu.memref_slice %dma_start3A_9[%dma_start3A_10, %dma_start3A_11] : memref<10000x64xf32, #tpu.memory_space<hbm>> -> memref<10000x64xf32, #tpu.memory_space<hbm>>
    tpu.enqueue_indirect_dma source(%dma_start3A_12 : memref<10000x64xf32, #tpu.memory_space<hbm>>) target(%arg8 : memref<100x64xf32, #tpu.memory_space<vmem>>) offsets(%dma_start3A_5 : memref<100xi32, #tpu.memory_space<vmem>>) semaphore(%arg12 : memref<!tpu.dma_semaphore, #tpu.memory_space<semaphore_mem>>)
    %dma_start3A_13 = arith.constant 1 : i32
    %dma_start3A_14 = arith.constant 0 : i32
    %dma_start3A_15 = tpu.memref_slice %arg6[%dma_start3A_13, %dma_start3A_14] : memref<200x100xi32, #tpu.memory_space<vmem>> -> memref<1x100xi32, #tpu.memory_space<vmem>>
    %dma_start3A_16 = tpu.memref_squeeze %dma_start3A_15 : memref<1x100xi32, #tpu.memory_space<vmem>> -> memref<100xi32, #tpu.memory_space<vmem>>
    %dma_start3A_17 = arith.constant 0 : i32
    %dma_start3A_18 = arith.constant 0 : i32
    %dma_start3A_19 = tpu.memref_slice %arg2[%arg0, %dma_start3A_17, %dma_start3A_18] : memref<2x10000x64xf32, #tpu.memory_space<hbm>> -> memref<1x10000x64xf32, #tpu.memory_space<hbm>>
    %dma_start3A_20 = tpu.memref_squeeze %dma_start3A_19 : memref<1x10000x64xf32, #tpu.memory_space<hbm>> -> memref<10000x64xf32, #tpu.memory_space<hbm>>
    %dma_start3A_21 = arith.constant 0 : i32
    %dma_start3A_22 = arith.constant 0 : i32
    %dma_start3A_23 = tpu.memref_slice %dma_start3A_20[%dma_start3A_21, %dma_start3A_22] : memref<10000x64xf32, #tpu.memory_space<hbm>> -> memref<10000x64xf32, #tpu.memory_space<hbm>>
    tpu.enqueue_indirect_dma source(%dma_start3A_23 : memref<10000x64xf32, #tpu.memory_space<hbm>>) target(%arg9 : memref<100x64xf32, #tpu.memory_space<vmem>>) offsets(%dma_start3A_16 : memref<100xi32, #tpu.memory_space<vmem>>) semaphore(%arg13 : memref<!tpu.dma_semaphore, #tpu.memory_space<semaphore_mem>>)
    %dma_wait3A = arith.constant 0 : i32
    %dma_wait3A_24 = arith.constant 0 : i32
    %dma_wait3A_25 = tpu.memref_slice %arg6[%dma_wait3A, %dma_wait3A_24] : memref<200x100xi32, #tpu.memory_space<vmem>> -> memref<1x100xi32, #tpu.memory_space<vmem>>
    %dma_wait3A_26 = tpu.memref_squeeze %dma_wait3A_25 : memref<1x100xi32, #tpu.memory_space<vmem>> -> memref<100xi32, #tpu.memory_space<vmem>>
    %dma_wait3A_27 = arith.constant 0 : i32
    %dma_wait3A_28 = arith.constant 0 : i32
    %dma_wait3A_29 = tpu.memref_slice %arg2[%arg0, %dma_wait3A_27, %dma_wait3A_28] : memref<2x10000x64xf32, #tpu.memory_space<hbm>> -> memref<1x10000x64xf32, #tpu.memory_space<hbm>>
    %dma_wait3A_30 = tpu.memref_squeeze %dma_wait3A_29 : memref<1x10000x64xf32, #tpu.memory_space<hbm>> -> memref<10000x64xf32, #tpu.memory_space<hbm>>
    %dma_wait3A_31 = arith.constant 0 : i32
    %dma_wait3A_32 = arith.constant 0 : i32
    %dma_wait3A_33 = tpu.memref_slice %dma_wait3A_30[%dma_wait3A_31, %dma_wait3A_32] : memref<10000x64xf32, #tpu.memory_space<hbm>> -> memref<10000x64xf32, #tpu.memory_space<hbm>>
    tpu.wait_indirect_dma semaphore(%arg12 : memref<!tpu.dma_semaphore, #tpu.memory_space<semaphore_mem>>) src(%dma_wait3A_33 : memref<10000x64xf32, #tpu.memory_space<hbm>>) dst(%arg8 : memref<100x64xf32, #tpu.memory_space<vmem>>)
    %dma_start3A_34 = arith.constant 0 : i32
    %dma_start3A_35 = arith.constant 0 : i32
    %dma_start3A_36 = tpu.memref_slice %arg7[%dma_start3A_34, %dma_start3A_35] : memref<200x100xi32, #tpu.memory_space<vmem>> -> memref<1x100xi32, #tpu.memory_space<vmem>>
    %dma_start3A_37 = tpu.memref_squeeze %dma_start3A_36 : memref<1x100xi32, #tpu.memory_space<vmem>> -> memref<100xi32, #tpu.memory_space<vmem>>
    %dma_start3A_38 = arith.constant 0 : i32
    %dma_start3A_39 = arith.constant 0 : i32
    %dma_start3A_40 = tpu.memref_slice %arg20[%dma_start3A_38, %dma_start3A_39] : memref<10000x64xf32, #tpu.memory_space<vmem_shared>> -> memref<10000x64xf32, #tpu.memory_space<vmem_shared>>
    tpu.enqueue_indirect_dma source(%arg8 : memref<100x64xf32, #tpu.memory_space<vmem>>) target(%dma_start3A_40 : memref<10000x64xf32, #tpu.memory_space<vmem_shared>>) offsets(%dma_start3A_37 : memref<100xi32, #tpu.memory_space<vmem>>) semaphore(%arg16 : memref<!tpu.dma_semaphore, #tpu.memory_space<semaphore_mem>>) {add = true}
    %dma_start3A_41 = arith.constant 2 : i32
    %dma_start3A_42 = arith.constant 0 : i32
    %dma_start3A_43 = tpu.memref_slice %arg6[%dma_start3A_41, %dma_start3A_42] : memref<200x100xi32, #tpu.memory_space<vmem>> -> memref<1x100xi32, #tpu.memory_space<vmem>>
    %dma_start3A_44 = tpu.memref_squeeze %dma_start3A_43 : memref<1x100xi32, #tpu.memory_space<vmem>> -> memref<100xi32, #tpu.memory_space<vmem>>
    %dma_start3A_45 = arith.constant 0 : i32
    %dma_start3A_46 = arith.constant 0 : i32
    %dma_start3A_47 = tpu.memref_slice %arg2[%arg0, %dma_start3A_45, %dma_start3A_46] : memref<2x10000x64xf32, #tpu.memory_space<hbm>> -> memref<1x10000x64xf32, #tpu.memory_space<hbm>>
    %dma_start3A_48 = tpu.memref_squeeze %dma_start3A_47 : memref<1x10000x64xf32, #tpu.memory_space<hbm>> -> memref<10000x64xf32, #tpu.memory_space<hbm>>
    %dma_start3A_49 = arith.constant 0 : i32
    %dma_start3A_50 = arith.constant 0 : i32
    %dma_start3A_51 = tpu.memref_slice %dma_start3A_48[%dma_start3A_49, %dma_start3A_50] : memref<10000x64xf32, #tpu.memory_space<hbm>> -> memref<10000x64xf32, #tpu.memory_space<hbm>>
    tpu.enqueue_indirect_dma source(%dma_start3A_51 : memref<10000x64xf32, #tpu.memory_space<hbm>>) target(%arg10 : memref<100x64xf32, #tpu.memory_space<vmem>>) offsets(%dma_start3A_44 : memref<100xi32, #tpu.memory_space<vmem>>) semaphore(%arg14 : memref<!tpu.dma_semaphore, #tpu.memory_space<semaphore_mem>>)
    %dma_wait3A_52 = arith.constant 1 : i32
    %dma_wait3A_53 = arith.constant 0 : i32
    %dma_wait3A_54 = tpu.memref_slice %arg6[%dma_wait3A_52, %dma_wait3A_53] : memref<200x100xi32, #tpu.memory_space<vmem>> -> memref<1x100xi32, #tpu.memory_space<vmem>>
    %dma_wait3A_55 = tpu.memref_squeeze %dma_wait3A_54 : memref<1x100xi32, #tpu.memory_space<vmem>> -> memref<100xi32, #tpu.memory_space<vmem>>
    %dma_wait3A_56 = arith.constant 0 : i32
    %dma_wait3A_57 = arith.constant 0 : i32
    %dma_wait3A_58 = tpu.memref_slice %arg2[%arg0, %dma_wait3A_56, %dma_wait3A_57] : memref<2x10000x64xf32, #tpu.memory_space<hbm>> -> memref<1x10000x64xf32, #tpu.memory_space<hbm>>
    %dma_wait3A_59 = tpu.memref_squeeze %dma_wait3A_58 : memref<1x10000x64xf32, #tpu.memory_space<hbm>> -> memref<10000x64xf32, #tpu.memory_space<hbm>>
    %dma_wait3A_60 = arith.constant 0 : i32
    %dma_wait3A_61 = arith.constant 0 : i32
    %dma_wait3A_62 = tpu.memref_slice %dma_wait3A_59[%dma_wait3A_60, %dma_wait3A_61] : memref<10000x64xf32, #tpu.memory_space<hbm>> -> memref<10000x64xf32, #tpu.memory_space<hbm>>
    tpu.wait_indirect_dma semaphore(%arg13 : memref<!tpu.dma_semaphore, #tpu.memory_space<semaphore_mem>>) src(%dma_wait3A_62 : memref<10000x64xf32, #tpu.memory_space<hbm>>) dst(%arg9 : memref<100x64xf32, #tpu.memory_space<vmem>>)
    %dma_start3A_63 = arith.constant 1 : i32
    %dma_start3A_64 = arith.constant 0 : i32
    %dma_start3A_65 = tpu.memref_slice %arg7[%dma_start3A_63, %dma_start3A_64] : memref<200x100xi32, #tpu.memory_space<vmem>> -> memref<1x100xi32, #tpu.memory_space<vmem>>
    %dma_start3A_66 = tpu.memref_squeeze %dma_start3A_65 : memref<1x100xi32, #tpu.memory_space<vmem>> -> memref<100xi32, #tpu.memory_space<vmem>>
    %dma_start3A_67 = arith.constant 0 : i32
    %dma_start3A_68 = arith.constant 0 : i32
    %dma_start3A_69 = tpu.memref_slice %arg20[%dma_start3A_67, %dma_start3A_68] : memref<10000x64xf32, #tpu.memory_space<vmem_shared>> -> memref<10000x64xf32, #tpu.memory_space<vmem_shared>>
    tpu.enqueue_indirect_dma source(%arg9 : memref<100x64xf32, #tpu.memory_space<vmem>>) target(%dma_start3A_69 : memref<10000x64xf32, #tpu.memory_space<vmem_shared>>) offsets(%dma_start3A_66 : memref<100xi32, #tpu.memory_space<vmem>>) semaphore(%arg17 : memref<!tpu.dma_semaphore, #tpu.memory_space<semaphore_mem>>) {add = true}
    %dma_start3A_70 = arith.constant 3 : i32
    %dma_start3A_71 = arith.constant 0 : i32
    %dma_start3A_72 = tpu.memref_slice %arg6[%dma_start3A_70, %dma_start3A_71] : memref<200x100xi32, #tpu.memory_space<vmem>> -> memref<1x100xi32, #tpu.memory_space<vmem>>
    %dma_start3A_73 = tpu.memref_squeeze %dma_start3A_72 : memref<1x100xi32, #tpu.memory_space<vmem>> -> memref<100xi32, #tpu.memory_space<vmem>>
    %dma_start3A_74 = arith.constant 0 : i32
    %dma_start3A_75 = arith.constant 0 : i32
    %dma_start3A_76 = tpu.memref_slice %arg2[%arg0, %dma_start3A_74, %dma_start3A_75] : memref<2x10000x64xf32, #tpu.memory_space<hbm>> -> memref<1x10000x64xf32, #tpu.memory_space<hbm>>
    %dma_start3A_77 = tpu.memref_squeeze %dma_start3A_76 : memref<1x10000x64xf32, #tpu.memory_space<hbm>> -> memref<10000x64xf32, #tpu.memory_space<hbm>>
    %dma_start3A_78 = arith.constant 0 : i32
    %dma_start3A_79 = arith.constant 0 : i32
    %dma_start3A_80 = tpu.memref_slice %dma_start3A_77[%dma_start3A_78, %dma_start3A_79] : memref<10000x64xf32, #tpu.memory_space<hbm>> -> memref<10000x64xf32, #tpu.memory_space<hbm>>
    tpu.enqueue_indirect_dma source(%dma_start3A_80 : memref<10000x64xf32, #tpu.memory_space<hbm>>) target(%arg11 : memref<100x64xf32, #tpu.memory_space<vmem>>) offsets(%dma_start3A_73 : memref<100xi32, #tpu.memory_space<vmem>>) semaphore(%arg15 : memref<!tpu.dma_semaphore, #tpu.memory_space<semaphore_mem>>)
    %dma_wait3A_81 = arith.constant 0 : i32
    %dma_wait3A_82 = arith.constant 0 : i32
    %dma_wait3A_83 = tpu.memref_slice %arg7[%dma_wait3A_81, %dma_wait3A_82] : memref<200x100xi32, #tpu.memory_space<vmem>> -> memref<1x100xi32, #tpu.memory_space<vmem>>
    %dma_wait3A_84 = tpu.memref_squeeze %dma_wait3A_83 : memref<1x100xi32, #tpu.memory_space<vmem>> -> memref<100xi32, #tpu.memory_space<vmem>>
    %dma_wait3A_85 = arith.constant 0 : i32
    %dma_wait3A_86 = arith.constant 0 : i32
    %dma_wait3A_87 = tpu.memref_slice %arg20[%dma_wait3A_85, %dma_wait3A_86] : memref<10000x64xf32, #tpu.memory_space<vmem_shared>> -> memref<10000x64xf32, #tpu.memory_space<vmem_shared>>
    tpu.wait_indirect_dma semaphore(%arg16 : memref<!tpu.dma_semaphore, #tpu.memory_space<semaphore_mem>>) src(%arg8 : memref<100x64xf32, #tpu.memory_space<vmem>>) dst(%dma_wait3A_87 : memref<10000x64xf32, #tpu.memory_space<vmem_shared>>)
    %dma_start3A_88 = arith.constant 4 : i32
    %dma_start3A_89 = arith.constant 0 : i32
    %dma_start3A_90 = tpu.memref_slice %arg6[%dma_start3A_88, %dma_start3A_89] : memref<200x100xi32, #tpu.memory_space<vmem>> -> memref<1x100xi32, #tpu.memory_space<vmem>>
    %dma_start3A_91 = tpu.memref_squeeze %dma_start3A_90 : memref<1x100xi32, #tpu.memory_space<vmem>> -> memref<100xi32, #tpu.memory_space<vmem>>
    %dma_start3A_92 = arith.constant 0 : i32
    %dma_start3A_93 = arith.constant 0 : i32
    %dma_start3A_94 = tpu.memref_slice %arg2[%arg0, %dma_start3A_92, %dma_start3A_93] : memref<2x10000x64xf32, #tpu.memory_space<hbm>> -> memref<1x10000x64xf32, #tpu.memory_space<hbm>>
    %dma_start3A_95 = tpu.memref_squeeze %dma_start3A_94 : memref<1x10000x64xf32, #tpu.memory_space<hbm>> -> memref<10000x64xf32, #tpu.memory_space<hbm>>
    %dma_start3A_96 = arith.constant 0 : i32
    %dma_start3A_97 = arith.constant 0 : i32
    %dma_start3A_98 = tpu.memref_slice %dma_start3A_95[%dma_start3A_96, %dma_start3A_97] : memref<10000x64xf32, #tpu.memory_space<hbm>> -> memref<10000x64xf32, #tpu.memory_space<hbm>>
    tpu.enqueue_indirect_dma source(%dma_start3A_98 : memref<10000x64xf32, #tpu.memory_space<hbm>>) target(%arg8 : memref<100x64xf32, #tpu.memory_space<vmem>>) offsets(%dma_start3A_91 : memref<100xi32, #tpu.memory_space<vmem>>) semaphore(%arg12 : memref<!tpu.dma_semaphore, #tpu.memory_space<semaphore_mem>>)
    %dma_wait3A_99 = arith.constant 2 : i32
    %dma_wait3A_100 = arith.constant 0 : i32
    %dma_wait3A_101 = tpu.memref_slice %arg6[%dma_wait3A_99, %dma_wait3A_100] : memref<200x100xi32, #tpu.memory_space<vmem>> -> memref<1x100xi32, #tpu.memory_space<vmem>>
    %dma_wait3A_102 = tpu.memref_squeeze %dma_wait3A_101 : memref<1x100xi32, #tpu.memory_space<vmem>> -> memref<100xi32, #tpu.memory_space<vmem>>
    %dma_wait3A_103 = arith.constant 0 : i32
    %dma_wait3A_104 = arith.constant 0 : i32
    %dma_wait3A_105 = tpu.memref_slice %arg2[%arg0, %dma_wait3A_103, %dma_wait3A_104] : memref<2x10000x64xf32, #tpu.memory_space<hbm>> -> memref<1x10000x64xf32, #tpu.memory_space<hbm>>
    %dma_wait3A_106 = tpu.memref_squeeze %dma_wait3A_105 : memref<1x10000x64xf32, #tpu.memory_space<hbm>> -> memref<10000x64xf32, #tpu.memory_space<hbm>>
    %dma_wait3A_107 = arith.constant 0 : i32
    %dma_wait3A_108 = arith.constant 0 : i32
    %dma_wait3A_109 = tpu.memref_slice %dma_wait3A_106[%dma_wait3A_107, %dma_wait3A_108] : memref<10000x64xf32, #tpu.memory_space<hbm>> -> memref<10000x64xf32, #tpu.memory_space<hbm>>
    tpu.wait_indirect_dma semaphore(%arg14 : memref<!tpu.dma_semaphore, #tpu.memory_space<semaphore_mem>>) src(%dma_wait3A_109 : memref<10000x64xf32, #tpu.memory_space<hbm>>) dst(%arg10 : memref<100x64xf32, #tpu.memory_space<vmem>>)
    %dma_start3A_110 = arith.constant 2 : i32
    %dma_start3A_111 = arith.constant 0 : i32
    %dma_start3A_112 = tpu.memref_slice %arg7[%dma_start3A_110, %dma_start3A_111] : memref<200x100xi32, #tpu.memory_space<vmem>> -> memref<1x100xi32, #tpu.memory_space<vmem>>
    %dma_start3A_113 = tpu.memref_squeeze %dma_start3A_112 : memref<1x100xi32, #tpu.memory_space<vmem>> -> memref<100xi32, #tpu.memory_space<vmem>>
    %dma_start3A_114 = arith.constant 0 : i32
    %dma_start3A_115 = arith.constant 0 : i32
    %dma_start3A_116 = tpu.memref_slice %arg20[%dma_start3A_114, %dma_start3A_115] : memref<10000x64xf32, #tpu.memory_space<vmem_shared>> -> memref<10000x64xf32, #tpu.memory_space<vmem_shared>>
    tpu.enqueue_indirect_dma source(%arg10 : memref<100x64xf32, #tpu.memory_space<vmem>>) target(%dma_start3A_116 : memref<10000x64xf32, #tpu.memory_space<vmem_shared>>) offsets(%dma_start3A_113 : memref<100xi32, #tpu.memory_space<vmem>>) semaphore(%arg18 : memref<!tpu.dma_semaphore, #tpu.memory_space<semaphore_mem>>) {add = true}
    %dma_wait3A_117 = arith.constant 1 : i32
    %dma_wait3A_118 = arith.constant 0 : i32
    %dma_wait3A_119 = tpu.memref_slice %arg7[%dma_wait3A_117, %dma_wait3A_118] : memref<200x100xi32, #tpu.memory_space<vmem>> -> memref<1x100xi32, #tpu.memory_space<vmem>>
    %dma_wait3A_120 = tpu.memref_squeeze %dma_wait3A_119 : memref<1x100xi32, #tpu.memory_space<vmem>> -> memref<100xi32, #tpu.memory_space<vmem>>
    %dma_wait3A_121 = arith.constant 0 : i32
    %dma_wait3A_122 = arith.constant 0 : i32
    %dma_wait3A_123 = tpu.memref_slice %arg20[%dma_wait3A_121, %dma_wait3A_122] : memref<10000x64xf32, #tpu.memory_space<vmem_shared>> -> memref<10000x64xf32, #tpu.memory_space<vmem_shared>>
    tpu.wait_indirect_dma semaphore(%arg17 : memref<!tpu.dma_semaphore, #tpu.memory_space<semaphore_mem>>) src(%arg9 : memref<100x64xf32, #tpu.memory_space<vmem>>) dst(%dma_wait3A_123 : memref<10000x64xf32, #tpu.memory_space<vmem_shared>>)
    %dma_start3A_124 = arith.constant 5 : i32
    %dma_start3A_125 = arith.constant 0 : i32
    %dma_start3A_126 = tpu.memref_slice %arg6[%dma_start3A_124, %dma_start3A_125] : memref<200x100xi32, #tpu.memory_space<vmem>> -> memref<1x100xi32, #tpu.memory_space<vmem>>
    %dma_start3A_127 = tpu.memref_squeeze %dma_start3A_126 : memref<1x100xi32, #tpu.memory_space<vmem>> -> memref<100xi32, #tpu.memory_space<vmem>>
    %dma_start3A_128 = arith.constant 0 : i32
    %dma_start3A_129 = arith.constant 0 : i32
    %dma_start3A_130 = tpu.memref_slice %arg2[%arg0, %dma_start3A_128, %dma_start3A_129] : memref<2x10000x64xf32, #tpu.memory_space<hbm>> -> memref<1x10000x64xf32, #tpu.memory_space<hbm>>
    %dma_start3A_131 = tpu.memref_squeeze %dma_start3A_130 : memref<1x10000x64xf32, #tpu.memory_space<hbm>> -> memref<10000x64xf32, #tpu.memory_space<hbm>>
    %dma_start3A_132 = arith.constant 0 : i32
    %dma_start3A_133 = arith.constant 0 : i32
    %dma_start3A_134 = tpu.memref_slice %dma_start3A_131[%dma_start3A_132, %dma_start3A_133] : memref<10000x64xf32, #tpu.memory_space<hbm>> -> memref<10000x64xf32, #tpu.memory_space<hbm>>
    tpu.enqueue_indirect_dma source(%dma_start3A_134 : memref<10000x64xf32, #tpu.memory_space<hbm>>) target(%arg9 : memref<100x64xf32, #tpu.memory_space<vmem>>) offsets(%dma_start3A_127 : memref<100xi32, #tpu.memory_space<vmem>>) semaphore(%arg13 : memref<!tpu.dma_semaphore, #tpu.memory_space<semaphore_mem>>)
    %dma_wait3A_135 = arith.constant 3 : i32
    %dma_wait3A_136 = arith.constant 0 : i32
    %dma_wait3A_137 = tpu.memref_slice %arg6[%dma_wait3A_135, %dma_wait3A_136] : memref<200x100xi32, #tpu.memory_space<vmem>> -> memref<1x100xi32, #tpu.memory_space<vmem>>
    %dma_wait3A_138 = tpu.memref_squeeze %dma_wait3A_137 : memref<1x100xi32, #tpu.memory_space<vmem>> -> memref<100xi32, #tpu.memory_space<vmem>>
    %dma_wait3A_139 = arith.constant 0 : i32
    %dma_wait3A_140 = arith.constant 0 : i32
    %dma_wait3A_141 = tpu.memref_slice %arg2[%arg0, %dma_wait3A_139, %dma_wait3A_140] : memref<2x10000x64xf32, #tpu.memory_space<hbm>> -> memref<1x10000x64xf32, #tpu.memory_space<hbm>>
    %dma_wait3A_142 = tpu.memref_squeeze %dma_wait3A_141 : memref<1x10000x64xf32, #tpu.memory_space<hbm>> -> memref<10000x64xf32, #tpu.memory_space<hbm>>
    %dma_wait3A_143 = arith.constant 0 : i32
    %dma_wait3A_144 = arith.constant 0 : i32
    %dma_wait3A_145 = tpu.memref_slice %dma_wait3A_142[%dma_wait3A_143, %dma_wait3A_144] : memref<10000x64xf32, #tpu.memory_space<hbm>> -> memref<10000x64xf32, #tpu.memory_space<hbm>>
    tpu.wait_indirect_dma semaphore(%arg15 : memref<!tpu.dma_semaphore, #tpu.memory_space<semaphore_mem>>) src(%dma_wait3A_145 : memref<10000x64xf32, #tpu.memory_space<hbm>>) dst(%arg11 : memref<100x64xf32, #tpu.memory_space<vmem>>)
    %dma_start3A_146 = arith.constant 3 : i32
    %dma_start3A_147 = arith.constant 0 : i32
    %dma_start3A_148 = tpu.memref_slice %arg7[%dma_start3A_146, %dma_start3A_147] : memref<200x100xi32, #tpu.memory_space<vmem>> -> memref<1x100xi32, #tpu.memory_space<vmem>>
    %dma_start3A_149 = tpu.memref_squeeze %dma_start3A_148 : memref<1x100xi32, #tpu.memory_space<vmem>> -> memref<100xi32, #tpu.memory_space<vmem>>
    %dma_start3A_150 = arith.constant 0 : i32
    %dma_start3A_151 = arith.constant 0 : i32
    %dma_start3A_152 = tpu.memref_slice %arg20[%dma_start3A_150, %dma_start3A_151] : memref<10000x64xf32, #tpu.memory_space<vmem_shared>> -> memref<10000x64xf32, #tpu.memory_space<vmem_shared>>
    tpu.enqueue_indirect_dma source(%arg11 : memref<100x64xf32, #tpu.memory_space<vmem>>) target(%dma_start3A_152 : memref<10000x64xf32, #tpu.memory_space<vmem_shared>>) offsets(%dma_start3A_149 : memref<100xi32, #tpu.memory_space<vmem>>) semaphore(%arg19 : memref<!tpu.dma_semaphore, #tpu.memory_space<semaphore_mem>>) {add = true}
    %dma_wait3A_153 = arith.constant 2 : i32
    %dma_wait3A_154 = arith.constant 0 : i32
    %dma_wait3A_155 = tpu.memref_slice %arg7[%dma_wait3A_153, %dma_wait3A_154] : memref<200x100xi32, #tpu.memory_space<vmem>> -> memref<1x100xi32, #tpu.memory_space<vmem>>
    %dma_wait3A_156 = tpu.memref_squeeze %dma_wait3A_155 : memref<1x100xi32, #tpu.memory_space<vmem>> -> memref<100xi32, #tpu.memory_space<vmem>>
    %dma_wait3A_157 = arith.constant 0 : i32
    %dma_wait3A_158 = arith.constant 0 : i32
    %dma_wait3A_159 = tpu.memref_slice %arg20[%dma_wait3A_157, %dma_wait3A_158] : memref<10000x64xf32, #tpu.memory_space<vmem_shared>> -> memref<10000x64xf32, #tpu.memory_space<vmem_shared>>
    tpu.wait_indirect_dma semaphore(%arg18 : memref<!tpu.dma_semaphore, #tpu.memory_space<semaphore_mem>>) src(%arg10 : memref<100x64xf32, #tpu.memory_space<vmem>>) dst(%dma_wait3A_159 : memref<10000x64xf32, #tpu.memory_space<vmem_shared>>)
    %dma_start3A_160 = arith.constant 6 : i32
    %dma_start3A_161 = arith.constant 0 : i32
    %dma_start3A_162 = tpu.memref_slice %arg6[%dma_start3A_160, %dma_start3A_161] : memref<200x100xi32, #tpu.memory_space<vmem>> -> memref<1x100xi32, #tpu.memory_space<vmem>>
    %dma_start3A_163 = tpu.memref_squeeze %dma_start3A_162 : memref<1x100xi32, #tpu.memory_space<vmem>> -> memref<100xi32, #tpu.memory_space<vmem>>
    %dma_start3A_164 = arith.constant 0 : i32
    %dma_start3A_165 = arith.constant 0 : i32
    %dma_start3A_166 = tpu.memref_slice %arg2[%arg0, %dma_start3A_164, %dma_start3A_165] : memref<2x10000x64xf32, #tpu.memory_space<hbm>> -> memref<1x10000x64xf32, #tpu.memory_space<hbm>>
    %dma_start3A_167 = tpu.memref_squeeze %dma_start3A_166 : memref<1x10000x64xf32, #tpu.memory_space<hbm>> -> memref<10000x64xf32, #tpu.memory_space<hbm>>
    %dma_start3A_168 = arith.constant 0 : i32
    %dma_start3A_169 = arith.constant 0 : i32
    %dma_start3A_170 = tpu.memref_slice %dma_start3A_167[%dma_start3A_168, %dma_start3A_169] : memref<10000x64xf32, #tpu.memory_space<hbm>> -> memref<10000x64xf32, #tpu.memory_space<hbm>>
    tpu.enqueue_indirect_dma source(%dma_start3A_170 : memref<10000x64xf32, #tpu.memory_space<hbm>>) target(%arg10 : memref<100x64xf32, #tpu.memory_space<vmem>>) offsets(%dma_start3A_163 : memref<100xi32, #tpu.memory_space<vmem>>) semaphore(%arg14 : memref<!tpu.dma_semaphore, #tpu.memory_space<semaphore_mem>>)
    %dma_wait3A_171 = arith.constant 4 : i32
    %dma_wait3A_172 = arith.constant 0 : i32
    %dma_wait3A_173 = tpu.memref_slice %arg6[%dma_wait3A_171, %dma_wait3A_172] : memref<200x100xi32, #tpu.memory_space<vmem>> -> memref<1x100xi32, #tpu.memory_space<vmem>>
    %dma_wait3A_174 = tpu.memref_squeeze %dma_wait3A_173 : memref<1x100xi32, #tpu.memory_space<vmem>> -> memref<100xi32, #tpu.memory_space<vmem>>
    %dma_wait3A_175 = arith.constant 0 : i32
    %dma_wait3A_176 = arith.constant 0 : i32
    %dma_wait3A_177 = tpu.memref_slice %arg2[%arg0, %dma_wait3A_175, %dma_wait3A_176] : memref<2x10000x64xf32, #tpu.memory_space<hbm>> -> memref<1x10000x64xf32, #tpu.memory_space<hbm>>
    %dma_wait3A_178 = tpu.memref_squeeze %dma_wait3A_177 : memref<1x10000x64xf32, #tpu.memory_space<hbm>> -> memref<10000x64xf32, #tpu.memory_space<hbm>>
    %dma_wait3A_179 = arith.constant 0 : i32
    %dma_wait3A_180 = arith.constant 0 : i32
    %dma_wait3A_181 = tpu.memref_slice %dma_wait3A_178[%dma_wait3A_179, %dma_wait3A_180] : memref<10000x64xf32, #tpu.memory_space<hbm>> -> memref<10000x64xf32, #tpu.memory_space<hbm>>
    tpu.wait_indirect_dma semaphore(%arg12 : memref<!tpu.dma_semaphore, #tpu.memory_space<semaphore_mem>>) src(%dma_wait3A_181 : memref<10000x64xf32, #tpu.memory_space<hbm>>) dst(%arg8 : memref<100x64xf32, #tpu.memory_space<vmem>>)
    %dma_start3A_182 = arith.constant 4 : i32
    %dma_start3A_183 = arith.constant 0 : i32
    %dma_start3A_184 = tpu.memref_slice %arg7[%dma_start3A_182, %dma_start3A_183] : memref<200x100xi32, #tpu.memory_space<vmem>> -> memref<1x100xi32, #tpu.memory_space<vmem>>
    %dma_start3A_185 = tpu.memref_squeeze %dma_start3A_184 : memref<1x100xi32, #tpu.memory_space<vmem>> -> memref<100xi32, #tpu.memory_space<vmem>>
    %dma_start3A_186 = arith.constant 0 : i32
    %dma_start3A_187 = arith.constant 0 : i32
    %dma_start3A_188 = tpu.memref_slice %arg20[%dma_start3A_186, %dma_start3A_187] : memref<10000x64xf32, #tpu.memory_space<vmem_shared>> -> memref<10000x64xf32, #tpu.memory_space<vmem_shared>>
    tpu.enqueue_indirect_dma source(%arg8 : memref<100x64xf32, #tpu.memory_space<vmem>>) target(%dma_start3A_188 : memref<10000x64xf32, #tpu.memory_space<vmem_shared>>) offsets(%dma_start3A_185 : memref<100xi32, #tpu.memory_space<vmem>>) semaphore(%arg16 : memref<!tpu.dma_semaphore, #tpu.memory_space<semaphore_mem>>) {add = true}
    %dma_wait3A_189 = arith.constant 3 : i32
    %dma_wait3A_190 = arith.constant 0 : i32
    %dma_wait3A_191 = tpu.memref_slice %arg7[%dma_wait3A_189, %dma_wait3A_190] : memref<200x100xi32, #tpu.memory_space<vmem>> -> memref<1x100xi32, #tpu.memory_space<vmem>>
    %dma_wait3A_192 = tpu.memref_squeeze %dma_wait3A_191 : memref<1x100xi32, #tpu.memory_space<vmem>> -> memref<100xi32, #tpu.memory_space<vmem>>
    %dma_wait3A_193 = arith.constant 0 : i32
    %dma_wait3A_194 = arith.constant 0 : i32
    %dma_wait3A_195 = tpu.memref_slice %arg20[%dma_wait3A_193, %dma_wait3A_194] : memref<10000x64xf32, #tpu.memory_space<vmem_shared>> -> memref<10000x64xf32, #tpu.memory_space<vmem_shared>>
    tpu.wait_indirect_dma semaphore(%arg19 : memref<!tpu.dma_semaphore, #tpu.memory_space<semaphore_mem>>) src(%arg11 : memref<100x64xf32, #tpu.memory_space<vmem>>) dst(%dma_wait3A_195 : memref<10000x64xf32, #tpu.memory_space<vmem_shared>>)
    %dma_start3A_196 = arith.constant 7 : i32
    %dma_start3A_197 = arith.constant 0 : i32
    %dma_start3A_198 = tpu.memref_slice %arg6[%dma_start3A_196, %dma_start3A_197] : memref<200x100xi32, #tpu.memory_space<vmem>> -> memref<1x100xi32, #tpu.memory_space<vmem>>
    %dma_start3A_199 = tpu.memref_squeeze %dma_start3A_198 : memref<1x100xi32, #tpu.memory_space<vmem>> -> memref<100xi32, #tpu.memory_space<vmem>>
    %dma_start3A_200 = arith.constant 0 : i32
    %dma_start3A_201 = arith.constant 0 : i32
    %dma_start3A_202 = tpu.memref_slice %arg2[%arg0, %dma_start3A_200, %dma_start3A_201] : memref<2x10000x64xf32, #tpu.memory_space<hbm>> -> memref<1x10000x64xf32, #tpu.memory_space<hbm>>
    %dma_start3A_203 = tpu.memref_squeeze %dma_start3A_202 : memref<1x10000x64xf32, #tpu.memory_space<hbm>> -> memref<10000x64xf32, #tpu.memory_space<hbm>>
    %dma_start3A_204 = arith.constant 0 : i32
    %dma_start3A_205 = arith.constant 0 : i32
    %dma_start3A_206 = tpu.memref_slice %dma_start3A_203[%dma_start3A_204, %dma_start3A_205] : memref<10000x64xf32, #tpu.memory_space<hbm>> -> memref<10000x64xf32, #tpu.memory_space<hbm>>
    tpu.enqueue_indirect_dma source(%dma_start3A_206 : memref<10000x64xf32, #tpu.memory_space<hbm>>) target(%arg11 : memref<100x64xf32, #tpu.memory_space<vmem>>) offsets(%dma_start3A_199 : memref<100xi32, #tpu.memory_space<vmem>>) semaphore(%arg15 : memref<!tpu.dma_semaphore, #tpu.memory_space<semaphore_mem>>)
    %dma_wait3A_207 = arith.constant 5 : i32
    %dma_wait3A_208 = arith.constant 0 : i32
    %dma_wait3A_209 = tpu.memref_slice %arg6[%dma_wait3A_207, %dma_wait3A_208] : memref<200x100xi32, #tpu.memory_space<vmem>> -> memref<1x100xi32, #tpu.memory_space<vmem>>
    %dma_wait3A_210 = tpu.memref_squeeze %dma_wait3A_209 : memref<1x100xi32, #tpu.memory_space<vmem>> -> memref<100xi32, #tpu.memory_space<vmem>>
    %dma_wait3A_211 = arith.constant 0 : i32
    %dma_wait3A_212 = arith.constant 0 : i32
    %dma_wait3A_213 = tpu.memref_slice %arg2[%arg0, %dma_wait3A_211, %dma_wait3A_212] : memref<2x10000x64xf32, #tpu.memory_space<hbm>> -> memref<1x10000x64xf32, #tpu.memory_space<hbm>>
    %dma_wait3A_214 = tpu.memref_squeeze %dma_wait3A_213 : memref<1x10000x64xf32, #tpu.memory_space<hbm>> -> memref<10000x64xf32, #tpu.memory_space<hbm>>
    %dma_wait3A_215 = arith.constant 0 : i32
    %dma_wait3A_216 = arith.constant 0 : i32
    %dma_wait3A_217 = tpu.memref_slice %dma_wait3A_214[%dma_wait3A_215, %dma_wait3A_216] : memref<10000x64xf32, #tpu.memory_space<hbm>> -> memref<10000x64xf32, #tpu.memory_space<hbm>>
    tpu.wait_indirect_dma semaphore(%arg13 : memref<!tpu.dma_semaphore, #tpu.memory_space<semaphore_mem>>) src(%dma_wait3A_217 : memref<10000x64xf32, #tpu.memory_space<hbm>>) dst(%arg9 : memref<100x64xf32, #tpu.memory_space<vmem>>)
    %dma_start3A_218 = arith.constant 5 : i32
    %dma_start3A_219 = arith.constant 0 : i32
    %dma_start3A_220 = tpu.memref_slice %arg7[%dma_start3A_218, %dma_start3A_219] : memref<200x100xi32, #tpu.memory_space<vmem>> -> memref<1x100xi32, #tpu.memory_space<vmem>>
    %dma_start3A_221 = tpu.memref_squeeze %dma_start3A_220 : memref<1x100xi32, #tpu.memory_space<vmem>> -> memref<100xi32, #tpu.memory_space<vmem>>
    %dma_start3A_222 = arith.constant 0 : i32
    %dma_start3A_223 = arith.constant 0 : i32
    %dma_start3A_224 = tpu.memref_slice %arg20[%dma_start3A_222, %dma_start3A_223] : memref<10000x64xf32, #tpu.memory_space<vmem_shared>> -> memref<10000x64xf32, #tpu.memory_space<vmem_shared>>
    tpu.enqueue_indirect_dma source(%arg9 : memref<100x64xf32, #tpu.memory_space<vmem>>) target(%dma_start3A_224 : memref<10000x64xf32, #tpu.memory_space<vmem_shared>>) offsets(%dma_start3A_221 : memref<100xi32, #tpu.memory_space<vmem>>) semaphore(%arg17 : memref<!tpu.dma_semaphore, #tpu.memory_space<semaphore_mem>>) {add = true}
    %scan3A = arith.constant 0 : i32
    %scan3A_225 = arith.constant 0 : i32
    %scan3A_226 = arith.constant 48 : i32
    %scan3A_227 = arith.addi %scan3A_225, %scan3A_226 : i32
    %scan3A_228 = arith.constant 1 : i32
    scf.for %scan3A_299 = %scan3A_225 to %scan3A_227 step %scan3A_228  : i32 {
      %mul3A_300 = arith.constant 4 : i32
      %mul3A_301 = arith.muli %mul3A_300, %scan3A_299 : i32
      %add3A = arith.constant 6 : i32
      %add3A_302 = arith.addi %mul3A_301, %add3A : i32
      %add3A_303 = arith.constant 0 : i32
      %add3A_304 = arith.addi %add3A_302, %add3A_303 : i32
      %dma_wait3A_305 = arith.constant 0 : i32
      %dma_wait3A_306 = tpu.memref_slice %arg7[%add3A_304, %dma_wait3A_305] : memref<200x100xi32, #tpu.memory_space<vmem>> -> memref<1x100xi32, #tpu.memory_space<vmem>>
      %dma_wait3A_307 = tpu.memref_squeeze %dma_wait3A_306 : memref<1x100xi32, #tpu.memory_space<vmem>> -> memref<100xi32, #tpu.memory_space<vmem>>
      %dma_wait3A_308 = arith.constant 0 : i32
      %dma_wait3A_309 = arith.constant 0 : i32
      %dma_wait3A_310 = tpu.memref_slice %arg20[%dma_wait3A_308, %dma_wait3A_309] : memref<10000x64xf32, #tpu.memory_space<vmem_shared>> -> memref<10000x64xf32, #tpu.memory_space<vmem_shared>>
      tpu.wait_indirect_dma semaphore(%arg16 : memref<!tpu.dma_semaphore, #tpu.memory_space<semaphore_mem>>) src(%arg8 : memref<100x64xf32, #tpu.memory_space<vmem>>) dst(%dma_wait3A_310 : memref<10000x64xf32, #tpu.memory_space<vmem_shared>>)
      %add3A_311 = arith.constant 2 : i32
      %add3A_312 = arith.addi %add3A_304, %add3A_311 : i32
      %dma_start3A_313 = arith.constant 0 : i32
      %dma_start3A_314 = tpu.memref_slice %arg6[%add3A_312, %dma_start3A_313] : memref<200x100xi32, #tpu.memory_space<vmem>> -> memref<1x100xi32, #tpu.memory_space<vmem>>
      %dma_start3A_315 = tpu.memref_squeeze %dma_start3A_314 : memref<1x100xi32, #tpu.memory_space<vmem>> -> memref<100xi32, #tpu.memory_space<vmem>>
      %dma_start3A_316 = arith.constant 0 : i32
      %dma_start3A_317 = arith.constant 0 : i32
      %dma_start3A_318 = tpu.memref_slice %arg2[%arg0, %dma_start3A_316, %dma_start3A_317] : memref<2x10000x64xf32, #tpu.memory_space<hbm>> -> memref<1x10000x64xf32, #tpu.memory_space<hbm>>
      %dma_start3A_319 = tpu.memref_squeeze %dma_start3A_318 : memref<1x10000x64xf32, #tpu.memory_space<hbm>> -> memref<10000x64xf32, #tpu.memory_space<hbm>>
      %dma_start3A_320 = arith.constant 0 : i32
      %dma_start3A_321 = arith.constant 0 : i32
      %dma_start3A_322 = tpu.memref_slice %dma_start3A_319[%dma_start3A_320, %dma_start3A_321] : memref<10000x64xf32, #tpu.memory_space<hbm>> -> memref<10000x64xf32, #tpu.memory_space<hbm>>
      tpu.enqueue_indirect_dma source(%dma_start3A_322 : memref<10000x64xf32, #tpu.memory_space<hbm>>) target(%arg8 : memref<100x64xf32, #tpu.memory_space<vmem>>) offsets(%dma_start3A_315 : memref<100xi32, #tpu.memory_space<vmem>>) semaphore(%arg12 : memref<!tpu.dma_semaphore, #tpu.memory_space<semaphore_mem>>)
      %dma_wait3A_323 = arith.constant 0 : i32
      %dma_wait3A_324 = tpu.memref_slice %arg6[%add3A_304, %dma_wait3A_323] : memref<200x100xi32, #tpu.memory_space<vmem>> -> memref<1x100xi32, #tpu.memory_space<vmem>>
      %dma_wait3A_325 = tpu.memref_squeeze %dma_wait3A_324 : memref<1x100xi32, #tpu.memory_space<vmem>> -> memref<100xi32, #tpu.memory_space<vmem>>
      %dma_wait3A_326 = arith.constant 0 : i32
      %dma_wait3A_327 = arith.constant 0 : i32
      %dma_wait3A_328 = tpu.memref_slice %arg2[%arg0, %dma_wait3A_326, %dma_wait3A_327] : memref<2x10000x64xf32, #tpu.memory_space<hbm>> -> memref<1x10000x64xf32, #tpu.memory_space<hbm>>
      %dma_wait3A_329 = tpu.memref_squeeze %dma_wait3A_328 : memref<1x10000x64xf32, #tpu.memory_space<hbm>> -> memref<10000x64xf32, #tpu.memory_space<hbm>>
      %dma_wait3A_330 = arith.constant 0 : i32
      %dma_wait3A_331 = arith.constant 0 : i32
      %dma_wait3A_332 = tpu.memref_slice %dma_wait3A_329[%dma_wait3A_330, %dma_wait3A_331] : memref<10000x64xf32, #tpu.memory_space<hbm>> -> memref<10000x64xf32, #tpu.memory_space<hbm>>
      tpu.wait_indirect_dma semaphore(%arg14 : memref<!tpu.dma_semaphore, #tpu.memory_space<semaphore_mem>>) src(%dma_wait3A_332 : memref<10000x64xf32, #tpu.memory_space<hbm>>) dst(%arg10 : memref<100x64xf32, #tpu.memory_space<vmem>>)
      %dma_start3A_333 = arith.constant 0 : i32
      %dma_start3A_334 = tpu.memref_slice %arg7[%add3A_304, %dma_start3A_333] : memref<200x100xi32, #tpu.memory_space<vmem>> -> memref<1x100xi32, #tpu.memory_space<vmem>>
      %dma_start3A_335 = tpu.memref_squeeze %dma_start3A_334 : memref<1x100xi32, #tpu.memory_space<vmem>> -> memref<100xi32, #tpu.memory_space<vmem>>
      %dma_start3A_336 = arith.constant 0 : i32
      %dma_start3A_337 = arith.constant 0 : i32
      %dma_start3A_338 = tpu.memref_slice %arg20[%dma_start3A_336, %dma_start3A_337] : memref<10000x64xf32, #tpu.memory_space<vmem_shared>> -> memref<10000x64xf32, #tpu.memory_space<vmem_shared>>
      tpu.enqueue_indirect_dma source(%arg10 : memref<100x64xf32, #tpu.memory_space<vmem>>) target(%dma_start3A_338 : memref<10000x64xf32, #tpu.memory_space<vmem_shared>>) offsets(%dma_start3A_335 : memref<100xi32, #tpu.memory_space<vmem>>) semaphore(%arg18 : memref<!tpu.dma_semaphore, #tpu.memory_space<semaphore_mem>>) {add = true}
      %add3A_339 = arith.constant 1 : i32
      %add3A_340 = arith.addi %add3A_302, %add3A_339 : i32
      %dma_wait3A_341 = arith.constant 0 : i32
      %dma_wait3A_342 = tpu.memref_slice %arg7[%add3A_340, %dma_wait3A_341] : memref<200x100xi32, #tpu.memory_space<vmem>> -> memref<1x100xi32, #tpu.memory_space<vmem>>
      %dma_wait3A_343 = tpu.memref_squeeze %dma_wait3A_342 : memref<1x100xi32, #tpu.memory_space<vmem>> -> memref<100xi32, #tpu.memory_space<vmem>>
      %dma_wait3A_344 = arith.constant 0 : i32
      %dma_wait3A_345 = arith.constant 0 : i32
      %dma_wait3A_346 = tpu.memref_slice %arg20[%dma_wait3A_344, %dma_wait3A_345] : memref<10000x64xf32, #tpu.memory_space<vmem_shared>> -> memref<10000x64xf32, #tpu.memory_space<vmem_shared>>
      tpu.wait_indirect_dma semaphore(%arg17 : memref<!tpu.dma_semaphore, #tpu.memory_space<semaphore_mem>>) src(%arg9 : memref<100x64xf32, #tpu.memory_space<vmem>>) dst(%dma_wait3A_346 : memref<10000x64xf32, #tpu.memory_space<vmem_shared>>)
      %add3A_347 = arith.constant 2 : i32
      %add3A_348 = arith.addi %add3A_340, %add3A_347 : i32
      %dma_start3A_349 = arith.constant 0 : i32
      %dma_start3A_350 = tpu.memref_slice %arg6[%add3A_348, %dma_start3A_349] : memref<200x100xi32, #tpu.memory_space<vmem>> -> memref<1x100xi32, #tpu.memory_space<vmem>>
      %dma_start3A_351 = tpu.memref_squeeze %dma_start3A_350 : memref<1x100xi32, #tpu.memory_space<vmem>> -> memref<100xi32, #tpu.memory_space<vmem>>
      %dma_start3A_352 = arith.constant 0 : i32
      %dma_start3A_353 = arith.constant 0 : i32
      %dma_start3A_354 = tpu.memref_slice %arg2[%arg0, %dma_start3A_352, %dma_start3A_353] : memref<2x10000x64xf32, #tpu.memory_space<hbm>> -> memref<1x10000x64xf32, #tpu.memory_space<hbm>>
      %dma_start3A_355 = tpu.memref_squeeze %dma_start3A_354 : memref<1x10000x64xf32, #tpu.memory_space<hbm>> -> memref<10000x64xf32, #tpu.memory_space<hbm>>
      %dma_start3A_356 = arith.constant 0 : i32
      %dma_start3A_357 = arith.constant 0 : i32
      %dma_start3A_358 = tpu.memref_slice %dma_start3A_355[%dma_start3A_356, %dma_start3A_357] : memref<10000x64xf32, #tpu.memory_space<hbm>> -> memref<10000x64xf32, #tpu.memory_space<hbm>>
      tpu.enqueue_indirect_dma source(%dma_start3A_358 : memref<10000x64xf32, #tpu.memory_space<hbm>>) target(%arg9 : memref<100x64xf32, #tpu.memory_space<vmem>>) offsets(%dma_start3A_351 : memref<100xi32, #tpu.memory_space<vmem>>) semaphore(%arg13 : memref<!tpu.dma_semaphore, #tpu.memory_space<semaphore_mem>>)
      %dma_wait3A_359 = arith.constant 0 : i32
      %dma_wait3A_360 = tpu.memref_slice %arg6[%add3A_340, %dma_wait3A_359] : memref<200x100xi32, #tpu.memory_space<vmem>> -> memref<1x100xi32, #tpu.memory_space<vmem>>
      %dma_wait3A_361 = tpu.memref_squeeze %dma_wait3A_360 : memref<1x100xi32, #tpu.memory_space<vmem>> -> memref<100xi32, #tpu.memory_space<vmem>>
      %dma_wait3A_362 = arith.constant 0 : i32
      %dma_wait3A_363 = arith.constant 0 : i32
      %dma_wait3A_364 = tpu.memref_slice %arg2[%arg0, %dma_wait3A_362, %dma_wait3A_363] : memref<2x10000x64xf32, #tpu.memory_space<hbm>> -> memref<1x10000x64xf32, #tpu.memory_space<hbm>>
      %dma_wait3A_365 = tpu.memref_squeeze %dma_wait3A_364 : memref<1x10000x64xf32, #tpu.memory_space<hbm>> -> memref<10000x64xf32, #tpu.memory_space<hbm>>
      %dma_wait3A_366 = arith.constant 0 : i32
      %dma_wait3A_367 = arith.constant 0 : i32
      %dma_wait3A_368 = tpu.memref_slice %dma_wait3A_365[%dma_wait3A_366, %dma_wait3A_367] : memref<10000x64xf32, #tpu.memory_space<hbm>> -> memref<10000x64xf32, #tpu.memory_space<hbm>>
      tpu.wait_indirect_dma semaphore(%arg15 : memref<!tpu.dma_semaphore, #tpu.memory_space<semaphore_mem>>) src(%dma_wait3A_368 : memref<10000x64xf32, #tpu.memory_space<hbm>>) dst(%arg11 : memref<100x64xf32, #tpu.memory_space<vmem>>)
      %dma_start3A_369 = arith.constant 0 : i32
      %dma_start3A_370 = tpu.memref_slice %arg7[%add3A_340, %dma_start3A_369] : memref<200x100xi32, #tpu.memory_space<vmem>> -> memref<1x100xi32, #tpu.memory_space<vmem>>
      %dma_start3A_371 = tpu.memref_squeeze %dma_start3A_370 : memref<1x100xi32, #tpu.memory_space<vmem>> -> memref<100xi32, #tpu.memory_space<vmem>>
      %dma_start3A_372 = arith.constant 0 : i32
      %dma_start3A_373 = arith.constant 0 : i32
      %dma_start3A_374 = tpu.memref_slice %arg20[%dma_start3A_372, %dma_start3A_373] : memref<10000x64xf32, #tpu.memory_space<vmem_shared>> -> memref<10000x64xf32, #tpu.memory_space<vmem_shared>>
      tpu.enqueue_indirect_dma source(%arg11 : memref<100x64xf32, #tpu.memory_space<vmem>>) target(%dma_start3A_374 : memref<10000x64xf32, #tpu.memory_space<vmem_shared>>) offsets(%dma_start3A_371 : memref<100xi32, #tpu.memory_space<vmem>>) semaphore(%arg19 : memref<!tpu.dma_semaphore, #tpu.memory_space<semaphore_mem>>) {add = true}
      %add3A_375 = arith.constant 2 : i32
      %add3A_376 = arith.addi %add3A_302, %add3A_375 : i32
      %dma_wait3A_377 = arith.constant 0 : i32
      %dma_wait3A_378 = tpu.memref_slice %arg7[%add3A_376, %dma_wait3A_377] : memref<200x100xi32, #tpu.memory_space<vmem>> -> memref<1x100xi32, #tpu.memory_space<vmem>>
      %dma_wait3A_379 = tpu.memref_squeeze %dma_wait3A_378 : memref<1x100xi32, #tpu.memory_space<vmem>> -> memref<100xi32, #tpu.memory_space<vmem>>
      %dma_wait3A_380 = arith.constant 0 : i32
      %dma_wait3A_381 = arith.constant 0 : i32
      %dma_wait3A_382 = tpu.memref_slice %arg20[%dma_wait3A_380, %dma_wait3A_381] : memref<10000x64xf32, #tpu.memory_space<vmem_shared>> -> memref<10000x64xf32, #tpu.memory_space<vmem_shared>>
      tpu.wait_indirect_dma semaphore(%arg18 : memref<!tpu.dma_semaphore, #tpu.memory_space<semaphore_mem>>) src(%arg10 : memref<100x64xf32, #tpu.memory_space<vmem>>) dst(%dma_wait3A_382 : memref<10000x64xf32, #tpu.memory_space<vmem_shared>>)
      %add3A_383 = arith.constant 2 : i32
      %add3A_384 = arith.addi %add3A_376, %add3A_383 : i32
      %dma_start3A_385 = arith.constant 0 : i32
      %dma_start3A_386 = tpu.memref_slice %arg6[%add3A_384, %dma_start3A_385] : memref<200x100xi32, #tpu.memory_space<vmem>> -> memref<1x100xi32, #tpu.memory_space<vmem>>
      %dma_start3A_387 = tpu.memref_squeeze %dma_start3A_386 : memref<1x100xi32, #tpu.memory_space<vmem>> -> memref<100xi32, #tpu.memory_space<vmem>>
      %dma_start3A_388 = arith.constant 0 : i32
      %dma_start3A_389 = arith.constant 0 : i32
      %dma_start3A_390 = tpu.memref_slice %arg2[%arg0, %dma_start3A_388, %dma_start3A_389] : memref<2x10000x64xf32, #tpu.memory_space<hbm>> -> memref<1x10000x64xf32, #tpu.memory_space<hbm>>
      %dma_start3A_391 = tpu.memref_squeeze %dma_start3A_390 : memref<1x10000x64xf32, #tpu.memory_space<hbm>> -> memref<10000x64xf32, #tpu.memory_space<hbm>>
      %dma_start3A_392 = arith.constant 0 : i32
      %dma_start3A_393 = arith.constant 0 : i32
      %dma_start3A_394 = tpu.memref_slice %dma_start3A_391[%dma_start3A_392, %dma_start3A_393] : memref<10000x64xf32, #tpu.memory_space<hbm>> -> memref<10000x64xf32, #tpu.memory_space<hbm>>
      tpu.enqueue_indirect_dma source(%dma_start3A_394 : memref<10000x64xf32, #tpu.memory_space<hbm>>) target(%arg10 : memref<100x64xf32, #tpu.memory_space<vmem>>) offsets(%dma_start3A_387 : memref<100xi32, #tpu.memory_space<vmem>>) semaphore(%arg14 : memref<!tpu.dma_semaphore, #tpu.memory_space<semaphore_mem>>)
      %dma_wait3A_395 = arith.constant 0 : i32
      %dma_wait3A_396 = tpu.memref_slice %arg6[%add3A_376, %dma_wait3A_395] : memref<200x100xi32, #tpu.memory_space<vmem>> -> memref<1x100xi32, #tpu.memory_space<vmem>>
      %dma_wait3A_397 = tpu.memref_squeeze %dma_wait3A_396 : memref<1x100xi32, #tpu.memory_space<vmem>> -> memref<100xi32, #tpu.memory_space<vmem>>
      %dma_wait3A_398 = arith.constant 0 : i32
      %dma_wait3A_399 = arith.constant 0 : i32
      %dma_wait3A_400 = tpu.memref_slice %arg2[%arg0, %dma_wait3A_398, %dma_wait3A_399] : memref<2x10000x64xf32, #tpu.memory_space<hbm>> -> memref<1x10000x64xf32, #tpu.memory_space<hbm>>
      %dma_wait3A_401 = tpu.memref_squeeze %dma_wait3A_400 : memref<1x10000x64xf32, #tpu.memory_space<hbm>> -> memref<10000x64xf32, #tpu.memory_space<hbm>>
      %dma_wait3A_402 = arith.constant 0 : i32
      %dma_wait3A_403 = arith.constant 0 : i32
      %dma_wait3A_404 = tpu.memref_slice %dma_wait3A_401[%dma_wait3A_402, %dma_wait3A_403] : memref<10000x64xf32, #tpu.memory_space<hbm>> -> memref<10000x64xf32, #tpu.memory_space<hbm>>
      tpu.wait_indirect_dma semaphore(%arg12 : memref<!tpu.dma_semaphore, #tpu.memory_space<semaphore_mem>>) src(%dma_wait3A_404 : memref<10000x64xf32, #tpu.memory_space<hbm>>) dst(%arg8 : memref<100x64xf32, #tpu.memory_space<vmem>>)
      %dma_start3A_405 = arith.constant 0 : i32
      %dma_start3A_406 = tpu.memref_slice %arg7[%add3A_376, %dma_start3A_405] : memref<200x100xi32, #tpu.memory_space<vmem>> -> memref<1x100xi32, #tpu.memory_space<vmem>>
      %dma_start3A_407 = tpu.memref_squeeze %dma_start3A_406 : memref<1x100xi32, #tpu.memory_space<vmem>> -> memref<100xi32, #tpu.memory_space<vmem>>
      %dma_start3A_408 = arith.constant 0 : i32
      %dma_start3A_409 = arith.constant 0 : i32
      %dma_start3A_410 = tpu.memref_slice %arg20[%dma_start3A_408, %dma_start3A_409] : memref<10000x64xf32, #tpu.memory_space<vmem_shared>> -> memref<10000x64xf32, #tpu.memory_space<vmem_shared>>
      tpu.enqueue_indirect_dma source(%arg8 : memref<100x64xf32, #tpu.memory_space<vmem>>) target(%dma_start3A_410 : memref<10000x64xf32, #tpu.memory_space<vmem_shared>>) offsets(%dma_start3A_407 : memref<100xi32, #tpu.memory_space<vmem>>) semaphore(%arg16 : memref<!tpu.dma_semaphore, #tpu.memory_space<semaphore_mem>>) {add = true}
      %add3A_411 = arith.constant 3 : i32
      %add3A_412 = arith.addi %add3A_302, %add3A_411 : i32
      %dma_wait3A_413 = arith.constant 0 : i32
      %dma_wait3A_414 = tpu.memref_slice %arg7[%add3A_412, %dma_wait3A_413] : memref<200x100xi32, #tpu.memory_space<vmem>> -> memref<1x100xi32, #tpu.memory_space<vmem>>
      %dma_wait3A_415 = tpu.memref_squeeze %dma_wait3A_414 : memref<1x100xi32, #tpu.memory_space<vmem>> -> memref<100xi32, #tpu.memory_space<vmem>>
      %dma_wait3A_416 = arith.constant 0 : i32
      %dma_wait3A_417 = arith.constant 0 : i32
      %dma_wait3A_418 = tpu.memref_slice %arg20[%dma_wait3A_416, %dma_wait3A_417] : memref<10000x64xf32, #tpu.memory_space<vmem_shared>> -> memref<10000x64xf32, #tpu.memory_space<vmem_shared>>
      tpu.wait_indirect_dma semaphore(%arg19 : memref<!tpu.dma_semaphore, #tpu.memory_space<semaphore_mem>>) src(%arg11 : memref<100x64xf32, #tpu.memory_space<vmem>>) dst(%dma_wait3A_418 : memref<10000x64xf32, #tpu.memory_space<vmem_shared>>)
      %add3A_419 = arith.constant 2 : i32
      %add3A_420 = arith.addi %add3A_412, %add3A_419 : i32
      %dma_start3A_421 = arith.constant 0 : i32
      %dma_start3A_422 = tpu.memref_slice %arg6[%add3A_420, %dma_start3A_421] : memref<200x100xi32, #tpu.memory_space<vmem>> -> memref<1x100xi32, #tpu.memory_space<vmem>>
      %dma_start3A_423 = tpu.memref_squeeze %dma_start3A_422 : memref<1x100xi32, #tpu.memory_space<vmem>> -> memref<100xi32, #tpu.memory_space<vmem>>
      %dma_start3A_424 = arith.constant 0 : i32
      %dma_start3A_425 = arith.constant 0 : i32
      %dma_start3A_426 = tpu.memref_slice %arg2[%arg0, %dma_start3A_424, %dma_start3A_425] : memref<2x10000x64xf32, #tpu.memory_space<hbm>> -> memref<1x10000x64xf32, #tpu.memory_space<hbm>>
      %dma_start3A_427 = tpu.memref_squeeze %dma_start3A_426 : memref<1x10000x64xf32, #tpu.memory_space<hbm>> -> memref<10000x64xf32, #tpu.memory_space<hbm>>
      %dma_start3A_428 = arith.constant 0 : i32
      %dma_start3A_429 = arith.constant 0 : i32
      %dma_start3A_430 = tpu.memref_slice %dma_start3A_427[%dma_start3A_428, %dma_start3A_429] : memref<10000x64xf32, #tpu.memory_space<hbm>> -> memref<10000x64xf32, #tpu.memory_space<hbm>>
      tpu.enqueue_indirect_dma source(%dma_start3A_430 : memref<10000x64xf32, #tpu.memory_space<hbm>>) target(%arg11 : memref<100x64xf32, #tpu.memory_space<vmem>>) offsets(%dma_start3A_423 : memref<100xi32, #tpu.memory_space<vmem>>) semaphore(%arg15 : memref<!tpu.dma_semaphore, #tpu.memory_space<semaphore_mem>>)
      %dma_wait3A_431 = arith.constant 0 : i32
      %dma_wait3A_432 = tpu.memref_slice %arg6[%add3A_412, %dma_wait3A_431] : memref<200x100xi32, #tpu.memory_space<vmem>> -> memref<1x100xi32, #tpu.memory_space<vmem>>
      %dma_wait3A_433 = tpu.memref_squeeze %dma_wait3A_432 : memref<1x100xi32, #tpu.memory_space<vmem>> -> memref<100xi32, #tpu.memory_space<vmem>>
      %dma_wait3A_434 = arith.constant 0 : i32
      %dma_wait3A_435 = arith.constant 0 : i32
      %dma_wait3A_436 = tpu.memref_slice %arg2[%arg0, %dma_wait3A_434, %dma_wait3A_435] : memref<2x10000x64xf32, #tpu.memory_space<hbm>> -> memref<1x10000x64xf32, #tpu.memory_space<hbm>>
      %dma_wait3A_437 = tpu.memref_squeeze %dma_wait3A_436 : memref<1x10000x64xf32, #tpu.memory_space<hbm>> -> memref<10000x64xf32, #tpu.memory_space<hbm>>
      %dma_wait3A_438 = arith.constant 0 : i32
      %dma_wait3A_439 = arith.constant 0 : i32
      %dma_wait3A_440 = tpu.memref_slice %dma_wait3A_437[%dma_wait3A_438, %dma_wait3A_439] : memref<10000x64xf32, #tpu.memory_space<hbm>> -> memref<10000x64xf32, #tpu.memory_space<hbm>>
      tpu.wait_indirect_dma semaphore(%arg13 : memref<!tpu.dma_semaphore, #tpu.memory_space<semaphore_mem>>) src(%dma_wait3A_440 : memref<10000x64xf32, #tpu.memory_space<hbm>>) dst(%arg9 : memref<100x64xf32, #tpu.memory_space<vmem>>)
      %dma_start3A_441 = arith.constant 0 : i32
      %dma_start3A_442 = tpu.memref_slice %arg7[%add3A_412, %dma_start3A_441] : memref<200x100xi32, #tpu.memory_space<vmem>> -> memref<1x100xi32, #tpu.memory_space<vmem>>
      %dma_start3A_443 = tpu.memref_squeeze %dma_start3A_442 : memref<1x100xi32, #tpu.memory_space<vmem>> -> memref<100xi32, #tpu.memory_space<vmem>>
      %dma_start3A_444 = arith.constant 0 : i32
      %dma_start3A_445 = arith.constant 0 : i32
      %dma_start3A_446 = tpu.memref_slice %arg20[%dma_start3A_444, %dma_start3A_445] : memref<10000x64xf32, #tpu.memory_space<vmem_shared>> -> memref<10000x64xf32, #tpu.memory_space<vmem_shared>>
      tpu.enqueue_indirect_dma source(%arg9 : memref<100x64xf32, #tpu.memory_space<vmem>>) target(%dma_start3A_446 : memref<10000x64xf32, #tpu.memory_space<vmem_shared>>) offsets(%dma_start3A_443 : memref<100xi32, #tpu.memory_space<vmem>>) semaphore(%arg17 : memref<!tpu.dma_semaphore, #tpu.memory_space<semaphore_mem>>) {add = true}
    }
    %scan3A_229 = arith.constant 48 : i32
    %dma_wait3A_230 = arith.constant 198 : i32
    %dma_wait3A_231 = arith.constant 0 : i32
    %dma_wait3A_232 = tpu.memref_slice %arg6[%dma_wait3A_230, %dma_wait3A_231] : memref<200x100xi32, #tpu.memory_space<vmem>> -> memref<1x100xi32, #tpu.memory_space<vmem>>
    %dma_wait3A_233 = tpu.memref_squeeze %dma_wait3A_232 : memref<1x100xi32, #tpu.memory_space<vmem>> -> memref<100xi32, #tpu.memory_space<vmem>>
    %dma_wait3A_234 = arith.constant 0 : i32
    %dma_wait3A_235 = arith.constant 0 : i32
    %dma_wait3A_236 = tpu.memref_slice %arg2[%arg0, %dma_wait3A_234, %dma_wait3A_235] : memref<2x10000x64xf32, #tpu.memory_space<hbm>> -> memref<1x10000x64xf32, #tpu.memory_space<hbm>>
    %dma_wait3A_237 = tpu.memref_squeeze %dma_wait3A_236 : memref<1x10000x64xf32, #tpu.memory_space<hbm>> -> memref<10000x64xf32, #tpu.memory_space<hbm>>
    %dma_wait3A_238 = arith.constant 0 : i32
    %dma_wait3A_239 = arith.constant 0 : i32
    %dma_wait3A_240 = tpu.memref_slice %dma_wait3A_237[%dma_wait3A_238, %dma_wait3A_239] : memref<10000x64xf32, #tpu.memory_space<hbm>> -> memref<10000x64xf32, #tpu.memory_space<hbm>>
    tpu.wait_indirect_dma semaphore(%arg14 : memref<!tpu.dma_semaphore, #tpu.memory_space<semaphore_mem>>) src(%dma_wait3A_240 : memref<10000x64xf32, #tpu.memory_space<hbm>>) dst(%arg10 : memref<100x64xf32, #tpu.memory_space<vmem>>)
    %dma_start3A_241 = arith.constant 198 : i32
    %dma_start3A_242 = arith.constant 0 : i32
    %dma_start3A_243 = tpu.memref_slice %arg7[%dma_start3A_241, %dma_start3A_242] : memref<200x100xi32, #tpu.memory_space<vmem>> -> memref<1x100xi32, #tpu.memory_space<vmem>>
    %dma_start3A_244 = tpu.memref_squeeze %dma_start3A_243 : memref<1x100xi32, #tpu.memory_space<vmem>> -> memref<100xi32, #tpu.memory_space<vmem>>
    %dma_start3A_245 = arith.constant 0 : i32
    %dma_start3A_246 = arith.constant 0 : i32
    %dma_start3A_247 = tpu.memref_slice %arg20[%dma_start3A_245, %dma_start3A_246] : memref<10000x64xf32, #tpu.memory_space<vmem_shared>> -> memref<10000x64xf32, #tpu.memory_space<vmem_shared>>
    tpu.enqueue_indirect_dma source(%arg10 : memref<100x64xf32, #tpu.memory_space<vmem>>) target(%dma_start3A_247 : memref<10000x64xf32, #tpu.memory_space<vmem_shared>>) offsets(%dma_start3A_244 : memref<100xi32, #tpu.memory_space<vmem>>) semaphore(%arg18 : memref<!tpu.dma_semaphore, #tpu.memory_space<semaphore_mem>>) {add = true}
    %dma_wait3A_248 = arith.constant 199 : i32
    %dma_wait3A_249 = arith.constant 0 : i32
    %dma_wait3A_250 = tpu.memref_slice %arg6[%dma_wait3A_248, %dma_wait3A_249] : memref<200x100xi32, #tpu.memory_space<vmem>> -> memref<1x100xi32, #tpu.memory_space<vmem>>
    %dma_wait3A_251 = tpu.memref_squeeze %dma_wait3A_250 : memref<1x100xi32, #tpu.memory_space<vmem>> -> memref<100xi32, #tpu.memory_space<vmem>>
    %dma_wait3A_252 = arith.constant 0 : i32
    %dma_wait3A_253 = arith.constant 0 : i32
    %dma_wait3A_254 = tpu.memref_slice %arg2[%arg0, %dma_wait3A_252, %dma_wait3A_253] : memref<2x10000x64xf32, #tpu.memory_space<hbm>> -> memref<1x10000x64xf32, #tpu.memory_space<hbm>>
    %dma_wait3A_255 = tpu.memref_squeeze %dma_wait3A_254 : memref<1x10000x64xf32, #tpu.memory_space<hbm>> -> memref<10000x64xf32, #tpu.memory_space<hbm>>
    %dma_wait3A_256 = arith.constant 0 : i32
    %dma_wait3A_257 = arith.constant 0 : i32
    %dma_wait3A_258 = tpu.memref_slice %dma_wait3A_255[%dma_wait3A_256, %dma_wait3A_257] : memref<10000x64xf32, #tpu.memory_space<hbm>> -> memref<10000x64xf32, #tpu.memory_space<hbm>>
    tpu.wait_indirect_dma semaphore(%arg15 : memref<!tpu.dma_semaphore, #tpu.memory_space<semaphore_mem>>) src(%dma_wait3A_258 : memref<10000x64xf32, #tpu.memory_space<hbm>>) dst(%arg11 : memref<100x64xf32, #tpu.memory_space<vmem>>)
    %dma_start3A_259 = arith.constant 199 : i32
    %dma_start3A_260 = arith.constant 0 : i32
    %dma_start3A_261 = tpu.memref_slice %arg7[%dma_start3A_259, %dma_start3A_260] : memref<200x100xi32, #tpu.memory_space<vmem>> -> memref<1x100xi32, #tpu.memory_space<vmem>>
    %dma_start3A_262 = tpu.memref_squeeze %dma_start3A_261 : memref<1x100xi32, #tpu.memory_space<vmem>> -> memref<100xi32, #tpu.memory_space<vmem>>
    %dma_start3A_263 = arith.constant 0 : i32
    %dma_start3A_264 = arith.constant 0 : i32
    %dma_start3A_265 = tpu.memref_slice %arg20[%dma_start3A_263, %dma_start3A_264] : memref<10000x64xf32, #tpu.memory_space<vmem_shared>> -> memref<10000x64xf32, #tpu.memory_space<vmem_shared>>
    tpu.enqueue_indirect_dma source(%arg11 : memref<100x64xf32, #tpu.memory_space<vmem>>) target(%dma_start3A_265 : memref<10000x64xf32, #tpu.memory_space<vmem_shared>>) offsets(%dma_start3A_262 : memref<100xi32, #tpu.memory_space<vmem>>) semaphore(%arg19 : memref<!tpu.dma_semaphore, #tpu.memory_space<semaphore_mem>>) {add = true}
    %dma_wait3A_266 = arith.constant 196 : i32
    %dma_wait3A_267 = arith.constant 0 : i32
    %dma_wait3A_268 = tpu.memref_slice %arg7[%dma_wait3A_266, %dma_wait3A_267] : memref<200x100xi32, #tpu.memory_space<vmem>> -> memref<1x100xi32, #tpu.memory_space<vmem>>
    %dma_wait3A_269 = tpu.memref_squeeze %dma_wait3A_268 : memref<1x100xi32, #tpu.memory_space<vmem>> -> memref<100xi32, #tpu.memory_space<vmem>>
    %dma_wait3A_270 = arith.constant 0 : i32
    %dma_wait3A_271 = arith.constant 0 : i32
    %dma_wait3A_272 = tpu.memref_slice %arg20[%dma_wait3A_270, %dma_wait3A_271] : memref<10000x64xf32, #tpu.memory_space<vmem_shared>> -> memref<10000x64xf32, #tpu.memory_space<vmem_shared>>
    tpu.wait_indirect_dma semaphore(%arg16 : memref<!tpu.dma_semaphore, #tpu.memory_space<semaphore_mem>>) src(%arg8 : memref<100x64xf32, #tpu.memory_space<vmem>>) dst(%dma_wait3A_272 : memref<10000x64xf32, #tpu.memory_space<vmem_shared>>)
    %dma_wait3A_273 = arith.constant 197 : i32
    %dma_wait3A_274 = arith.constant 0 : i32
    %dma_wait3A_275 = tpu.memref_slice %arg7[%dma_wait3A_273, %dma_wait3A_274] : memref<200x100xi32, #tpu.memory_space<vmem>> -> memref<1x100xi32, #tpu.memory_space<vmem>>
    %dma_wait3A_276 = tpu.memref_squeeze %dma_wait3A_275 : memref<1x100xi32, #tpu.memory_space<vmem>> -> memref<100xi32, #tpu.memory_space<vmem>>
    %dma_wait3A_277 = arith.constant 0 : i32
    %dma_wait3A_278 = arith.constant 0 : i32
    %dma_wait3A_279 = tpu.memref_slice %arg20[%dma_wait3A_277, %dma_wait3A_278] : memref<10000x64xf32, #tpu.memory_space<vmem_shared>> -> memref<10000x64xf32, #tpu.memory_space<vmem_shared>>
    tpu.wait_indirect_dma semaphore(%arg17 : memref<!tpu.dma_semaphore, #tpu.memory_space<semaphore_mem>>) src(%arg9 : memref<100x64xf32, #tpu.memory_space<vmem>>) dst(%dma_wait3A_279 : memref<10000x64xf32, #tpu.memory_space<vmem_shared>>)
    %dma_wait3A_280 = arith.constant 198 : i32
    %dma_wait3A_281 = arith.constant 0 : i32
    %dma_wait3A_282 = tpu.memref_slice %arg7[%dma_wait3A_280, %dma_wait3A_281] : memref<200x100xi32, #tpu.memory_space<vmem>> -> memref<1x100xi32, #tpu.memory_space<vmem>>
    %dma_wait3A_283 = tpu.memref_squeeze %dma_wait3A_282 : memref<1x100xi32, #tpu.memory_space<vmem>> -> memref<100xi32, #tpu.memory_space<vmem>>
    %dma_wait3A_284 = arith.constant 0 : i32
    %dma_wait3A_285 = arith.constant 0 : i32
    %dma_wait3A_286 = tpu.memref_slice %arg20[%dma_wait3A_284, %dma_wait3A_285] : memref<10000x64xf32, #tpu.memory_space<vmem_shared>> -> memref<10000x64xf32, #tpu.memory_space<vmem_shared>>
    tpu.wait_indirect_dma semaphore(%arg18 : memref<!tpu.dma_semaphore, #tpu.memory_space<semaphore_mem>>) src(%arg10 : memref<100x64xf32, #tpu.memory_space<vmem>>) dst(%dma_wait3A_286 : memref<10000x64xf32, #tpu.memory_space<vmem_shared>>)
    %dma_wait3A_287 = arith.constant 199 : i32
    %dma_wait3A_288 = arith.constant 0 : i32
    %dma_wait3A_289 = tpu.memref_slice %arg7[%dma_wait3A_287, %dma_wait3A_288] : memref<200x100xi32, #tpu.memory_space<vmem>> -> memref<1x100xi32, #tpu.memory_space<vmem>>
    %dma_wait3A_290 = tpu.memref_squeeze %dma_wait3A_289 : memref<1x100xi32, #tpu.memory_space<vmem>> -> memref<100xi32, #tpu.memory_space<vmem>>
    %dma_wait3A_291 = arith.constant 0 : i32
    %dma_wait3A_292 = arith.constant 0 : i32
    %dma_wait3A_293 = tpu.memref_slice %arg20[%dma_wait3A_291, %dma_wait3A_292] : memref<10000x64xf32, #tpu.memory_space<vmem_shared>> -> memref<10000x64xf32, #tpu.memory_space<vmem_shared>>
    tpu.wait_indirect_dma semaphore(%arg19 : memref<!tpu.dma_semaphore, #tpu.memory_space<semaphore_mem>>) src(%arg11 : memref<100x64xf32, #tpu.memory_space<vmem>>) dst(%dma_wait3A_293 : memref<10000x64xf32, #tpu.memory_space<vmem_shared>>)
    %barrier3A_294 = arith.constant 0 : index
    tpu.barrier barrier_id(%barrier3A_294)
    %mul3A_295 = arith.constant 625 : i32
    %mul3A_296 = arith.muli %arg1, %mul3A_295 : i32
    %mul3A_297 = arith.constant 625 : i32
    %mul3A_298 = arith.muli %arg1, %mul3A_297 : i32
    "tpu.region"() ({
      %run_scoped3A = tpu.sem_alloc : memref<!tpu.dma_semaphore, #tpu.memory_space<semaphore_mem>>
      %dma_start3A_299 = arith.constant 0 : i32
      %dma_start3A_300 = tpu.memref_slice %arg5[%arg0, %mul3A_298, %dma_start3A_299] : memref<2x10000x64xf32, #tpu.memory_space<hbm>> -> memref<1x625x64xf32, #tpu.memory_space<hbm>>
      %dma_start3A_301 = tpu.memref_squeeze %dma_start3A_300 : memref<1x625x64xf32, #tpu.memory_space<hbm>> -> memref<625x64xf32, #tpu.memory_space<hbm>>
      %dma_start3A_302 = arith.constant 0 : i32
      %dma_start3A_303 = tpu.memref_slice %arg20[%mul3A_296, %dma_start3A_302] : memref<10000x64xf32, #tpu.memory_space<vmem_shared>> -> memref<625x64xf32, #tpu.memory_space<vmem_shared>>
      tpu.enqueue_dma source(%dma_start3A_303 : memref<625x64xf32, #tpu.memory_space<vmem_shared>>) target(%dma_start3A_301 : memref<625x64xf32, #tpu.memory_space<hbm>>) target_semaphore(%run_scoped3A : memref<!tpu.dma_semaphore, #tpu.memory_space<semaphore_mem>>)
      %dma_wait3A_304 = arith.constant 0 : i32
      %dma_wait3A_305 = tpu.memref_slice %arg5[%arg0, %mul3A_298, %dma_wait3A_304] : memref<2x10000x64xf32, #tpu.memory_space<hbm>> -> memref<1x625x64xf32, #tpu.memory_space<hbm>>
      %dma_wait3A_306 = tpu.memref_squeeze %dma_wait3A_305 : memref<1x625x64xf32, #tpu.memory_space<hbm>> -> memref<625x64xf32, #tpu.memory_space<hbm>>
      %dma_wait3A_307 = arith.constant 0 : i32
      %dma_wait3A_308 = tpu.memref_slice %arg20[%mul3A_296, %dma_wait3A_307] : memref<10000x64xf32, #tpu.memory_space<vmem_shared>> -> memref<625x64xf32, #tpu.memory_space<vmem_shared>>
      tpu.wait_dma2 semaphore(%run_scoped3A : memref<!tpu.dma_semaphore, #tpu.memory_space<semaphore_mem>>) src(%dma_wait3A_308 : memref<625x64xf32, #tpu.memory_space<vmem_shared>>) dst(%dma_wait3A_306 : memref<625x64xf32, #tpu.memory_space<hbm>>)
      tpu.yield
    }) : () -> ()
    return
  }
}

#map = affine_map<(d0, d1) -> (0, 0, 0)>
#map1 = affine_map<(d0, d1) -> (0, 0)>
module attributes {stable_mosaic.version = 14 : i64} {
  func.func @_deg_body(%arg0: i32, %arg1: i32, %arg2: memref<32x250x40xi32, #tpu.memory_space<hbm>>, %arg3: memref<625x16xf32, #tpu.memory_space<hbm>>, %arg4: memref<2x10000x16xf32, #tpu.memory_space<hbm>>, %arg5: memref<250x40xi32, #tpu.memory_space<vmem>>, %arg6: memref<40x16xf32, #tpu.memory_space<vmem>>, %arg7: memref<!tpu.dma_semaphore, #tpu.memory_space<semaphore_mem>>, %arg8: memref<!tpu.dma_semaphore, #tpu.memory_space<semaphore_mem>>, %arg9: memref<10000x16xf32, #tpu.memory_space<vmem_shared>>) attributes {dimension_semantics = [#tpu.dimension_semantics<core_parallel>, #tpu.dimension_semantics<subcore_parallel>], iteration_bounds = array<i64: 2, 16>, scalar_prefetch = 0 : i64, scratch_operands = 5 : i64, tpu.core_type = #tpu.core_type<sc_vector_subcore>, window_params = [{transform_indices = #map}, {transform_indices = #map1}, {transform_indices = #map}]} {
    %mul3A = arith.constant 16 : i32
    %mul3A_0 = arith.muli %arg0, %mul3A : i32
    %add3A = arith.addi %mul3A_0, %arg1 : i32
    %mul3A_1 = arith.constant 625 : i32
    %mul3A_2 = arith.muli %arg1, %mul3A_1 : i32
    "tpu.region"() ({
      %run_scoped3A = tpu.sem_alloc : memref<!tpu.dma_semaphore, #tpu.memory_space<semaphore_mem>>
      %dma_start3A_39 = arith.constant 0 : i32
      %dma_start3A_40 = tpu.memref_slice %arg9[%mul3A_2, %dma_start3A_39] : memref<10000x16xf32, #tpu.memory_space<vmem_shared>> -> memref<625x16xf32, #tpu.memory_space<vmem_shared>>
      tpu.enqueue_dma source(%arg3 : memref<625x16xf32, #tpu.memory_space<hbm>>) target(%dma_start3A_40 : memref<625x16xf32, #tpu.memory_space<vmem_shared>>) target_semaphore(%run_scoped3A : memref<!tpu.dma_semaphore, #tpu.memory_space<semaphore_mem>>)
      %dma_wait3A_41 = arith.constant 0 : i32
      %dma_wait3A_42 = tpu.memref_slice %arg9[%mul3A_2, %dma_wait3A_41] : memref<10000x16xf32, #tpu.memory_space<vmem_shared>> -> memref<625x16xf32, #tpu.memory_space<vmem_shared>>
      tpu.wait_dma2 semaphore(%run_scoped3A : memref<!tpu.dma_semaphore, #tpu.memory_space<semaphore_mem>>) src(%arg3 : memref<625x16xf32, #tpu.memory_space<hbm>>) dst(%dma_wait3A_42 : memref<625x16xf32, #tpu.memory_space<vmem_shared>>)
      tpu.yield
    }) : () -> ()
    "tpu.region"() ({
      %run_scoped3A = tpu.sem_alloc : memref<!tpu.dma_semaphore, #tpu.memory_space<semaphore_mem>>
      %dma_start3A_39 = arith.constant 0 : i32
      %dma_start3A_40 = arith.constant 0 : i32
      %dma_start3A_41 = tpu.memref_slice %arg2[%add3A, %dma_start3A_39, %dma_start3A_40] : memref<32x250x40xi32, #tpu.memory_space<hbm>> -> memref<1x250x40xi32, #tpu.memory_space<hbm>>
      %dma_start3A_42 = tpu.memref_squeeze %dma_start3A_41 : memref<1x250x40xi32, #tpu.memory_space<hbm>> -> memref<250x40xi32, #tpu.memory_space<hbm>>
      %dma_start3A_43 = arith.constant 0 : i32
      %dma_start3A_44 = arith.constant 0 : i32
      %dma_start3A_45 = tpu.memref_slice %arg2[%add3A, %dma_start3A_43, %dma_start3A_44] : memref<32x250x40xi32, #tpu.memory_space<hbm>> -> memref<1x250x40xi32, #tpu.memory_space<hbm>>
      %dma_start3A_46 = tpu.memref_squeeze %dma_start3A_45 : memref<1x250x40xi32, #tpu.memory_space<hbm>> -> memref<250x40xi32, #tpu.memory_space<hbm>>
      tpu.enqueue_dma source(%dma_start3A_46 : memref<250x40xi32, #tpu.memory_space<hbm>>) target(%arg5 : memref<250x40xi32, #tpu.memory_space<vmem>>) target_semaphore(%run_scoped3A : memref<!tpu.dma_semaphore, #tpu.memory_space<semaphore_mem>>)
      %dma_wait3A_47 = arith.constant 0 : i32
      %dma_wait3A_48 = arith.constant 0 : i32
      %dma_wait3A_49 = tpu.memref_slice %arg2[%add3A, %dma_wait3A_47, %dma_wait3A_48] : memref<32x250x40xi32, #tpu.memory_space<hbm>> -> memref<1x250x40xi32, #tpu.memory_space<hbm>>
      %dma_wait3A_50 = tpu.memref_squeeze %dma_wait3A_49 : memref<1x250x40xi32, #tpu.memory_space<hbm>> -> memref<250x40xi32, #tpu.memory_space<hbm>>
      %dma_wait3A_51 = arith.constant 0 : i32
      %dma_wait3A_52 = arith.constant 0 : i32
      %dma_wait3A_53 = tpu.memref_slice %arg2[%add3A, %dma_wait3A_51, %dma_wait3A_52] : memref<32x250x40xi32, #tpu.memory_space<hbm>> -> memref<1x250x40xi32, #tpu.memory_space<hbm>>
      %dma_wait3A_54 = tpu.memref_squeeze %dma_wait3A_53 : memref<1x250x40xi32, #tpu.memory_space<hbm>> -> memref<250x40xi32, #tpu.memory_space<hbm>>
      tpu.wait_dma2 semaphore(%run_scoped3A : memref<!tpu.dma_semaphore, #tpu.memory_space<semaphore_mem>>) src(%dma_wait3A_54 : memref<250x40xi32, #tpu.memory_space<hbm>>) dst(%arg5 : memref<250x40xi32, #tpu.memory_space<vmem>>)
      tpu.yield
    }) : () -> ()
    "tpu.region"() ({
      %run_scoped3A = tpu.sem_alloc : memref<!tpu.dma_semaphore, #tpu.memory_space<semaphore_mem>>
      %dma_start3A_39 = arith.constant 0 : i32
      %dma_start3A_40 = arith.constant 0 : i32
      %dma_start3A_41 = tpu.memref_slice %arg3[%dma_start3A_39, %dma_start3A_40] : memref<625x16xf32, #tpu.memory_space<hbm>> -> memref<40x16xf32, #tpu.memory_space<hbm>>
      %dma_start3A_42 = arith.constant 0 : i32
      %dma_start3A_43 = arith.constant 0 : i32
      %dma_start3A_44 = tpu.memref_slice %arg3[%dma_start3A_42, %dma_start3A_43] : memref<625x16xf32, #tpu.memory_space<hbm>> -> memref<40x16xf32, #tpu.memory_space<hbm>>
      tpu.enqueue_dma source(%dma_start3A_44 : memref<40x16xf32, #tpu.memory_space<hbm>>) target(%arg6 : memref<40x16xf32, #tpu.memory_space<vmem>>) target_semaphore(%run_scoped3A : memref<!tpu.dma_semaphore, #tpu.memory_space<semaphore_mem>>)
      %dma_wait3A_45 = arith.constant 0 : i32
      %dma_wait3A_46 = arith.constant 0 : i32
      %dma_wait3A_47 = tpu.memref_slice %arg3[%dma_wait3A_45, %dma_wait3A_46] : memref<625x16xf32, #tpu.memory_space<hbm>> -> memref<40x16xf32, #tpu.memory_space<hbm>>
      %dma_wait3A_48 = arith.constant 0 : i32
      %dma_wait3A_49 = arith.constant 0 : i32
      %dma_wait3A_50 = tpu.memref_slice %arg3[%dma_wait3A_48, %dma_wait3A_49] : memref<625x16xf32, #tpu.memory_space<hbm>> -> memref<40x16xf32, #tpu.memory_space<hbm>>
      tpu.wait_dma2 semaphore(%run_scoped3A : memref<!tpu.dma_semaphore, #tpu.memory_space<semaphore_mem>>) src(%dma_wait3A_50 : memref<40x16xf32, #tpu.memory_space<hbm>>) dst(%arg6 : memref<40x16xf32, #tpu.memory_space<vmem>>)
      tpu.yield
    }) : () -> ()
    %barrier3A = arith.constant 0 : index
    tpu.barrier barrier_id(%barrier3A)
    %dma_start3A = arith.constant 0 : i32
    %dma_start3A_3 = arith.constant 0 : i32
    %dma_start3A_4 = tpu.memref_slice %arg5[%dma_start3A, %dma_start3A_3] : memref<250x40xi32, #tpu.memory_space<vmem>> -> memref<1x40xi32, #tpu.memory_space<vmem>>
    %dma_start3A_5 = tpu.memref_squeeze %dma_start3A_4 : memref<1x40xi32, #tpu.memory_space<vmem>> -> memref<40xi32, #tpu.memory_space<vmem>>
    %dma_start3A_6 = arith.constant 0 : i32
    %dma_start3A_7 = arith.constant 0 : i32
    %dma_start3A_8 = tpu.memref_slice %arg9[%dma_start3A_6, %dma_start3A_7] : memref<10000x16xf32, #tpu.memory_space<vmem_shared>> -> memref<10000x16xf32, #tpu.memory_space<vmem_shared>>
    tpu.enqueue_indirect_dma source(%arg6 : memref<40x16xf32, #tpu.memory_space<vmem>>) target(%dma_start3A_8 : memref<10000x16xf32, #tpu.memory_space<vmem_shared>>) offsets(%dma_start3A_5 : memref<40xi32, #tpu.memory_space<vmem>>) semaphore(%arg7 : memref<!tpu.dma_semaphore, #tpu.memory_space<semaphore_mem>>) {add = true}
    %dma_start3A_9 = arith.constant 1 : i32
    %dma_start3A_10 = arith.constant 0 : i32
    %dma_start3A_11 = tpu.memref_slice %arg5[%dma_start3A_9, %dma_start3A_10] : memref<250x40xi32, #tpu.memory_space<vmem>> -> memref<1x40xi32, #tpu.memory_space<vmem>>
    %dma_start3A_12 = tpu.memref_squeeze %dma_start3A_11 : memref<1x40xi32, #tpu.memory_space<vmem>> -> memref<40xi32, #tpu.memory_space<vmem>>
    %dma_start3A_13 = arith.constant 0 : i32
    %dma_start3A_14 = arith.constant 0 : i32
    %dma_start3A_15 = tpu.memref_slice %arg9[%dma_start3A_13, %dma_start3A_14] : memref<10000x16xf32, #tpu.memory_space<vmem_shared>> -> memref<10000x16xf32, #tpu.memory_space<vmem_shared>>
    tpu.enqueue_indirect_dma source(%arg6 : memref<40x16xf32, #tpu.memory_space<vmem>>) target(%dma_start3A_15 : memref<10000x16xf32, #tpu.memory_space<vmem_shared>>) offsets(%dma_start3A_12 : memref<40xi32, #tpu.memory_space<vmem>>) semaphore(%arg8 : memref<!tpu.dma_semaphore, #tpu.memory_space<semaphore_mem>>) {add = true}
    %scan3A = arith.constant 0 : i32
    %scan3A_16 = arith.constant 0 : i32
    %scan3A_17 = arith.constant 124 : i32
    %scan3A_18 = arith.addi %scan3A_16, %scan3A_17 : i32
    %scan3A_19 = arith.constant 1 : i32
    scf.for %scan3A_39 = %scan3A_16 to %scan3A_18 step %scan3A_19  : i32 {
      %mul3A_40 = arith.constant 2 : i32
      %mul3A_41 = arith.muli %mul3A_40, %scan3A_39 : i32
      %add3A_42 = arith.constant 2 : i32
      %add3A_43 = arith.addi %mul3A_41, %add3A_42 : i32
      %add3A_44 = arith.constant 0 : i32
      %add3A_45 = arith.addi %add3A_43, %add3A_44 : i32
      %dma_wait3A_46 = arith.constant 0 : i32
      %dma_wait3A_47 = tpu.memref_slice %arg5[%add3A_45, %dma_wait3A_46] : memref<250x40xi32, #tpu.memory_space<vmem>> -> memref<1x40xi32, #tpu.memory_space<vmem>>
      %dma_wait3A_48 = tpu.memref_squeeze %dma_wait3A_47 : memref<1x40xi32, #tpu.memory_space<vmem>> -> memref<40xi32, #tpu.memory_space<vmem>>
      %dma_wait3A_49 = arith.constant 0 : i32
      %dma_wait3A_50 = arith.constant 0 : i32
      %dma_wait3A_51 = tpu.memref_slice %arg9[%dma_wait3A_49, %dma_wait3A_50] : memref<10000x16xf32, #tpu.memory_space<vmem_shared>> -> memref<10000x16xf32, #tpu.memory_space<vmem_shared>>
      tpu.wait_indirect_dma semaphore(%arg7 : memref<!tpu.dma_semaphore, #tpu.memory_space<semaphore_mem>>) src(%arg6 : memref<40x16xf32, #tpu.memory_space<vmem>>) dst(%dma_wait3A_51 : memref<10000x16xf32, #tpu.memory_space<vmem_shared>>)
      %dma_start3A_52 = arith.constant 0 : i32
      %dma_start3A_53 = tpu.memref_slice %arg5[%add3A_45, %dma_start3A_52] : memref<250x40xi32, #tpu.memory_space<vmem>> -> memref<1x40xi32, #tpu.memory_space<vmem>>
      %dma_start3A_54 = tpu.memref_squeeze %dma_start3A_53 : memref<1x40xi32, #tpu.memory_space<vmem>> -> memref<40xi32, #tpu.memory_space<vmem>>
      %dma_start3A_55 = arith.constant 0 : i32
      %dma_start3A_56 = arith.constant 0 : i32
      %dma_start3A_57 = tpu.memref_slice %arg9[%dma_start3A_55, %dma_start3A_56] : memref<10000x16xf32, #tpu.memory_space<vmem_shared>> -> memref<10000x16xf32, #tpu.memory_space<vmem_shared>>
      tpu.enqueue_indirect_dma source(%arg6 : memref<40x16xf32, #tpu.memory_space<vmem>>) target(%dma_start3A_57 : memref<10000x16xf32, #tpu.memory_space<vmem_shared>>) offsets(%dma_start3A_54 : memref<40xi32, #tpu.memory_space<vmem>>) semaphore(%arg7 : memref<!tpu.dma_semaphore, #tpu.memory_space<semaphore_mem>>) {add = true}
      %add3A_58 = arith.constant 1 : i32
      %add3A_59 = arith.addi %add3A_43, %add3A_58 : i32
      %dma_wait3A_60 = arith.constant 0 : i32
      %dma_wait3A_61 = tpu.memref_slice %arg5[%add3A_59, %dma_wait3A_60] : memref<250x40xi32, #tpu.memory_space<vmem>> -> memref<1x40xi32, #tpu.memory_space<vmem>>
      %dma_wait3A_62 = tpu.memref_squeeze %dma_wait3A_61 : memref<1x40xi32, #tpu.memory_space<vmem>> -> memref<40xi32, #tpu.memory_space<vmem>>
      %dma_wait3A_63 = arith.constant 0 : i32
      %dma_wait3A_64 = arith.constant 0 : i32
      %dma_wait3A_65 = tpu.memref_slice %arg9[%dma_wait3A_63, %dma_wait3A_64] : memref<10000x16xf32, #tpu.memory_space<vmem_shared>> -> memref<10000x16xf32, #tpu.memory_space<vmem_shared>>
      tpu.wait_indirect_dma semaphore(%arg8 : memref<!tpu.dma_semaphore, #tpu.memory_space<semaphore_mem>>) src(%arg6 : memref<40x16xf32, #tpu.memory_space<vmem>>) dst(%dma_wait3A_65 : memref<10000x16xf32, #tpu.memory_space<vmem_shared>>)
      %dma_start3A_66 = arith.constant 0 : i32
      %dma_start3A_67 = tpu.memref_slice %arg5[%add3A_59, %dma_start3A_66] : memref<250x40xi32, #tpu.memory_space<vmem>> -> memref<1x40xi32, #tpu.memory_space<vmem>>
      %dma_start3A_68 = tpu.memref_squeeze %dma_start3A_67 : memref<1x40xi32, #tpu.memory_space<vmem>> -> memref<40xi32, #tpu.memory_space<vmem>>
      %dma_start3A_69 = arith.constant 0 : i32
      %dma_start3A_70 = arith.constant 0 : i32
      %dma_start3A_71 = tpu.memref_slice %arg9[%dma_start3A_69, %dma_start3A_70] : memref<10000x16xf32, #tpu.memory_space<vmem_shared>> -> memref<10000x16xf32, #tpu.memory_space<vmem_shared>>
      tpu.enqueue_indirect_dma source(%arg6 : memref<40x16xf32, #tpu.memory_space<vmem>>) target(%dma_start3A_71 : memref<10000x16xf32, #tpu.memory_space<vmem_shared>>) offsets(%dma_start3A_68 : memref<40xi32, #tpu.memory_space<vmem>>) semaphore(%arg8 : memref<!tpu.dma_semaphore, #tpu.memory_space<semaphore_mem>>) {add = true}
    }
    %scan3A_20 = arith.constant 124 : i32
    %dma_wait3A = arith.constant 0 : i32
    %dma_wait3A_21 = arith.constant 0 : i32
    %dma_wait3A_22 = tpu.memref_slice %arg5[%dma_wait3A, %dma_wait3A_21] : memref<250x40xi32, #tpu.memory_space<vmem>> -> memref<1x40xi32, #tpu.memory_space<vmem>>
    %dma_wait3A_23 = tpu.memref_squeeze %dma_wait3A_22 : memref<1x40xi32, #tpu.memory_space<vmem>> -> memref<40xi32, #tpu.memory_space<vmem>>
    %dma_wait3A_24 = arith.constant 0 : i32
    %dma_wait3A_25 = arith.constant 0 : i32
    %dma_wait3A_26 = tpu.memref_slice %arg9[%dma_wait3A_24, %dma_wait3A_25] : memref<10000x16xf32, #tpu.memory_space<vmem_shared>> -> memref<10000x16xf32, #tpu.memory_space<vmem_shared>>
    tpu.wait_indirect_dma semaphore(%arg7 : memref<!tpu.dma_semaphore, #tpu.memory_space<semaphore_mem>>) src(%arg6 : memref<40x16xf32, #tpu.memory_space<vmem>>) dst(%dma_wait3A_26 : memref<10000x16xf32, #tpu.memory_space<vmem_shared>>)
    %dma_wait3A_27 = arith.constant 0 : i32
    %dma_wait3A_28 = arith.constant 0 : i32
    %dma_wait3A_29 = tpu.memref_slice %arg5[%dma_wait3A_27, %dma_wait3A_28] : memref<250x40xi32, #tpu.memory_space<vmem>> -> memref<1x40xi32, #tpu.memory_space<vmem>>
    %dma_wait3A_30 = tpu.memref_squeeze %dma_wait3A_29 : memref<1x40xi32, #tpu.memory_space<vmem>> -> memref<40xi32, #tpu.memory_space<vmem>>
    %dma_wait3A_31 = arith.constant 0 : i32
    %dma_wait3A_32 = arith.constant 0 : i32
    %dma_wait3A_33 = tpu.memref_slice %arg9[%dma_wait3A_31, %dma_wait3A_32] : memref<10000x16xf32, #tpu.memory_space<vmem_shared>> -> memref<10000x16xf32, #tpu.memory_space<vmem_shared>>
    tpu.wait_indirect_dma semaphore(%arg8 : memref<!tpu.dma_semaphore, #tpu.memory_space<semaphore_mem>>) src(%arg6 : memref<40x16xf32, #tpu.memory_space<vmem>>) dst(%dma_wait3A_33 : memref<10000x16xf32, #tpu.memory_space<vmem_shared>>)
    %barrier3A_34 = arith.constant 0 : index
    tpu.barrier barrier_id(%barrier3A_34)
    %mul3A_35 = arith.constant 625 : i32
    %mul3A_36 = arith.muli %arg1, %mul3A_35 : i32
    %mul3A_37 = arith.constant 625 : i32
    %mul3A_38 = arith.muli %arg1, %mul3A_37 : i32
    "tpu.region"() ({
      %run_scoped3A = tpu.sem_alloc : memref<!tpu.dma_semaphore, #tpu.memory_space<semaphore_mem>>
      %dma_start3A_39 = arith.constant 0 : i32
      %dma_start3A_40 = tpu.memref_slice %arg4[%arg0, %mul3A_38, %dma_start3A_39] : memref<2x10000x16xf32, #tpu.memory_space<hbm>> -> memref<1x625x16xf32, #tpu.memory_space<hbm>>
      %dma_start3A_41 = tpu.memref_squeeze %dma_start3A_40 : memref<1x625x16xf32, #tpu.memory_space<hbm>> -> memref<625x16xf32, #tpu.memory_space<hbm>>
      %dma_start3A_42 = arith.constant 0 : i32
      %dma_start3A_43 = tpu.memref_slice %arg9[%mul3A_36, %dma_start3A_42] : memref<10000x16xf32, #tpu.memory_space<vmem_shared>> -> memref<625x16xf32, #tpu.memory_space<vmem_shared>>
      tpu.enqueue_dma source(%dma_start3A_43 : memref<625x16xf32, #tpu.memory_space<vmem_shared>>) target(%dma_start3A_41 : memref<625x16xf32, #tpu.memory_space<hbm>>) target_semaphore(%run_scoped3A : memref<!tpu.dma_semaphore, #tpu.memory_space<semaphore_mem>>)
      %dma_wait3A_44 = arith.constant 0 : i32
      %dma_wait3A_45 = tpu.memref_slice %arg4[%arg0, %mul3A_38, %dma_wait3A_44] : memref<2x10000x16xf32, #tpu.memory_space<hbm>> -> memref<1x625x16xf32, #tpu.memory_space<hbm>>
      %dma_wait3A_46 = tpu.memref_squeeze %dma_wait3A_45 : memref<1x625x16xf32, #tpu.memory_space<hbm>> -> memref<625x16xf32, #tpu.memory_space<hbm>>
      %dma_wait3A_47 = arith.constant 0 : i32
      %dma_wait3A_48 = tpu.memref_slice %arg9[%mul3A_36, %dma_wait3A_47] : memref<10000x16xf32, #tpu.memory_space<vmem_shared>> -> memref<625x16xf32, #tpu.memory_space<vmem_shared>>
      tpu.wait_dma2 semaphore(%run_scoped3A : memref<!tpu.dma_semaphore, #tpu.memory_space<semaphore_mem>>) src(%dma_wait3A_48 : memref<625x16xf32, #tpu.memory_space<vmem_shared>>) dst(%dma_wait3A_46 : memref<625x16xf32, #tpu.memory_space<hbm>>)
      tpu.yield
    }) : () -> ()
    return
  }
}

#map = affine_map<(d0, d1) -> (0, 0, 0)>
module attributes {stable_mosaic.version = 14 : i64} {
  func.func @_edge_body(%arg0: i32, %arg1: i32, %arg2: memref<2x10000x64xf32, #tpu.memory_space<hbm>>, %arg3: memref<16x200x100xi32, #tpu.memory_space<hbm>>, %arg4: memref<16x200x100xi32, #tpu.memory_space<hbm>>, %arg5: memref<2x10000x64xf32, #tpu.memory_space<hbm>>, %arg6: memref<200x100xi32, #tpu.memory_space<vmem>>, %arg7: memref<200x100xi32, #tpu.memory_space<vmem>>, %arg8: memref<100x64xf32, #tpu.memory_space<vmem>>, %arg9: memref<100x64xf32, #tpu.memory_space<vmem>>, %arg10: memref<100x64xf32, #tpu.memory_space<vmem>>, %arg11: memref<100x64xf32, #tpu.memory_space<vmem>>, %arg12: memref<!tpu.dma_semaphore, #tpu.memory_space<semaphore_mem>>, %arg13: memref<!tpu.dma_semaphore, #tpu.memory_space<semaphore_mem>>, %arg14: memref<!tpu.dma_semaphore, #tpu.memory_space<semaphore_mem>>, %arg15: memref<!tpu.dma_semaphore, #tpu.memory_space<semaphore_mem>>, %arg16: memref<!tpu.dma_semaphore, #tpu.memory_space<semaphore_mem>>, %arg17: memref<!tpu.dma_semaphore, #tpu.memory_space<semaphore_mem>>, %arg18: memref<!tpu.dma_semaphore, #tpu.memory_space<semaphore_mem>>, %arg19: memref<!tpu.dma_semaphore, #tpu.memory_space<semaphore_mem>>, %arg20: memref<10000x64xf32, #tpu.memory_space<vmem_shared>>) attributes {dimension_semantics = [#tpu.dimension_semantics<core_parallel>, #tpu.dimension_semantics<subcore_parallel>], iteration_bounds = array<i64: 2, 16>, scalar_prefetch = 0 : i64, scratch_operands = 15 : i64, tpu.core_type = #tpu.core_type<sc_vector_subcore>, window_params = [{transform_indices = #map}, {transform_indices = #map}, {transform_indices = #map}, {transform_indices = #map}]} {
    %mul3A = arith.constant 625 : i32
    %mul3A_0 = arith.muli %arg1, %mul3A : i32
    %mul3A_1 = arith.constant 625 : i32
    %mul3A_2 = arith.muli %arg1, %mul3A_1 : i32
    "tpu.region"() ({
      %run_scoped3A = tpu.sem_alloc : memref<!tpu.dma_semaphore, #tpu.memory_space<semaphore_mem>>
      %dma_start3A_299 = arith.constant 0 : i32
      %dma_start3A_300 = tpu.memref_slice %arg20[%mul3A_2, %dma_start3A_299] : memref<10000x64xf32, #tpu.memory_space<vmem_shared>> -> memref<625x64xf32, #tpu.memory_space<vmem_shared>>
      %dma_start3A_301 = arith.constant 0 : i32
      %dma_start3A_302 = arith.constant 0 : i32
      %dma_start3A_303 = tpu.memref_slice %arg2[%arg0, %dma_start3A_301, %dma_start3A_302] : memref<2x10000x64xf32, #tpu.memory_space<hbm>> -> memref<1x10000x64xf32, #tpu.memory_space<hbm>>
      %dma_start3A_304 = tpu.memref_squeeze %dma_start3A_303 : memref<1x10000x64xf32, #tpu.memory_space<hbm>> -> memref<10000x64xf32, #tpu.memory_space<hbm>>
      %dma_start3A_305 = arith.constant 0 : i32
      %dma_start3A_306 = tpu.memref_slice %dma_start3A_304[%mul3A_0, %dma_start3A_305] : memref<10000x64xf32, #tpu.memory_space<hbm>> -> memref<625x64xf32, #tpu.memory_space<hbm>>
      tpu.enqueue_dma source(%dma_start3A_306 : memref<625x64xf32, #tpu.memory_space<hbm>>) target(%dma_start3A_300 : memref<625x64xf32, #tpu.memory_space<vmem_shared>>) target_semaphore(%run_scoped3A : memref<!tpu.dma_semaphore, #tpu.memory_space<semaphore_mem>>)
      %dma_wait3A_307 = arith.constant 0 : i32
      %dma_wait3A_308 = tpu.memref_slice %arg20[%mul3A_2, %dma_wait3A_307] : memref<10000x64xf32, #tpu.memory_space<vmem_shared>> -> memref<625x64xf32, #tpu.memory_space<vmem_shared>>
      %dma_wait3A_309 = arith.constant 0 : i32
      %dma_wait3A_310 = arith.constant 0 : i32
      %dma_wait3A_311 = tpu.memref_slice %arg2[%arg0, %dma_wait3A_309, %dma_wait3A_310] : memref<2x10000x64xf32, #tpu.memory_space<hbm>> -> memref<1x10000x64xf32, #tpu.memory_space<hbm>>
      %dma_wait3A_312 = tpu.memref_squeeze %dma_wait3A_311 : memref<1x10000x64xf32, #tpu.memory_space<hbm>> -> memref<10000x64xf32, #tpu.memory_space<hbm>>
      %dma_wait3A_313 = arith.constant 0 : i32
      %dma_wait3A_314 = tpu.memref_slice %dma_wait3A_312[%mul3A_0, %dma_wait3A_313] : memref<10000x64xf32, #tpu.memory_space<hbm>> -> memref<625x64xf32, #tpu.memory_space<hbm>>
      tpu.wait_dma2 semaphore(%run_scoped3A : memref<!tpu.dma_semaphore, #tpu.memory_space<semaphore_mem>>) src(%dma_wait3A_314 : memref<625x64xf32, #tpu.memory_space<hbm>>) dst(%dma_wait3A_308 : memref<625x64xf32, #tpu.memory_space<vmem_shared>>)
      tpu.yield
    }) : () -> ()
    "tpu.region"() ({
      %run_scoped3A = tpu.sem_alloc : memref<!tpu.dma_semaphore, #tpu.memory_space<semaphore_mem>>
      %dma_start3A_299 = arith.constant 0 : i32
      %dma_start3A_300 = arith.constant 0 : i32
      %dma_start3A_301 = tpu.memref_slice %arg3[%arg1, %dma_start3A_299, %dma_start3A_300] : memref<16x200x100xi32, #tpu.memory_space<hbm>> -> memref<1x200x100xi32, #tpu.memory_space<hbm>>
      %dma_start3A_302 = tpu.memref_squeeze %dma_start3A_301 : memref<1x200x100xi32, #tpu.memory_space<hbm>> -> memref<200x100xi32, #tpu.memory_space<hbm>>
      %dma_start3A_303 = arith.constant 0 : i32
      %dma_start3A_304 = arith.constant 0 : i32
      %dma_start3A_305 = tpu.memref_slice %arg3[%arg1, %dma_start3A_303, %dma_start3A_304] : memref<16x200x100xi32, #tpu.memory_space<hbm>> -> memref<1x200x100xi32, #tpu.memory_space<hbm>>
      %dma_start3A_306 = tpu.memref_squeeze %dma_start3A_305 : memref<1x200x100xi32, #tpu.memory_space<hbm>> -> memref<200x100xi32, #tpu.memory_space<hbm>>
      tpu.enqueue_dma source(%dma_start3A_306 : memref<200x100xi32, #tpu.memory_space<hbm>>) target(%arg6 : memref<200x100xi32, #tpu.memory_space<vmem>>) target_semaphore(%run_scoped3A : memref<!tpu.dma_semaphore, #tpu.memory_space<semaphore_mem>>)
      %dma_wait3A_307 = arith.constant 0 : i32
      %dma_wait3A_308 = arith.constant 0 : i32
      %dma_wait3A_309 = tpu.memref_slice %arg3[%arg1, %dma_wait3A_307, %dma_wait3A_308] : memref<16x200x100xi32, #tpu.memory_space<hbm>> -> memref<1x200x100xi32, #tpu.memory_space<hbm>>
      %dma_wait3A_310 = tpu.memref_squeeze %dma_wait3A_309 : memref<1x200x100xi32, #tpu.memory_space<hbm>> -> memref<200x100xi32, #tpu.memory_space<hbm>>
      %dma_wait3A_311 = arith.constant 0 : i32
      %dma_wait3A_312 = arith.constant 0 : i32
      %dma_wait3A_313 = tpu.memref_slice %arg3[%arg1, %dma_wait3A_311, %dma_wait3A_312] : memref<16x200x100xi32, #tpu.memory_space<hbm>> -> memref<1x200x100xi32, #tpu.memory_space<hbm>>
      %dma_wait3A_314 = tpu.memref_squeeze %dma_wait3A_313 : memref<1x200x100xi32, #tpu.memory_space<hbm>> -> memref<200x100xi32, #tpu.memory_space<hbm>>
      tpu.wait_dma2 semaphore(%run_scoped3A : memref<!tpu.dma_semaphore, #tpu.memory_space<semaphore_mem>>) src(%dma_wait3A_314 : memref<200x100xi32, #tpu.memory_space<hbm>>) dst(%arg6 : memref<200x100xi32, #tpu.memory_space<vmem>>)
      tpu.yield
    }) : () -> ()
    "tpu.region"() ({
      %run_scoped3A = tpu.sem_alloc : memref<!tpu.dma_semaphore, #tpu.memory_space<semaphore_mem>>
      %dma_start3A_299 = arith.constant 0 : i32
      %dma_start3A_300 = arith.constant 0 : i32
      %dma_start3A_301 = tpu.memref_slice %arg4[%arg1, %dma_start3A_299, %dma_start3A_300] : memref<16x200x100xi32, #tpu.memory_space<hbm>> -> memref<1x200x100xi32, #tpu.memory_space<hbm>>
      %dma_start3A_302 = tpu.memref_squeeze %dma_start3A_301 : memref<1x200x100xi32, #tpu.memory_space<hbm>> -> memref<200x100xi32, #tpu.memory_space<hbm>>
      %dma_start3A_303 = arith.constant 0 : i32
      %dma_start3A_304 = arith.constant 0 : i32
      %dma_start3A_305 = tpu.memref_slice %arg4[%arg1, %dma_start3A_303, %dma_start3A_304] : memref<16x200x100xi32, #tpu.memory_space<hbm>> -> memref<1x200x100xi32, #tpu.memory_space<hbm>>
      %dma_start3A_306 = tpu.memref_squeeze %dma_start3A_305 : memref<1x200x100xi32, #tpu.memory_space<hbm>> -> memref<200x100xi32, #tpu.memory_space<hbm>>
      tpu.enqueue_dma source(%dma_start3A_306 : memref<200x100xi32, #tpu.memory_space<hbm>>) target(%arg7 : memref<200x100xi32, #tpu.memory_space<vmem>>) target_semaphore(%run_scoped3A : memref<!tpu.dma_semaphore, #tpu.memory_space<semaphore_mem>>)
      %dma_wait3A_307 = arith.constant 0 : i32
      %dma_wait3A_308 = arith.constant 0 : i32
      %dma_wait3A_309 = tpu.memref_slice %arg4[%arg1, %dma_wait3A_307, %dma_wait3A_308] : memref<16x200x100xi32, #tpu.memory_space<hbm>> -> memref<1x200x100xi32, #tpu.memory_space<hbm>>
      %dma_wait3A_310 = tpu.memref_squeeze %dma_wait3A_309 : memref<1x200x100xi32, #tpu.memory_space<hbm>> -> memref<200x100xi32, #tpu.memory_space<hbm>>
      %dma_wait3A_311 = arith.constant 0 : i32
      %dma_wait3A_312 = arith.constant 0 : i32
      %dma_wait3A_313 = tpu.memref_slice %arg4[%arg1, %dma_wait3A_311, %dma_wait3A_312] : memref<16x200x100xi32, #tpu.memory_space<hbm>> -> memref<1x200x100xi32, #tpu.memory_space<hbm>>
      %dma_wait3A_314 = tpu.memref_squeeze %dma_wait3A_313 : memref<1x200x100xi32, #tpu.memory_space<hbm>> -> memref<200x100xi32, #tpu.memory_space<hbm>>
      tpu.wait_dma2 semaphore(%run_scoped3A : memref<!tpu.dma_semaphore, #tpu.memory_space<semaphore_mem>>) src(%dma_wait3A_314 : memref<200x100xi32, #tpu.memory_space<hbm>>) dst(%arg7 : memref<200x100xi32, #tpu.memory_space<vmem>>)
      tpu.yield
    }) : () -> ()
    %barrier3A = arith.constant 0 : index
    tpu.barrier barrier_id(%barrier3A)
    %dma_start3A = arith.constant 0 : i32
    %dma_start3A_3 = arith.constant 0 : i32
    %dma_start3A_4 = tpu.memref_slice %arg6[%dma_start3A, %dma_start3A_3] : memref<200x100xi32, #tpu.memory_space<vmem>> -> memref<1x100xi32, #tpu.memory_space<vmem>>
    %dma_start3A_5 = tpu.memref_squeeze %dma_start3A_4 : memref<1x100xi32, #tpu.memory_space<vmem>> -> memref<100xi32, #tpu.memory_space<vmem>>
    %dma_start3A_6 = arith.constant 0 : i32
    %dma_start3A_7 = arith.constant 0 : i32
    %dma_start3A_8 = tpu.memref_slice %arg2[%arg0, %dma_start3A_6, %dma_start3A_7] : memref<2x10000x64xf32, #tpu.memory_space<hbm>> -> memref<1x10000x64xf32, #tpu.memory_space<hbm>>
    %dma_start3A_9 = tpu.memref_squeeze %dma_start3A_8 : memref<1x10000x64xf32, #tpu.memory_space<hbm>> -> memref<10000x64xf32, #tpu.memory_space<hbm>>
    %dma_start3A_10 = arith.constant 0 : i32
    %dma_start3A_11 = arith.constant 0 : i32
    %dma_start3A_12 = tpu.memref_slice %dma_start3A_9[%dma_start3A_10, %dma_start3A_11] : memref<10000x64xf32, #tpu.memory_space<hbm>> -> memref<10000x64xf32, #tpu.memory_space<hbm>>
    tpu.enqueue_indirect_dma source(%dma_start3A_12 : memref<10000x64xf32, #tpu.memory_space<hbm>>) target(%arg8 : memref<100x64xf32, #tpu.memory_space<vmem>>) offsets(%dma_start3A_5 : memref<100xi32, #tpu.memory_space<vmem>>) semaphore(%arg12 : memref<!tpu.dma_semaphore, #tpu.memory_space<semaphore_mem>>)
    %dma_start3A_13 = arith.constant 1 : i32
    %dma_start3A_14 = arith.constant 0 : i32
    %dma_start3A_15 = tpu.memref_slice %arg6[%dma_start3A_13, %dma_start3A_14] : memref<200x100xi32, #tpu.memory_space<vmem>> -> memref<1x100xi32, #tpu.memory_space<vmem>>
    %dma_start3A_16 = tpu.memref_squeeze %dma_start3A_15 : memref<1x100xi32, #tpu.memory_space<vmem>> -> memref<100xi32, #tpu.memory_space<vmem>>
    %dma_start3A_17 = arith.constant 0 : i32
    %dma_start3A_18 = arith.constant 0 : i32
    %dma_start3A_19 = tpu.memref_slice %arg2[%arg0, %dma_start3A_17, %dma_start3A_18] : memref<2x10000x64xf32, #tpu.memory_space<hbm>> -> memref<1x10000x64xf32, #tpu.memory_space<hbm>>
    %dma_start3A_20 = tpu.memref_squeeze %dma_start3A_19 : memref<1x10000x64xf32, #tpu.memory_space<hbm>> -> memref<10000x64xf32, #tpu.memory_space<hbm>>
    %dma_start3A_21 = arith.constant 0 : i32
    %dma_start3A_22 = arith.constant 0 : i32
    %dma_start3A_23 = tpu.memref_slice %dma_start3A_20[%dma_start3A_21, %dma_start3A_22] : memref<10000x64xf32, #tpu.memory_space<hbm>> -> memref<10000x64xf32, #tpu.memory_space<hbm>>
    tpu.enqueue_indirect_dma source(%dma_start3A_23 : memref<10000x64xf32, #tpu.memory_space<hbm>>) target(%arg9 : memref<100x64xf32, #tpu.memory_space<vmem>>) offsets(%dma_start3A_16 : memref<100xi32, #tpu.memory_space<vmem>>) semaphore(%arg13 : memref<!tpu.dma_semaphore, #tpu.memory_space<semaphore_mem>>)
    %dma_wait3A = arith.constant 0 : i32
    %dma_wait3A_24 = arith.constant 0 : i32
    %dma_wait3A_25 = tpu.memref_slice %arg6[%dma_wait3A, %dma_wait3A_24] : memref<200x100xi32, #tpu.memory_space<vmem>> -> memref<1x100xi32, #tpu.memory_space<vmem>>
    %dma_wait3A_26 = tpu.memref_squeeze %dma_wait3A_25 : memref<1x100xi32, #tpu.memory_space<vmem>> -> memref<100xi32, #tpu.memory_space<vmem>>
    %dma_wait3A_27 = arith.constant 0 : i32
    %dma_wait3A_28 = arith.constant 0 : i32
    %dma_wait3A_29 = tpu.memref_slice %arg2[%arg0, %dma_wait3A_27, %dma_wait3A_28] : memref<2x10000x64xf32, #tpu.memory_space<hbm>> -> memref<1x10000x64xf32, #tpu.memory_space<hbm>>
    %dma_wait3A_30 = tpu.memref_squeeze %dma_wait3A_29 : memref<1x10000x64xf32, #tpu.memory_space<hbm>> -> memref<10000x64xf32, #tpu.memory_space<hbm>>
    %dma_wait3A_31 = arith.constant 0 : i32
    %dma_wait3A_32 = arith.constant 0 : i32
    %dma_wait3A_33 = tpu.memref_slice %dma_wait3A_30[%dma_wait3A_31, %dma_wait3A_32] : memref<10000x64xf32, #tpu.memory_space<hbm>> -> memref<10000x64xf32, #tpu.memory_space<hbm>>
    tpu.wait_indirect_dma semaphore(%arg12 : memref<!tpu.dma_semaphore, #tpu.memory_space<semaphore_mem>>) src(%dma_wait3A_33 : memref<10000x64xf32, #tpu.memory_space<hbm>>) dst(%arg8 : memref<100x64xf32, #tpu.memory_space<vmem>>)
    %dma_start3A_34 = arith.constant 0 : i32
    %dma_start3A_35 = arith.constant 0 : i32
    %dma_start3A_36 = tpu.memref_slice %arg7[%dma_start3A_34, %dma_start3A_35] : memref<200x100xi32, #tpu.memory_space<vmem>> -> memref<1x100xi32, #tpu.memory_space<vmem>>
    %dma_start3A_37 = tpu.memref_squeeze %dma_start3A_36 : memref<1x100xi32, #tpu.memory_space<vmem>> -> memref<100xi32, #tpu.memory_space<vmem>>
    %dma_start3A_38 = arith.constant 0 : i32
    %dma_start3A_39 = arith.constant 0 : i32
    %dma_start3A_40 = tpu.memref_slice %arg20[%dma_start3A_38, %dma_start3A_39] : memref<10000x64xf32, #tpu.memory_space<vmem_shared>> -> memref<10000x64xf32, #tpu.memory_space<vmem_shared>>
    tpu.enqueue_indirect_dma source(%arg8 : memref<100x64xf32, #tpu.memory_space<vmem>>) target(%dma_start3A_40 : memref<10000x64xf32, #tpu.memory_space<vmem_shared>>) offsets(%dma_start3A_37 : memref<100xi32, #tpu.memory_space<vmem>>) semaphore(%arg16 : memref<!tpu.dma_semaphore, #tpu.memory_space<semaphore_mem>>) {add = true}
    %dma_start3A_41 = arith.constant 2 : i32
    %dma_start3A_42 = arith.constant 0 : i32
    %dma_start3A_43 = tpu.memref_slice %arg6[%dma_start3A_41, %dma_start3A_42] : memref<200x100xi32, #tpu.memory_space<vmem>> -> memref<1x100xi32, #tpu.memory_space<vmem>>
    %dma_start3A_44 = tpu.memref_squeeze %dma_start3A_43 : memref<1x100xi32, #tpu.memory_space<vmem>> -> memref<100xi32, #tpu.memory_space<vmem>>
    %dma_start3A_45 = arith.constant 0 : i32
    %dma_start3A_46 = arith.constant 0 : i32
    %dma_start3A_47 = tpu.memref_slice %arg2[%arg0, %dma_start3A_45, %dma_start3A_46] : memref<2x10000x64xf32, #tpu.memory_space<hbm>> -> memref<1x10000x64xf32, #tpu.memory_space<hbm>>
    %dma_start3A_48 = tpu.memref_squeeze %dma_start3A_47 : memref<1x10000x64xf32, #tpu.memory_space<hbm>> -> memref<10000x64xf32, #tpu.memory_space<hbm>>
    %dma_start3A_49 = arith.constant 0 : i32
    %dma_start3A_50 = arith.constant 0 : i32
    %dma_start3A_51 = tpu.memref_slice %dma_start3A_48[%dma_start3A_49, %dma_start3A_50] : memref<10000x64xf32, #tpu.memory_space<hbm>> -> memref<10000x64xf32, #tpu.memory_space<hbm>>
    tpu.enqueue_indirect_dma source(%dma_start3A_51 : memref<10000x64xf32, #tpu.memory_space<hbm>>) target(%arg10 : memref<100x64xf32, #tpu.memory_space<vmem>>) offsets(%dma_start3A_44 : memref<100xi32, #tpu.memory_space<vmem>>) semaphore(%arg14 : memref<!tpu.dma_semaphore, #tpu.memory_space<semaphore_mem>>)
    %dma_wait3A_52 = arith.constant 1 : i32
    %dma_wait3A_53 = arith.constant 0 : i32
    %dma_wait3A_54 = tpu.memref_slice %arg6[%dma_wait3A_52, %dma_wait3A_53] : memref<200x100xi32, #tpu.memory_space<vmem>> -> memref<1x100xi32, #tpu.memory_space<vmem>>
    %dma_wait3A_55 = tpu.memref_squeeze %dma_wait3A_54 : memref<1x100xi32, #tpu.memory_space<vmem>> -> memref<100xi32, #tpu.memory_space<vmem>>
    %dma_wait3A_56 = arith.constant 0 : i32
    %dma_wait3A_57 = arith.constant 0 : i32
    %dma_wait3A_58 = tpu.memref_slice %arg2[%arg0, %dma_wait3A_56, %dma_wait3A_57] : memref<2x10000x64xf32, #tpu.memory_space<hbm>> -> memref<1x10000x64xf32, #tpu.memory_space<hbm>>
    %dma_wait3A_59 = tpu.memref_squeeze %dma_wait3A_58 : memref<1x10000x64xf32, #tpu.memory_space<hbm>> -> memref<10000x64xf32, #tpu.memory_space<hbm>>
    %dma_wait3A_60 = arith.constant 0 : i32
    %dma_wait3A_61 = arith.constant 0 : i32
    %dma_wait3A_62 = tpu.memref_slice %dma_wait3A_59[%dma_wait3A_60, %dma_wait3A_61] : memref<10000x64xf32, #tpu.memory_space<hbm>> -> memref<10000x64xf32, #tpu.memory_space<hbm>>
    tpu.wait_indirect_dma semaphore(%arg13 : memref<!tpu.dma_semaphore, #tpu.memory_space<semaphore_mem>>) src(%dma_wait3A_62 : memref<10000x64xf32, #tpu.memory_space<hbm>>) dst(%arg9 : memref<100x64xf32, #tpu.memory_space<vmem>>)
    %dma_start3A_63 = arith.constant 1 : i32
    %dma_start3A_64 = arith.constant 0 : i32
    %dma_start3A_65 = tpu.memref_slice %arg7[%dma_start3A_63, %dma_start3A_64] : memref<200x100xi32, #tpu.memory_space<vmem>> -> memref<1x100xi32, #tpu.memory_space<vmem>>
    %dma_start3A_66 = tpu.memref_squeeze %dma_start3A_65 : memref<1x100xi32, #tpu.memory_space<vmem>> -> memref<100xi32, #tpu.memory_space<vmem>>
    %dma_start3A_67 = arith.constant 0 : i32
    %dma_start3A_68 = arith.constant 0 : i32
    %dma_start3A_69 = tpu.memref_slice %arg20[%dma_start3A_67, %dma_start3A_68] : memref<10000x64xf32, #tpu.memory_space<vmem_shared>> -> memref<10000x64xf32, #tpu.memory_space<vmem_shared>>
    tpu.enqueue_indirect_dma source(%arg9 : memref<100x64xf32, #tpu.memory_space<vmem>>) target(%dma_start3A_69 : memref<10000x64xf32, #tpu.memory_space<vmem_shared>>) offsets(%dma_start3A_66 : memref<100xi32, #tpu.memory_space<vmem>>) semaphore(%arg17 : memref<!tpu.dma_semaphore, #tpu.memory_space<semaphore_mem>>) {add = true}
    %dma_start3A_70 = arith.constant 3 : i32
    %dma_start3A_71 = arith.constant 0 : i32
    %dma_start3A_72 = tpu.memref_slice %arg6[%dma_start3A_70, %dma_start3A_71] : memref<200x100xi32, #tpu.memory_space<vmem>> -> memref<1x100xi32, #tpu.memory_space<vmem>>
    %dma_start3A_73 = tpu.memref_squeeze %dma_start3A_72 : memref<1x100xi32, #tpu.memory_space<vmem>> -> memref<100xi32, #tpu.memory_space<vmem>>
    %dma_start3A_74 = arith.constant 0 : i32
    %dma_start3A_75 = arith.constant 0 : i32
    %dma_start3A_76 = tpu.memref_slice %arg2[%arg0, %dma_start3A_74, %dma_start3A_75] : memref<2x10000x64xf32, #tpu.memory_space<hbm>> -> memref<1x10000x64xf32, #tpu.memory_space<hbm>>
    %dma_start3A_77 = tpu.memref_squeeze %dma_start3A_76 : memref<1x10000x64xf32, #tpu.memory_space<hbm>> -> memref<10000x64xf32, #tpu.memory_space<hbm>>
    %dma_start3A_78 = arith.constant 0 : i32
    %dma_start3A_79 = arith.constant 0 : i32
    %dma_start3A_80 = tpu.memref_slice %dma_start3A_77[%dma_start3A_78, %dma_start3A_79] : memref<10000x64xf32, #tpu.memory_space<hbm>> -> memref<10000x64xf32, #tpu.memory_space<hbm>>
    tpu.enqueue_indirect_dma source(%dma_start3A_80 : memref<10000x64xf32, #tpu.memory_space<hbm>>) target(%arg11 : memref<100x64xf32, #tpu.memory_space<vmem>>) offsets(%dma_start3A_73 : memref<100xi32, #tpu.memory_space<vmem>>) semaphore(%arg15 : memref<!tpu.dma_semaphore, #tpu.memory_space<semaphore_mem>>)
    %dma_wait3A_81 = arith.constant 0 : i32
    %dma_wait3A_82 = arith.constant 0 : i32
    %dma_wait3A_83 = tpu.memref_slice %arg7[%dma_wait3A_81, %dma_wait3A_82] : memref<200x100xi32, #tpu.memory_space<vmem>> -> memref<1x100xi32, #tpu.memory_space<vmem>>
    %dma_wait3A_84 = tpu.memref_squeeze %dma_wait3A_83 : memref<1x100xi32, #tpu.memory_space<vmem>> -> memref<100xi32, #tpu.memory_space<vmem>>
    %dma_wait3A_85 = arith.constant 0 : i32
    %dma_wait3A_86 = arith.constant 0 : i32
    %dma_wait3A_87 = tpu.memref_slice %arg20[%dma_wait3A_85, %dma_wait3A_86] : memref<10000x64xf32, #tpu.memory_space<vmem_shared>> -> memref<10000x64xf32, #tpu.memory_space<vmem_shared>>
    tpu.wait_indirect_dma semaphore(%arg16 : memref<!tpu.dma_semaphore, #tpu.memory_space<semaphore_mem>>) src(%arg8 : memref<100x64xf32, #tpu.memory_space<vmem>>) dst(%dma_wait3A_87 : memref<10000x64xf32, #tpu.memory_space<vmem_shared>>)
    %dma_start3A_88 = arith.constant 4 : i32
    %dma_start3A_89 = arith.constant 0 : i32
    %dma_start3A_90 = tpu.memref_slice %arg6[%dma_start3A_88, %dma_start3A_89] : memref<200x100xi32, #tpu.memory_space<vmem>> -> memref<1x100xi32, #tpu.memory_space<vmem>>
    %dma_start3A_91 = tpu.memref_squeeze %dma_start3A_90 : memref<1x100xi32, #tpu.memory_space<vmem>> -> memref<100xi32, #tpu.memory_space<vmem>>
    %dma_start3A_92 = arith.constant 0 : i32
    %dma_start3A_93 = arith.constant 0 : i32
    %dma_start3A_94 = tpu.memref_slice %arg2[%arg0, %dma_start3A_92, %dma_start3A_93] : memref<2x10000x64xf32, #tpu.memory_space<hbm>> -> memref<1x10000x64xf32, #tpu.memory_space<hbm>>
    %dma_start3A_95 = tpu.memref_squeeze %dma_start3A_94 : memref<1x10000x64xf32, #tpu.memory_space<hbm>> -> memref<10000x64xf32, #tpu.memory_space<hbm>>
    %dma_start3A_96 = arith.constant 0 : i32
    %dma_start3A_97 = arith.constant 0 : i32
    %dma_start3A_98 = tpu.memref_slice %dma_start3A_95[%dma_start3A_96, %dma_start3A_97] : memref<10000x64xf32, #tpu.memory_space<hbm>> -> memref<10000x64xf32, #tpu.memory_space<hbm>>
    tpu.enqueue_indirect_dma source(%dma_start3A_98 : memref<10000x64xf32, #tpu.memory_space<hbm>>) target(%arg8 : memref<100x64xf32, #tpu.memory_space<vmem>>) offsets(%dma_start3A_91 : memref<100xi32, #tpu.memory_space<vmem>>) semaphore(%arg12 : memref<!tpu.dma_semaphore, #tpu.memory_space<semaphore_mem>>)
    %dma_wait3A_99 = arith.constant 2 : i32
    %dma_wait3A_100 = arith.constant 0 : i32
    %dma_wait3A_101 = tpu.memref_slice %arg6[%dma_wait3A_99, %dma_wait3A_100] : memref<200x100xi32, #tpu.memory_space<vmem>> -> memref<1x100xi32, #tpu.memory_space<vmem>>
    %dma_wait3A_102 = tpu.memref_squeeze %dma_wait3A_101 : memref<1x100xi32, #tpu.memory_space<vmem>> -> memref<100xi32, #tpu.memory_space<vmem>>
    %dma_wait3A_103 = arith.constant 0 : i32
    %dma_wait3A_104 = arith.constant 0 : i32
    %dma_wait3A_105 = tpu.memref_slice %arg2[%arg0, %dma_wait3A_103, %dma_wait3A_104] : memref<2x10000x64xf32, #tpu.memory_space<hbm>> -> memref<1x10000x64xf32, #tpu.memory_space<hbm>>
    %dma_wait3A_106 = tpu.memref_squeeze %dma_wait3A_105 : memref<1x10000x64xf32, #tpu.memory_space<hbm>> -> memref<10000x64xf32, #tpu.memory_space<hbm>>
    %dma_wait3A_107 = arith.constant 0 : i32
    %dma_wait3A_108 = arith.constant 0 : i32
    %dma_wait3A_109 = tpu.memref_slice %dma_wait3A_106[%dma_wait3A_107, %dma_wait3A_108] : memref<10000x64xf32, #tpu.memory_space<hbm>> -> memref<10000x64xf32, #tpu.memory_space<hbm>>
    tpu.wait_indirect_dma semaphore(%arg14 : memref<!tpu.dma_semaphore, #tpu.memory_space<semaphore_mem>>) src(%dma_wait3A_109 : memref<10000x64xf32, #tpu.memory_space<hbm>>) dst(%arg10 : memref<100x64xf32, #tpu.memory_space<vmem>>)
    %dma_start3A_110 = arith.constant 2 : i32
    %dma_start3A_111 = arith.constant 0 : i32
    %dma_start3A_112 = tpu.memref_slice %arg7[%dma_start3A_110, %dma_start3A_111] : memref<200x100xi32, #tpu.memory_space<vmem>> -> memref<1x100xi32, #tpu.memory_space<vmem>>
    %dma_start3A_113 = tpu.memref_squeeze %dma_start3A_112 : memref<1x100xi32, #tpu.memory_space<vmem>> -> memref<100xi32, #tpu.memory_space<vmem>>
    %dma_start3A_114 = arith.constant 0 : i32
    %dma_start3A_115 = arith.constant 0 : i32
    %dma_start3A_116 = tpu.memref_slice %arg20[%dma_start3A_114, %dma_start3A_115] : memref<10000x64xf32, #tpu.memory_space<vmem_shared>> -> memref<10000x64xf32, #tpu.memory_space<vmem_shared>>
    tpu.enqueue_indirect_dma source(%arg10 : memref<100x64xf32, #tpu.memory_space<vmem>>) target(%dma_start3A_116 : memref<10000x64xf32, #tpu.memory_space<vmem_shared>>) offsets(%dma_start3A_113 : memref<100xi32, #tpu.memory_space<vmem>>) semaphore(%arg18 : memref<!tpu.dma_semaphore, #tpu.memory_space<semaphore_mem>>) {add = true}
    %dma_wait3A_117 = arith.constant 1 : i32
    %dma_wait3A_118 = arith.constant 0 : i32
    %dma_wait3A_119 = tpu.memref_slice %arg7[%dma_wait3A_117, %dma_wait3A_118] : memref<200x100xi32, #tpu.memory_space<vmem>> -> memref<1x100xi32, #tpu.memory_space<vmem>>
    %dma_wait3A_120 = tpu.memref_squeeze %dma_wait3A_119 : memref<1x100xi32, #tpu.memory_space<vmem>> -> memref<100xi32, #tpu.memory_space<vmem>>
    %dma_wait3A_121 = arith.constant 0 : i32
    %dma_wait3A_122 = arith.constant 0 : i32
    %dma_wait3A_123 = tpu.memref_slice %arg20[%dma_wait3A_121, %dma_wait3A_122] : memref<10000x64xf32, #tpu.memory_space<vmem_shared>> -> memref<10000x64xf32, #tpu.memory_space<vmem_shared>>
    tpu.wait_indirect_dma semaphore(%arg17 : memref<!tpu.dma_semaphore, #tpu.memory_space<semaphore_mem>>) src(%arg9 : memref<100x64xf32, #tpu.memory_space<vmem>>) dst(%dma_wait3A_123 : memref<10000x64xf32, #tpu.memory_space<vmem_shared>>)
    %dma_start3A_124 = arith.constant 5 : i32
    %dma_start3A_125 = arith.constant 0 : i32
    %dma_start3A_126 = tpu.memref_slice %arg6[%dma_start3A_124, %dma_start3A_125] : memref<200x100xi32, #tpu.memory_space<vmem>> -> memref<1x100xi32, #tpu.memory_space<vmem>>
    %dma_start3A_127 = tpu.memref_squeeze %dma_start3A_126 : memref<1x100xi32, #tpu.memory_space<vmem>> -> memref<100xi32, #tpu.memory_space<vmem>>
    %dma_start3A_128 = arith.constant 0 : i32
    %dma_start3A_129 = arith.constant 0 : i32
    %dma_start3A_130 = tpu.memref_slice %arg2[%arg0, %dma_start3A_128, %dma_start3A_129] : memref<2x10000x64xf32, #tpu.memory_space<hbm>> -> memref<1x10000x64xf32, #tpu.memory_space<hbm>>
    %dma_start3A_131 = tpu.memref_squeeze %dma_start3A_130 : memref<1x10000x64xf32, #tpu.memory_space<hbm>> -> memref<10000x64xf32, #tpu.memory_space<hbm>>
    %dma_start3A_132 = arith.constant 0 : i32
    %dma_start3A_133 = arith.constant 0 : i32
    %dma_start3A_134 = tpu.memref_slice %dma_start3A_131[%dma_start3A_132, %dma_start3A_133] : memref<10000x64xf32, #tpu.memory_space<hbm>> -> memref<10000x64xf32, #tpu.memory_space<hbm>>
    tpu.enqueue_indirect_dma source(%dma_start3A_134 : memref<10000x64xf32, #tpu.memory_space<hbm>>) target(%arg9 : memref<100x64xf32, #tpu.memory_space<vmem>>) offsets(%dma_start3A_127 : memref<100xi32, #tpu.memory_space<vmem>>) semaphore(%arg13 : memref<!tpu.dma_semaphore, #tpu.memory_space<semaphore_mem>>)
    %dma_wait3A_135 = arith.constant 3 : i32
    %dma_wait3A_136 = arith.constant 0 : i32
    %dma_wait3A_137 = tpu.memref_slice %arg6[%dma_wait3A_135, %dma_wait3A_136] : memref<200x100xi32, #tpu.memory_space<vmem>> -> memref<1x100xi32, #tpu.memory_space<vmem>>
    %dma_wait3A_138 = tpu.memref_squeeze %dma_wait3A_137 : memref<1x100xi32, #tpu.memory_space<vmem>> -> memref<100xi32, #tpu.memory_space<vmem>>
    %dma_wait3A_139 = arith.constant 0 : i32
    %dma_wait3A_140 = arith.constant 0 : i32
    %dma_wait3A_141 = tpu.memref_slice %arg2[%arg0, %dma_wait3A_139, %dma_wait3A_140] : memref<2x10000x64xf32, #tpu.memory_space<hbm>> -> memref<1x10000x64xf32, #tpu.memory_space<hbm>>
    %dma_wait3A_142 = tpu.memref_squeeze %dma_wait3A_141 : memref<1x10000x64xf32, #tpu.memory_space<hbm>> -> memref<10000x64xf32, #tpu.memory_space<hbm>>
    %dma_wait3A_143 = arith.constant 0 : i32
    %dma_wait3A_144 = arith.constant 0 : i32
    %dma_wait3A_145 = tpu.memref_slice %dma_wait3A_142[%dma_wait3A_143, %dma_wait3A_144] : memref<10000x64xf32, #tpu.memory_space<hbm>> -> memref<10000x64xf32, #tpu.memory_space<hbm>>
    tpu.wait_indirect_dma semaphore(%arg15 : memref<!tpu.dma_semaphore, #tpu.memory_space<semaphore_mem>>) src(%dma_wait3A_145 : memref<10000x64xf32, #tpu.memory_space<hbm>>) dst(%arg11 : memref<100x64xf32, #tpu.memory_space<vmem>>)
    %dma_start3A_146 = arith.constant 3 : i32
    %dma_start3A_147 = arith.constant 0 : i32
    %dma_start3A_148 = tpu.memref_slice %arg7[%dma_start3A_146, %dma_start3A_147] : memref<200x100xi32, #tpu.memory_space<vmem>> -> memref<1x100xi32, #tpu.memory_space<vmem>>
    %dma_start3A_149 = tpu.memref_squeeze %dma_start3A_148 : memref<1x100xi32, #tpu.memory_space<vmem>> -> memref<100xi32, #tpu.memory_space<vmem>>
    %dma_start3A_150 = arith.constant 0 : i32
    %dma_start3A_151 = arith.constant 0 : i32
    %dma_start3A_152 = tpu.memref_slice %arg20[%dma_start3A_150, %dma_start3A_151] : memref<10000x64xf32, #tpu.memory_space<vmem_shared>> -> memref<10000x64xf32, #tpu.memory_space<vmem_shared>>
    tpu.enqueue_indirect_dma source(%arg11 : memref<100x64xf32, #tpu.memory_space<vmem>>) target(%dma_start3A_152 : memref<10000x64xf32, #tpu.memory_space<vmem_shared>>) offsets(%dma_start3A_149 : memref<100xi32, #tpu.memory_space<vmem>>) semaphore(%arg19 : memref<!tpu.dma_semaphore, #tpu.memory_space<semaphore_mem>>) {add = true}
    %dma_wait3A_153 = arith.constant 2 : i32
    %dma_wait3A_154 = arith.constant 0 : i32
    %dma_wait3A_155 = tpu.memref_slice %arg7[%dma_wait3A_153, %dma_wait3A_154] : memref<200x100xi32, #tpu.memory_space<vmem>> -> memref<1x100xi32, #tpu.memory_space<vmem>>
    %dma_wait3A_156 = tpu.memref_squeeze %dma_wait3A_155 : memref<1x100xi32, #tpu.memory_space<vmem>> -> memref<100xi32, #tpu.memory_space<vmem>>
    %dma_wait3A_157 = arith.constant 0 : i32
    %dma_wait3A_158 = arith.constant 0 : i32
    %dma_wait3A_159 = tpu.memref_slice %arg20[%dma_wait3A_157, %dma_wait3A_158] : memref<10000x64xf32, #tpu.memory_space<vmem_shared>> -> memref<10000x64xf32, #tpu.memory_space<vmem_shared>>
    tpu.wait_indirect_dma semaphore(%arg18 : memref<!tpu.dma_semaphore, #tpu.memory_space<semaphore_mem>>) src(%arg10 : memref<100x64xf32, #tpu.memory_space<vmem>>) dst(%dma_wait3A_159 : memref<10000x64xf32, #tpu.memory_space<vmem_shared>>)
    %dma_start3A_160 = arith.constant 6 : i32
    %dma_start3A_161 = arith.constant 0 : i32
    %dma_start3A_162 = tpu.memref_slice %arg6[%dma_start3A_160, %dma_start3A_161] : memref<200x100xi32, #tpu.memory_space<vmem>> -> memref<1x100xi32, #tpu.memory_space<vmem>>
    %dma_start3A_163 = tpu.memref_squeeze %dma_start3A_162 : memref<1x100xi32, #tpu.memory_space<vmem>> -> memref<100xi32, #tpu.memory_space<vmem>>
    %dma_start3A_164 = arith.constant 0 : i32
    %dma_start3A_165 = arith.constant 0 : i32
    %dma_start3A_166 = tpu.memref_slice %arg2[%arg0, %dma_start3A_164, %dma_start3A_165] : memref<2x10000x64xf32, #tpu.memory_space<hbm>> -> memref<1x10000x64xf32, #tpu.memory_space<hbm>>
    %dma_start3A_167 = tpu.memref_squeeze %dma_start3A_166 : memref<1x10000x64xf32, #tpu.memory_space<hbm>> -> memref<10000x64xf32, #tpu.memory_space<hbm>>
    %dma_start3A_168 = arith.constant 0 : i32
    %dma_start3A_169 = arith.constant 0 : i32
    %dma_start3A_170 = tpu.memref_slice %dma_start3A_167[%dma_start3A_168, %dma_start3A_169] : memref<10000x64xf32, #tpu.memory_space<hbm>> -> memref<10000x64xf32, #tpu.memory_space<hbm>>
    tpu.enqueue_indirect_dma source(%dma_start3A_170 : memref<10000x64xf32, #tpu.memory_space<hbm>>) target(%arg10 : memref<100x64xf32, #tpu.memory_space<vmem>>) offsets(%dma_start3A_163 : memref<100xi32, #tpu.memory_space<vmem>>) semaphore(%arg14 : memref<!tpu.dma_semaphore, #tpu.memory_space<semaphore_mem>>)
    %dma_wait3A_171 = arith.constant 4 : i32
    %dma_wait3A_172 = arith.constant 0 : i32
    %dma_wait3A_173 = tpu.memref_slice %arg6[%dma_wait3A_171, %dma_wait3A_172] : memref<200x100xi32, #tpu.memory_space<vmem>> -> memref<1x100xi32, #tpu.memory_space<vmem>>
    %dma_wait3A_174 = tpu.memref_squeeze %dma_wait3A_173 : memref<1x100xi32, #tpu.memory_space<vmem>> -> memref<100xi32, #tpu.memory_space<vmem>>
    %dma_wait3A_175 = arith.constant 0 : i32
    %dma_wait3A_176 = arith.constant 0 : i32
    %dma_wait3A_177 = tpu.memref_slice %arg2[%arg0, %dma_wait3A_175, %dma_wait3A_176] : memref<2x10000x64xf32, #tpu.memory_space<hbm>> -> memref<1x10000x64xf32, #tpu.memory_space<hbm>>
    %dma_wait3A_178 = tpu.memref_squeeze %dma_wait3A_177 : memref<1x10000x64xf32, #tpu.memory_space<hbm>> -> memref<10000x64xf32, #tpu.memory_space<hbm>>
    %dma_wait3A_179 = arith.constant 0 : i32
    %dma_wait3A_180 = arith.constant 0 : i32
    %dma_wait3A_181 = tpu.memref_slice %dma_wait3A_178[%dma_wait3A_179, %dma_wait3A_180] : memref<10000x64xf32, #tpu.memory_space<hbm>> -> memref<10000x64xf32, #tpu.memory_space<hbm>>
    tpu.wait_indirect_dma semaphore(%arg12 : memref<!tpu.dma_semaphore, #tpu.memory_space<semaphore_mem>>) src(%dma_wait3A_181 : memref<10000x64xf32, #tpu.memory_space<hbm>>) dst(%arg8 : memref<100x64xf32, #tpu.memory_space<vmem>>)
    %dma_start3A_182 = arith.constant 4 : i32
    %dma_start3A_183 = arith.constant 0 : i32
    %dma_start3A_184 = tpu.memref_slice %arg7[%dma_start3A_182, %dma_start3A_183] : memref<200x100xi32, #tpu.memory_space<vmem>> -> memref<1x100xi32, #tpu.memory_space<vmem>>
    %dma_start3A_185 = tpu.memref_squeeze %dma_start3A_184 : memref<1x100xi32, #tpu.memory_space<vmem>> -> memref<100xi32, #tpu.memory_space<vmem>>
    %dma_start3A_186 = arith.constant 0 : i32
    %dma_start3A_187 = arith.constant 0 : i32
    %dma_start3A_188 = tpu.memref_slice %arg20[%dma_start3A_186, %dma_start3A_187] : memref<10000x64xf32, #tpu.memory_space<vmem_shared>> -> memref<10000x64xf32, #tpu.memory_space<vmem_shared>>
    tpu.enqueue_indirect_dma source(%arg8 : memref<100x64xf32, #tpu.memory_space<vmem>>) target(%dma_start3A_188 : memref<10000x64xf32, #tpu.memory_space<vmem_shared>>) offsets(%dma_start3A_185 : memref<100xi32, #tpu.memory_space<vmem>>) semaphore(%arg16 : memref<!tpu.dma_semaphore, #tpu.memory_space<semaphore_mem>>) {add = true}
    %dma_wait3A_189 = arith.constant 3 : i32
    %dma_wait3A_190 = arith.constant 0 : i32
    %dma_wait3A_191 = tpu.memref_slice %arg7[%dma_wait3A_189, %dma_wait3A_190] : memref<200x100xi32, #tpu.memory_space<vmem>> -> memref<1x100xi32, #tpu.memory_space<vmem>>
    %dma_wait3A_192 = tpu.memref_squeeze %dma_wait3A_191 : memref<1x100xi32, #tpu.memory_space<vmem>> -> memref<100xi32, #tpu.memory_space<vmem>>
    %dma_wait3A_193 = arith.constant 0 : i32
    %dma_wait3A_194 = arith.constant 0 : i32
    %dma_wait3A_195 = tpu.memref_slice %arg20[%dma_wait3A_193, %dma_wait3A_194] : memref<10000x64xf32, #tpu.memory_space<vmem_shared>> -> memref<10000x64xf32, #tpu.memory_space<vmem_shared>>
    tpu.wait_indirect_dma semaphore(%arg19 : memref<!tpu.dma_semaphore, #tpu.memory_space<semaphore_mem>>) src(%arg11 : memref<100x64xf32, #tpu.memory_space<vmem>>) dst(%dma_wait3A_195 : memref<10000x64xf32, #tpu.memory_space<vmem_shared>>)
    %dma_start3A_196 = arith.constant 7 : i32
    %dma_start3A_197 = arith.constant 0 : i32
    %dma_start3A_198 = tpu.memref_slice %arg6[%dma_start3A_196, %dma_start3A_197] : memref<200x100xi32, #tpu.memory_space<vmem>> -> memref<1x100xi32, #tpu.memory_space<vmem>>
    %dma_start3A_199 = tpu.memref_squeeze %dma_start3A_198 : memref<1x100xi32, #tpu.memory_space<vmem>> -> memref<100xi32, #tpu.memory_space<vmem>>
    %dma_start3A_200 = arith.constant 0 : i32
    %dma_start3A_201 = arith.constant 0 : i32
    %dma_start3A_202 = tpu.memref_slice %arg2[%arg0, %dma_start3A_200, %dma_start3A_201] : memref<2x10000x64xf32, #tpu.memory_space<hbm>> -> memref<1x10000x64xf32, #tpu.memory_space<hbm>>
    %dma_start3A_203 = tpu.memref_squeeze %dma_start3A_202 : memref<1x10000x64xf32, #tpu.memory_space<hbm>> -> memref<10000x64xf32, #tpu.memory_space<hbm>>
    %dma_start3A_204 = arith.constant 0 : i32
    %dma_start3A_205 = arith.constant 0 : i32
    %dma_start3A_206 = tpu.memref_slice %dma_start3A_203[%dma_start3A_204, %dma_start3A_205] : memref<10000x64xf32, #tpu.memory_space<hbm>> -> memref<10000x64xf32, #tpu.memory_space<hbm>>
    tpu.enqueue_indirect_dma source(%dma_start3A_206 : memref<10000x64xf32, #tpu.memory_space<hbm>>) target(%arg11 : memref<100x64xf32, #tpu.memory_space<vmem>>) offsets(%dma_start3A_199 : memref<100xi32, #tpu.memory_space<vmem>>) semaphore(%arg15 : memref<!tpu.dma_semaphore, #tpu.memory_space<semaphore_mem>>)
    %dma_wait3A_207 = arith.constant 5 : i32
    %dma_wait3A_208 = arith.constant 0 : i32
    %dma_wait3A_209 = tpu.memref_slice %arg6[%dma_wait3A_207, %dma_wait3A_208] : memref<200x100xi32, #tpu.memory_space<vmem>> -> memref<1x100xi32, #tpu.memory_space<vmem>>
    %dma_wait3A_210 = tpu.memref_squeeze %dma_wait3A_209 : memref<1x100xi32, #tpu.memory_space<vmem>> -> memref<100xi32, #tpu.memory_space<vmem>>
    %dma_wait3A_211 = arith.constant 0 : i32
    %dma_wait3A_212 = arith.constant 0 : i32
    %dma_wait3A_213 = tpu.memref_slice %arg2[%arg0, %dma_wait3A_211, %dma_wait3A_212] : memref<2x10000x64xf32, #tpu.memory_space<hbm>> -> memref<1x10000x64xf32, #tpu.memory_space<hbm>>
    %dma_wait3A_214 = tpu.memref_squeeze %dma_wait3A_213 : memref<1x10000x64xf32, #tpu.memory_space<hbm>> -> memref<10000x64xf32, #tpu.memory_space<hbm>>
    %dma_wait3A_215 = arith.constant 0 : i32
    %dma_wait3A_216 = arith.constant 0 : i32
    %dma_wait3A_217 = tpu.memref_slice %dma_wait3A_214[%dma_wait3A_215, %dma_wait3A_216] : memref<10000x64xf32, #tpu.memory_space<hbm>> -> memref<10000x64xf32, #tpu.memory_space<hbm>>
    tpu.wait_indirect_dma semaphore(%arg13 : memref<!tpu.dma_semaphore, #tpu.memory_space<semaphore_mem>>) src(%dma_wait3A_217 : memref<10000x64xf32, #tpu.memory_space<hbm>>) dst(%arg9 : memref<100x64xf32, #tpu.memory_space<vmem>>)
    %dma_start3A_218 = arith.constant 5 : i32
    %dma_start3A_219 = arith.constant 0 : i32
    %dma_start3A_220 = tpu.memref_slice %arg7[%dma_start3A_218, %dma_start3A_219] : memref<200x100xi32, #tpu.memory_space<vmem>> -> memref<1x100xi32, #tpu.memory_space<vmem>>
    %dma_start3A_221 = tpu.memref_squeeze %dma_start3A_220 : memref<1x100xi32, #tpu.memory_space<vmem>> -> memref<100xi32, #tpu.memory_space<vmem>>
    %dma_start3A_222 = arith.constant 0 : i32
    %dma_start3A_223 = arith.constant 0 : i32
    %dma_start3A_224 = tpu.memref_slice %arg20[%dma_start3A_222, %dma_start3A_223] : memref<10000x64xf32, #tpu.memory_space<vmem_shared>> -> memref<10000x64xf32, #tpu.memory_space<vmem_shared>>
    tpu.enqueue_indirect_dma source(%arg9 : memref<100x64xf32, #tpu.memory_space<vmem>>) target(%dma_start3A_224 : memref<10000x64xf32, #tpu.memory_space<vmem_shared>>) offsets(%dma_start3A_221 : memref<100xi32, #tpu.memory_space<vmem>>) semaphore(%arg17 : memref<!tpu.dma_semaphore, #tpu.memory_space<semaphore_mem>>) {add = true}
    %scan3A = arith.constant 0 : i32
    %scan3A_225 = arith.constant 0 : i32
    %scan3A_226 = arith.constant 48 : i32
    %scan3A_227 = arith.addi %scan3A_225, %scan3A_226 : i32
    %scan3A_228 = arith.constant 1 : i32
    scf.for %scan3A_299 = %scan3A_225 to %scan3A_227 step %scan3A_228  : i32 {
      %mul3A_300 = arith.constant 4 : i32
      %mul3A_301 = arith.muli %mul3A_300, %scan3A_299 : i32
      %add3A = arith.constant 6 : i32
      %add3A_302 = arith.addi %mul3A_301, %add3A : i32
      %add3A_303 = arith.constant 0 : i32
      %add3A_304 = arith.addi %add3A_302, %add3A_303 : i32
      %dma_wait3A_305 = arith.constant 0 : i32
      %dma_wait3A_306 = tpu.memref_slice %arg7[%add3A_304, %dma_wait3A_305] : memref<200x100xi32, #tpu.memory_space<vmem>> -> memref<1x100xi32, #tpu.memory_space<vmem>>
      %dma_wait3A_307 = tpu.memref_squeeze %dma_wait3A_306 : memref<1x100xi32, #tpu.memory_space<vmem>> -> memref<100xi32, #tpu.memory_space<vmem>>
      %dma_wait3A_308 = arith.constant 0 : i32
      %dma_wait3A_309 = arith.constant 0 : i32
      %dma_wait3A_310 = tpu.memref_slice %arg20[%dma_wait3A_308, %dma_wait3A_309] : memref<10000x64xf32, #tpu.memory_space<vmem_shared>> -> memref<10000x64xf32, #tpu.memory_space<vmem_shared>>
      tpu.wait_indirect_dma semaphore(%arg16 : memref<!tpu.dma_semaphore, #tpu.memory_space<semaphore_mem>>) src(%arg8 : memref<100x64xf32, #tpu.memory_space<vmem>>) dst(%dma_wait3A_310 : memref<10000x64xf32, #tpu.memory_space<vmem_shared>>)
      %add3A_311 = arith.constant 2 : i32
      %add3A_312 = arith.addi %add3A_304, %add3A_311 : i32
      %dma_start3A_313 = arith.constant 0 : i32
      %dma_start3A_314 = tpu.memref_slice %arg6[%add3A_312, %dma_start3A_313] : memref<200x100xi32, #tpu.memory_space<vmem>> -> memref<1x100xi32, #tpu.memory_space<vmem>>
      %dma_start3A_315 = tpu.memref_squeeze %dma_start3A_314 : memref<1x100xi32, #tpu.memory_space<vmem>> -> memref<100xi32, #tpu.memory_space<vmem>>
      %dma_start3A_316 = arith.constant 0 : i32
      %dma_start3A_317 = arith.constant 0 : i32
      %dma_start3A_318 = tpu.memref_slice %arg2[%arg0, %dma_start3A_316, %dma_start3A_317] : memref<2x10000x64xf32, #tpu.memory_space<hbm>> -> memref<1x10000x64xf32, #tpu.memory_space<hbm>>
      %dma_start3A_319 = tpu.memref_squeeze %dma_start3A_318 : memref<1x10000x64xf32, #tpu.memory_space<hbm>> -> memref<10000x64xf32, #tpu.memory_space<hbm>>
      %dma_start3A_320 = arith.constant 0 : i32
      %dma_start3A_321 = arith.constant 0 : i32
      %dma_start3A_322 = tpu.memref_slice %dma_start3A_319[%dma_start3A_320, %dma_start3A_321] : memref<10000x64xf32, #tpu.memory_space<hbm>> -> memref<10000x64xf32, #tpu.memory_space<hbm>>
      tpu.enqueue_indirect_dma source(%dma_start3A_322 : memref<10000x64xf32, #tpu.memory_space<hbm>>) target(%arg8 : memref<100x64xf32, #tpu.memory_space<vmem>>) offsets(%dma_start3A_315 : memref<100xi32, #tpu.memory_space<vmem>>) semaphore(%arg12 : memref<!tpu.dma_semaphore, #tpu.memory_space<semaphore_mem>>)
      %dma_wait3A_323 = arith.constant 0 : i32
      %dma_wait3A_324 = tpu.memref_slice %arg6[%add3A_304, %dma_wait3A_323] : memref<200x100xi32, #tpu.memory_space<vmem>> -> memref<1x100xi32, #tpu.memory_space<vmem>>
      %dma_wait3A_325 = tpu.memref_squeeze %dma_wait3A_324 : memref<1x100xi32, #tpu.memory_space<vmem>> -> memref<100xi32, #tpu.memory_space<vmem>>
      %dma_wait3A_326 = arith.constant 0 : i32
      %dma_wait3A_327 = arith.constant 0 : i32
      %dma_wait3A_328 = tpu.memref_slice %arg2[%arg0, %dma_wait3A_326, %dma_wait3A_327] : memref<2x10000x64xf32, #tpu.memory_space<hbm>> -> memref<1x10000x64xf32, #tpu.memory_space<hbm>>
      %dma_wait3A_329 = tpu.memref_squeeze %dma_wait3A_328 : memref<1x10000x64xf32, #tpu.memory_space<hbm>> -> memref<10000x64xf32, #tpu.memory_space<hbm>>
      %dma_wait3A_330 = arith.constant 0 : i32
      %dma_wait3A_331 = arith.constant 0 : i32
      %dma_wait3A_332 = tpu.memref_slice %dma_wait3A_329[%dma_wait3A_330, %dma_wait3A_331] : memref<10000x64xf32, #tpu.memory_space<hbm>> -> memref<10000x64xf32, #tpu.memory_space<hbm>>
      tpu.wait_indirect_dma semaphore(%arg14 : memref<!tpu.dma_semaphore, #tpu.memory_space<semaphore_mem>>) src(%dma_wait3A_332 : memref<10000x64xf32, #tpu.memory_space<hbm>>) dst(%arg10 : memref<100x64xf32, #tpu.memory_space<vmem>>)
      %dma_start3A_333 = arith.constant 0 : i32
      %dma_start3A_334 = tpu.memref_slice %arg7[%add3A_304, %dma_start3A_333] : memref<200x100xi32, #tpu.memory_space<vmem>> -> memref<1x100xi32, #tpu.memory_space<vmem>>
      %dma_start3A_335 = tpu.memref_squeeze %dma_start3A_334 : memref<1x100xi32, #tpu.memory_space<vmem>> -> memref<100xi32, #tpu.memory_space<vmem>>
      %dma_start3A_336 = arith.constant 0 : i32
      %dma_start3A_337 = arith.constant 0 : i32
      %dma_start3A_338 = tpu.memref_slice %arg20[%dma_start3A_336, %dma_start3A_337] : memref<10000x64xf32, #tpu.memory_space<vmem_shared>> -> memref<10000x64xf32, #tpu.memory_space<vmem_shared>>
      tpu.enqueue_indirect_dma source(%arg10 : memref<100x64xf32, #tpu.memory_space<vmem>>) target(%dma_start3A_338 : memref<10000x64xf32, #tpu.memory_space<vmem_shared>>) offsets(%dma_start3A_335 : memref<100xi32, #tpu.memory_space<vmem>>) semaphore(%arg18 : memref<!tpu.dma_semaphore, #tpu.memory_space<semaphore_mem>>) {add = true}
      %add3A_339 = arith.constant 1 : i32
      %add3A_340 = arith.addi %add3A_302, %add3A_339 : i32
      %dma_wait3A_341 = arith.constant 0 : i32
      %dma_wait3A_342 = tpu.memref_slice %arg7[%add3A_340, %dma_wait3A_341] : memref<200x100xi32, #tpu.memory_space<vmem>> -> memref<1x100xi32, #tpu.memory_space<vmem>>
      %dma_wait3A_343 = tpu.memref_squeeze %dma_wait3A_342 : memref<1x100xi32, #tpu.memory_space<vmem>> -> memref<100xi32, #tpu.memory_space<vmem>>
      %dma_wait3A_344 = arith.constant 0 : i32
      %dma_wait3A_345 = arith.constant 0 : i32
      %dma_wait3A_346 = tpu.memref_slice %arg20[%dma_wait3A_344, %dma_wait3A_345] : memref<10000x64xf32, #tpu.memory_space<vmem_shared>> -> memref<10000x64xf32, #tpu.memory_space<vmem_shared>>
      tpu.wait_indirect_dma semaphore(%arg17 : memref<!tpu.dma_semaphore, #tpu.memory_space<semaphore_mem>>) src(%arg9 : memref<100x64xf32, #tpu.memory_space<vmem>>) dst(%dma_wait3A_346 : memref<10000x64xf32, #tpu.memory_space<vmem_shared>>)
      %add3A_347 = arith.constant 2 : i32
      %add3A_348 = arith.addi %add3A_340, %add3A_347 : i32
      %dma_start3A_349 = arith.constant 0 : i32
      %dma_start3A_350 = tpu.memref_slice %arg6[%add3A_348, %dma_start3A_349] : memref<200x100xi32, #tpu.memory_space<vmem>> -> memref<1x100xi32, #tpu.memory_space<vmem>>
      %dma_start3A_351 = tpu.memref_squeeze %dma_start3A_350 : memref<1x100xi32, #tpu.memory_space<vmem>> -> memref<100xi32, #tpu.memory_space<vmem>>
      %dma_start3A_352 = arith.constant 0 : i32
      %dma_start3A_353 = arith.constant 0 : i32
      %dma_start3A_354 = tpu.memref_slice %arg2[%arg0, %dma_start3A_352, %dma_start3A_353] : memref<2x10000x64xf32, #tpu.memory_space<hbm>> -> memref<1x10000x64xf32, #tpu.memory_space<hbm>>
      %dma_start3A_355 = tpu.memref_squeeze %dma_start3A_354 : memref<1x10000x64xf32, #tpu.memory_space<hbm>> -> memref<10000x64xf32, #tpu.memory_space<hbm>>
      %dma_start3A_356 = arith.constant 0 : i32
      %dma_start3A_357 = arith.constant 0 : i32
      %dma_start3A_358 = tpu.memref_slice %dma_start3A_355[%dma_start3A_356, %dma_start3A_357] : memref<10000x64xf32, #tpu.memory_space<hbm>> -> memref<10000x64xf32, #tpu.memory_space<hbm>>
      tpu.enqueue_indirect_dma source(%dma_start3A_358 : memref<10000x64xf32, #tpu.memory_space<hbm>>) target(%arg9 : memref<100x64xf32, #tpu.memory_space<vmem>>) offsets(%dma_start3A_351 : memref<100xi32, #tpu.memory_space<vmem>>) semaphore(%arg13 : memref<!tpu.dma_semaphore, #tpu.memory_space<semaphore_mem>>)
      %dma_wait3A_359 = arith.constant 0 : i32
      %dma_wait3A_360 = tpu.memref_slice %arg6[%add3A_340, %dma_wait3A_359] : memref<200x100xi32, #tpu.memory_space<vmem>> -> memref<1x100xi32, #tpu.memory_space<vmem>>
      %dma_wait3A_361 = tpu.memref_squeeze %dma_wait3A_360 : memref<1x100xi32, #tpu.memory_space<vmem>> -> memref<100xi32, #tpu.memory_space<vmem>>
      %dma_wait3A_362 = arith.constant 0 : i32
      %dma_wait3A_363 = arith.constant 0 : i32
      %dma_wait3A_364 = tpu.memref_slice %arg2[%arg0, %dma_wait3A_362, %dma_wait3A_363] : memref<2x10000x64xf32, #tpu.memory_space<hbm>> -> memref<1x10000x64xf32, #tpu.memory_space<hbm>>
      %dma_wait3A_365 = tpu.memref_squeeze %dma_wait3A_364 : memref<1x10000x64xf32, #tpu.memory_space<hbm>> -> memref<10000x64xf32, #tpu.memory_space<hbm>>
      %dma_wait3A_366 = arith.constant 0 : i32
      %dma_wait3A_367 = arith.constant 0 : i32
      %dma_wait3A_368 = tpu.memref_slice %dma_wait3A_365[%dma_wait3A_366, %dma_wait3A_367] : memref<10000x64xf32, #tpu.memory_space<hbm>> -> memref<10000x64xf32, #tpu.memory_space<hbm>>
      tpu.wait_indirect_dma semaphore(%arg15 : memref<!tpu.dma_semaphore, #tpu.memory_space<semaphore_mem>>) src(%dma_wait3A_368 : memref<10000x64xf32, #tpu.memory_space<hbm>>) dst(%arg11 : memref<100x64xf32, #tpu.memory_space<vmem>>)
      %dma_start3A_369 = arith.constant 0 : i32
      %dma_start3A_370 = tpu.memref_slice %arg7[%add3A_340, %dma_start3A_369] : memref<200x100xi32, #tpu.memory_space<vmem>> -> memref<1x100xi32, #tpu.memory_space<vmem>>
      %dma_start3A_371 = tpu.memref_squeeze %dma_start3A_370 : memref<1x100xi32, #tpu.memory_space<vmem>> -> memref<100xi32, #tpu.memory_space<vmem>>
      %dma_start3A_372 = arith.constant 0 : i32
      %dma_start3A_373 = arith.constant 0 : i32
      %dma_start3A_374 = tpu.memref_slice %arg20[%dma_start3A_372, %dma_start3A_373] : memref<10000x64xf32, #tpu.memory_space<vmem_shared>> -> memref<10000x64xf32, #tpu.memory_space<vmem_shared>>
      tpu.enqueue_indirect_dma source(%arg11 : memref<100x64xf32, #tpu.memory_space<vmem>>) target(%dma_start3A_374 : memref<10000x64xf32, #tpu.memory_space<vmem_shared>>) offsets(%dma_start3A_371 : memref<100xi32, #tpu.memory_space<vmem>>) semaphore(%arg19 : memref<!tpu.dma_semaphore, #tpu.memory_space<semaphore_mem>>) {add = true}
      %add3A_375 = arith.constant 2 : i32
      %add3A_376 = arith.addi %add3A_302, %add3A_375 : i32
      %dma_wait3A_377 = arith.constant 0 : i32
      %dma_wait3A_378 = tpu.memref_slice %arg7[%add3A_376, %dma_wait3A_377] : memref<200x100xi32, #tpu.memory_space<vmem>> -> memref<1x100xi32, #tpu.memory_space<vmem>>
      %dma_wait3A_379 = tpu.memref_squeeze %dma_wait3A_378 : memref<1x100xi32, #tpu.memory_space<vmem>> -> memref<100xi32, #tpu.memory_space<vmem>>
      %dma_wait3A_380 = arith.constant 0 : i32
      %dma_wait3A_381 = arith.constant 0 : i32
      %dma_wait3A_382 = tpu.memref_slice %arg20[%dma_wait3A_380, %dma_wait3A_381] : memref<10000x64xf32, #tpu.memory_space<vmem_shared>> -> memref<10000x64xf32, #tpu.memory_space<vmem_shared>>
      tpu.wait_indirect_dma semaphore(%arg18 : memref<!tpu.dma_semaphore, #tpu.memory_space<semaphore_mem>>) src(%arg10 : memref<100x64xf32, #tpu.memory_space<vmem>>) dst(%dma_wait3A_382 : memref<10000x64xf32, #tpu.memory_space<vmem_shared>>)
      %add3A_383 = arith.constant 2 : i32
      %add3A_384 = arith.addi %add3A_376, %add3A_383 : i32
      %dma_start3A_385 = arith.constant 0 : i32
      %dma_start3A_386 = tpu.memref_slice %arg6[%add3A_384, %dma_start3A_385] : memref<200x100xi32, #tpu.memory_space<vmem>> -> memref<1x100xi32, #tpu.memory_space<vmem>>
      %dma_start3A_387 = tpu.memref_squeeze %dma_start3A_386 : memref<1x100xi32, #tpu.memory_space<vmem>> -> memref<100xi32, #tpu.memory_space<vmem>>
      %dma_start3A_388 = arith.constant 0 : i32
      %dma_start3A_389 = arith.constant 0 : i32
      %dma_start3A_390 = tpu.memref_slice %arg2[%arg0, %dma_start3A_388, %dma_start3A_389] : memref<2x10000x64xf32, #tpu.memory_space<hbm>> -> memref<1x10000x64xf32, #tpu.memory_space<hbm>>
      %dma_start3A_391 = tpu.memref_squeeze %dma_start3A_390 : memref<1x10000x64xf32, #tpu.memory_space<hbm>> -> memref<10000x64xf32, #tpu.memory_space<hbm>>
      %dma_start3A_392 = arith.constant 0 : i32
      %dma_start3A_393 = arith.constant 0 : i32
      %dma_start3A_394 = tpu.memref_slice %dma_start3A_391[%dma_start3A_392, %dma_start3A_393] : memref<10000x64xf32, #tpu.memory_space<hbm>> -> memref<10000x64xf32, #tpu.memory_space<hbm>>
      tpu.enqueue_indirect_dma source(%dma_start3A_394 : memref<10000x64xf32, #tpu.memory_space<hbm>>) target(%arg10 : memref<100x64xf32, #tpu.memory_space<vmem>>) offsets(%dma_start3A_387 : memref<100xi32, #tpu.memory_space<vmem>>) semaphore(%arg14 : memref<!tpu.dma_semaphore, #tpu.memory_space<semaphore_mem>>)
      %dma_wait3A_395 = arith.constant 0 : i32
      %dma_wait3A_396 = tpu.memref_slice %arg6[%add3A_376, %dma_wait3A_395] : memref<200x100xi32, #tpu.memory_space<vmem>> -> memref<1x100xi32, #tpu.memory_space<vmem>>
      %dma_wait3A_397 = tpu.memref_squeeze %dma_wait3A_396 : memref<1x100xi32, #tpu.memory_space<vmem>> -> memref<100xi32, #tpu.memory_space<vmem>>
      %dma_wait3A_398 = arith.constant 0 : i32
      %dma_wait3A_399 = arith.constant 0 : i32
      %dma_wait3A_400 = tpu.memref_slice %arg2[%arg0, %dma_wait3A_398, %dma_wait3A_399] : memref<2x10000x64xf32, #tpu.memory_space<hbm>> -> memref<1x10000x64xf32, #tpu.memory_space<hbm>>
      %dma_wait3A_401 = tpu.memref_squeeze %dma_wait3A_400 : memref<1x10000x64xf32, #tpu.memory_space<hbm>> -> memref<10000x64xf32, #tpu.memory_space<hbm>>
      %dma_wait3A_402 = arith.constant 0 : i32
      %dma_wait3A_403 = arith.constant 0 : i32
      %dma_wait3A_404 = tpu.memref_slice %dma_wait3A_401[%dma_wait3A_402, %dma_wait3A_403] : memref<10000x64xf32, #tpu.memory_space<hbm>> -> memref<10000x64xf32, #tpu.memory_space<hbm>>
      tpu.wait_indirect_dma semaphore(%arg12 : memref<!tpu.dma_semaphore, #tpu.memory_space<semaphore_mem>>) src(%dma_wait3A_404 : memref<10000x64xf32, #tpu.memory_space<hbm>>) dst(%arg8 : memref<100x64xf32, #tpu.memory_space<vmem>>)
      %dma_start3A_405 = arith.constant 0 : i32
      %dma_start3A_406 = tpu.memref_slice %arg7[%add3A_376, %dma_start3A_405] : memref<200x100xi32, #tpu.memory_space<vmem>> -> memref<1x100xi32, #tpu.memory_space<vmem>>
      %dma_start3A_407 = tpu.memref_squeeze %dma_start3A_406 : memref<1x100xi32, #tpu.memory_space<vmem>> -> memref<100xi32, #tpu.memory_space<vmem>>
      %dma_start3A_408 = arith.constant 0 : i32
      %dma_start3A_409 = arith.constant 0 : i32
      %dma_start3A_410 = tpu.memref_slice %arg20[%dma_start3A_408, %dma_start3A_409] : memref<10000x64xf32, #tpu.memory_space<vmem_shared>> -> memref<10000x64xf32, #tpu.memory_space<vmem_shared>>
      tpu.enqueue_indirect_dma source(%arg8 : memref<100x64xf32, #tpu.memory_space<vmem>>) target(%dma_start3A_410 : memref<10000x64xf32, #tpu.memory_space<vmem_shared>>) offsets(%dma_start3A_407 : memref<100xi32, #tpu.memory_space<vmem>>) semaphore(%arg16 : memref<!tpu.dma_semaphore, #tpu.memory_space<semaphore_mem>>) {add = true}
      %add3A_411 = arith.constant 3 : i32
      %add3A_412 = arith.addi %add3A_302, %add3A_411 : i32
      %dma_wait3A_413 = arith.constant 0 : i32
      %dma_wait3A_414 = tpu.memref_slice %arg7[%add3A_412, %dma_wait3A_413] : memref<200x100xi32, #tpu.memory_space<vmem>> -> memref<1x100xi32, #tpu.memory_space<vmem>>
      %dma_wait3A_415 = tpu.memref_squeeze %dma_wait3A_414 : memref<1x100xi32, #tpu.memory_space<vmem>> -> memref<100xi32, #tpu.memory_space<vmem>>
      %dma_wait3A_416 = arith.constant 0 : i32
      %dma_wait3A_417 = arith.constant 0 : i32
      %dma_wait3A_418 = tpu.memref_slice %arg20[%dma_wait3A_416, %dma_wait3A_417] : memref<10000x64xf32, #tpu.memory_space<vmem_shared>> -> memref<10000x64xf32, #tpu.memory_space<vmem_shared>>
      tpu.wait_indirect_dma semaphore(%arg19 : memref<!tpu.dma_semaphore, #tpu.memory_space<semaphore_mem>>) src(%arg11 : memref<100x64xf32, #tpu.memory_space<vmem>>) dst(%dma_wait3A_418 : memref<10000x64xf32, #tpu.memory_space<vmem_shared>>)
      %add3A_419 = arith.constant 2 : i32
      %add3A_420 = arith.addi %add3A_412, %add3A_419 : i32
      %dma_start3A_421 = arith.constant 0 : i32
      %dma_start3A_422 = tpu.memref_slice %arg6[%add3A_420, %dma_start3A_421] : memref<200x100xi32, #tpu.memory_space<vmem>> -> memref<1x100xi32, #tpu.memory_space<vmem>>
      %dma_start3A_423 = tpu.memref_squeeze %dma_start3A_422 : memref<1x100xi32, #tpu.memory_space<vmem>> -> memref<100xi32, #tpu.memory_space<vmem>>
      %dma_start3A_424 = arith.constant 0 : i32
      %dma_start3A_425 = arith.constant 0 : i32
      %dma_start3A_426 = tpu.memref_slice %arg2[%arg0, %dma_start3A_424, %dma_start3A_425] : memref<2x10000x64xf32, #tpu.memory_space<hbm>> -> memref<1x10000x64xf32, #tpu.memory_space<hbm>>
      %dma_start3A_427 = tpu.memref_squeeze %dma_start3A_426 : memref<1x10000x64xf32, #tpu.memory_space<hbm>> -> memref<10000x64xf32, #tpu.memory_space<hbm>>
      %dma_start3A_428 = arith.constant 0 : i32
      %dma_start3A_429 = arith.constant 0 : i32
      %dma_start3A_430 = tpu.memref_slice %dma_start3A_427[%dma_start3A_428, %dma_start3A_429] : memref<10000x64xf32, #tpu.memory_space<hbm>> -> memref<10000x64xf32, #tpu.memory_space<hbm>>
      tpu.enqueue_indirect_dma source(%dma_start3A_430 : memref<10000x64xf32, #tpu.memory_space<hbm>>) target(%arg11 : memref<100x64xf32, #tpu.memory_space<vmem>>) offsets(%dma_start3A_423 : memref<100xi32, #tpu.memory_space<vmem>>) semaphore(%arg15 : memref<!tpu.dma_semaphore, #tpu.memory_space<semaphore_mem>>)
      %dma_wait3A_431 = arith.constant 0 : i32
      %dma_wait3A_432 = tpu.memref_slice %arg6[%add3A_412, %dma_wait3A_431] : memref<200x100xi32, #tpu.memory_space<vmem>> -> memref<1x100xi32, #tpu.memory_space<vmem>>
      %dma_wait3A_433 = tpu.memref_squeeze %dma_wait3A_432 : memref<1x100xi32, #tpu.memory_space<vmem>> -> memref<100xi32, #tpu.memory_space<vmem>>
      %dma_wait3A_434 = arith.constant 0 : i32
      %dma_wait3A_435 = arith.constant 0 : i32
      %dma_wait3A_436 = tpu.memref_slice %arg2[%arg0, %dma_wait3A_434, %dma_wait3A_435] : memref<2x10000x64xf32, #tpu.memory_space<hbm>> -> memref<1x10000x64xf32, #tpu.memory_space<hbm>>
      %dma_wait3A_437 = tpu.memref_squeeze %dma_wait3A_436 : memref<1x10000x64xf32, #tpu.memory_space<hbm>> -> memref<10000x64xf32, #tpu.memory_space<hbm>>
      %dma_wait3A_438 = arith.constant 0 : i32
      %dma_wait3A_439 = arith.constant 0 : i32
      %dma_wait3A_440 = tpu.memref_slice %dma_wait3A_437[%dma_wait3A_438, %dma_wait3A_439] : memref<10000x64xf32, #tpu.memory_space<hbm>> -> memref<10000x64xf32, #tpu.memory_space<hbm>>
      tpu.wait_indirect_dma semaphore(%arg13 : memref<!tpu.dma_semaphore, #tpu.memory_space<semaphore_mem>>) src(%dma_wait3A_440 : memref<10000x64xf32, #tpu.memory_space<hbm>>) dst(%arg9 : memref<100x64xf32, #tpu.memory_space<vmem>>)
      %dma_start3A_441 = arith.constant 0 : i32
      %dma_start3A_442 = tpu.memref_slice %arg7[%add3A_412, %dma_start3A_441] : memref<200x100xi32, #tpu.memory_space<vmem>> -> memref<1x100xi32, #tpu.memory_space<vmem>>
      %dma_start3A_443 = tpu.memref_squeeze %dma_start3A_442 : memref<1x100xi32, #tpu.memory_space<vmem>> -> memref<100xi32, #tpu.memory_space<vmem>>
      %dma_start3A_444 = arith.constant 0 : i32
      %dma_start3A_445 = arith.constant 0 : i32
      %dma_start3A_446 = tpu.memref_slice %arg20[%dma_start3A_444, %dma_start3A_445] : memref<10000x64xf32, #tpu.memory_space<vmem_shared>> -> memref<10000x64xf32, #tpu.memory_space<vmem_shared>>
      tpu.enqueue_indirect_dma source(%arg9 : memref<100x64xf32, #tpu.memory_space<vmem>>) target(%dma_start3A_446 : memref<10000x64xf32, #tpu.memory_space<vmem_shared>>) offsets(%dma_start3A_443 : memref<100xi32, #tpu.memory_space<vmem>>) semaphore(%arg17 : memref<!tpu.dma_semaphore, #tpu.memory_space<semaphore_mem>>) {add = true}
    }
    %scan3A_229 = arith.constant 48 : i32
    %dma_wait3A_230 = arith.constant 198 : i32
    %dma_wait3A_231 = arith.constant 0 : i32
    %dma_wait3A_232 = tpu.memref_slice %arg6[%dma_wait3A_230, %dma_wait3A_231] : memref<200x100xi32, #tpu.memory_space<vmem>> -> memref<1x100xi32, #tpu.memory_space<vmem>>
    %dma_wait3A_233 = tpu.memref_squeeze %dma_wait3A_232 : memref<1x100xi32, #tpu.memory_space<vmem>> -> memref<100xi32, #tpu.memory_space<vmem>>
    %dma_wait3A_234 = arith.constant 0 : i32
    %dma_wait3A_235 = arith.constant 0 : i32
    %dma_wait3A_236 = tpu.memref_slice %arg2[%arg0, %dma_wait3A_234, %dma_wait3A_235] : memref<2x10000x64xf32, #tpu.memory_space<hbm>> -> memref<1x10000x64xf32, #tpu.memory_space<hbm>>
    %dma_wait3A_237 = tpu.memref_squeeze %dma_wait3A_236 : memref<1x10000x64xf32, #tpu.memory_space<hbm>> -> memref<10000x64xf32, #tpu.memory_space<hbm>>
    %dma_wait3A_238 = arith.constant 0 : i32
    %dma_wait3A_239 = arith.constant 0 : i32
    %dma_wait3A_240 = tpu.memref_slice %dma_wait3A_237[%dma_wait3A_238, %dma_wait3A_239] : memref<10000x64xf32, #tpu.memory_space<hbm>> -> memref<10000x64xf32, #tpu.memory_space<hbm>>
    tpu.wait_indirect_dma semaphore(%arg14 : memref<!tpu.dma_semaphore, #tpu.memory_space<semaphore_mem>>) src(%dma_wait3A_240 : memref<10000x64xf32, #tpu.memory_space<hbm>>) dst(%arg10 : memref<100x64xf32, #tpu.memory_space<vmem>>)
    %dma_start3A_241 = arith.constant 198 : i32
    %dma_start3A_242 = arith.constant 0 : i32
    %dma_start3A_243 = tpu.memref_slice %arg7[%dma_start3A_241, %dma_start3A_242] : memref<200x100xi32, #tpu.memory_space<vmem>> -> memref<1x100xi32, #tpu.memory_space<vmem>>
    %dma_start3A_244 = tpu.memref_squeeze %dma_start3A_243 : memref<1x100xi32, #tpu.memory_space<vmem>> -> memref<100xi32, #tpu.memory_space<vmem>>
    %dma_start3A_245 = arith.constant 0 : i32
    %dma_start3A_246 = arith.constant 0 : i32
    %dma_start3A_247 = tpu.memref_slice %arg20[%dma_start3A_245, %dma_start3A_246] : memref<10000x64xf32, #tpu.memory_space<vmem_shared>> -> memref<10000x64xf32, #tpu.memory_space<vmem_shared>>
    tpu.enqueue_indirect_dma source(%arg10 : memref<100x64xf32, #tpu.memory_space<vmem>>) target(%dma_start3A_247 : memref<10000x64xf32, #tpu.memory_space<vmem_shared>>) offsets(%dma_start3A_244 : memref<100xi32, #tpu.memory_space<vmem>>) semaphore(%arg18 : memref<!tpu.dma_semaphore, #tpu.memory_space<semaphore_mem>>) {add = true}
    %dma_wait3A_248 = arith.constant 199 : i32
    %dma_wait3A_249 = arith.constant 0 : i32
    %dma_wait3A_250 = tpu.memref_slice %arg6[%dma_wait3A_248, %dma_wait3A_249] : memref<200x100xi32, #tpu.memory_space<vmem>> -> memref<1x100xi32, #tpu.memory_space<vmem>>
    %dma_wait3A_251 = tpu.memref_squeeze %dma_wait3A_250 : memref<1x100xi32, #tpu.memory_space<vmem>> -> memref<100xi32, #tpu.memory_space<vmem>>
    %dma_wait3A_252 = arith.constant 0 : i32
    %dma_wait3A_253 = arith.constant 0 : i32
    %dma_wait3A_254 = tpu.memref_slice %arg2[%arg0, %dma_wait3A_252, %dma_wait3A_253] : memref<2x10000x64xf32, #tpu.memory_space<hbm>> -> memref<1x10000x64xf32, #tpu.memory_space<hbm>>
    %dma_wait3A_255 = tpu.memref_squeeze %dma_wait3A_254 : memref<1x10000x64xf32, #tpu.memory_space<hbm>> -> memref<10000x64xf32, #tpu.memory_space<hbm>>
    %dma_wait3A_256 = arith.constant 0 : i32
    %dma_wait3A_257 = arith.constant 0 : i32
    %dma_wait3A_258 = tpu.memref_slice %dma_wait3A_255[%dma_wait3A_256, %dma_wait3A_257] : memref<10000x64xf32, #tpu.memory_space<hbm>> -> memref<10000x64xf32, #tpu.memory_space<hbm>>
    tpu.wait_indirect_dma semaphore(%arg15 : memref<!tpu.dma_semaphore, #tpu.memory_space<semaphore_mem>>) src(%dma_wait3A_258 : memref<10000x64xf32, #tpu.memory_space<hbm>>) dst(%arg11 : memref<100x64xf32, #tpu.memory_space<vmem>>)
    %dma_start3A_259 = arith.constant 199 : i32
    %dma_start3A_260 = arith.constant 0 : i32
    %dma_start3A_261 = tpu.memref_slice %arg7[%dma_start3A_259, %dma_start3A_260] : memref<200x100xi32, #tpu.memory_space<vmem>> -> memref<1x100xi32, #tpu.memory_space<vmem>>
    %dma_start3A_262 = tpu.memref_squeeze %dma_start3A_261 : memref<1x100xi32, #tpu.memory_space<vmem>> -> memref<100xi32, #tpu.memory_space<vmem>>
    %dma_start3A_263 = arith.constant 0 : i32
    %dma_start3A_264 = arith.constant 0 : i32
    %dma_start3A_265 = tpu.memref_slice %arg20[%dma_start3A_263, %dma_start3A_264] : memref<10000x64xf32, #tpu.memory_space<vmem_shared>> -> memref<10000x64xf32, #tpu.memory_space<vmem_shared>>
    tpu.enqueue_indirect_dma source(%arg11 : memref<100x64xf32, #tpu.memory_space<vmem>>) target(%dma_start3A_265 : memref<10000x64xf32, #tpu.memory_space<vmem_shared>>) offsets(%dma_start3A_262 : memref<100xi32, #tpu.memory_space<vmem>>) semaphore(%arg19 : memref<!tpu.dma_semaphore, #tpu.memory_space<semaphore_mem>>) {add = true}
    %dma_wait3A_266 = arith.constant 196 : i32
    %dma_wait3A_267 = arith.constant 0 : i32
    %dma_wait3A_268 = tpu.memref_slice %arg7[%dma_wait3A_266, %dma_wait3A_267] : memref<200x100xi32, #tpu.memory_space<vmem>> -> memref<1x100xi32, #tpu.memory_space<vmem>>
    %dma_wait3A_269 = tpu.memref_squeeze %dma_wait3A_268 : memref<1x100xi32, #tpu.memory_space<vmem>> -> memref<100xi32, #tpu.memory_space<vmem>>
    %dma_wait3A_270 = arith.constant 0 : i32
    %dma_wait3A_271 = arith.constant 0 : i32
    %dma_wait3A_272 = tpu.memref_slice %arg20[%dma_wait3A_270, %dma_wait3A_271] : memref<10000x64xf32, #tpu.memory_space<vmem_shared>> -> memref<10000x64xf32, #tpu.memory_space<vmem_shared>>
    tpu.wait_indirect_dma semaphore(%arg16 : memref<!tpu.dma_semaphore, #tpu.memory_space<semaphore_mem>>) src(%arg8 : memref<100x64xf32, #tpu.memory_space<vmem>>) dst(%dma_wait3A_272 : memref<10000x64xf32, #tpu.memory_space<vmem_shared>>)
    %dma_wait3A_273 = arith.constant 197 : i32
    %dma_wait3A_274 = arith.constant 0 : i32
    %dma_wait3A_275 = tpu.memref_slice %arg7[%dma_wait3A_273, %dma_wait3A_274] : memref<200x100xi32, #tpu.memory_space<vmem>> -> memref<1x100xi32, #tpu.memory_space<vmem>>
    %dma_wait3A_276 = tpu.memref_squeeze %dma_wait3A_275 : memref<1x100xi32, #tpu.memory_space<vmem>> -> memref<100xi32, #tpu.memory_space<vmem>>
    %dma_wait3A_277 = arith.constant 0 : i32
    %dma_wait3A_278 = arith.constant 0 : i32
    %dma_wait3A_279 = tpu.memref_slice %arg20[%dma_wait3A_277, %dma_wait3A_278] : memref<10000x64xf32, #tpu.memory_space<vmem_shared>> -> memref<10000x64xf32, #tpu.memory_space<vmem_shared>>
    tpu.wait_indirect_dma semaphore(%arg17 : memref<!tpu.dma_semaphore, #tpu.memory_space<semaphore_mem>>) src(%arg9 : memref<100x64xf32, #tpu.memory_space<vmem>>) dst(%dma_wait3A_279 : memref<10000x64xf32, #tpu.memory_space<vmem_shared>>)
    %dma_wait3A_280 = arith.constant 198 : i32
    %dma_wait3A_281 = arith.constant 0 : i32
    %dma_wait3A_282 = tpu.memref_slice %arg7[%dma_wait3A_280, %dma_wait3A_281] : memref<200x100xi32, #tpu.memory_space<vmem>> -> memref<1x100xi32, #tpu.memory_space<vmem>>
    %dma_wait3A_283 = tpu.memref_squeeze %dma_wait3A_282 : memref<1x100xi32, #tpu.memory_space<vmem>> -> memref<100xi32, #tpu.memory_space<vmem>>
    %dma_wait3A_284 = arith.constant 0 : i32
    %dma_wait3A_285 = arith.constant 0 : i32
    %dma_wait3A_286 = tpu.memref_slice %arg20[%dma_wait3A_284, %dma_wait3A_285] : memref<10000x64xf32, #tpu.memory_space<vmem_shared>> -> memref<10000x64xf32, #tpu.memory_space<vmem_shared>>
    tpu.wait_indirect_dma semaphore(%arg18 : memref<!tpu.dma_semaphore, #tpu.memory_space<semaphore_mem>>) src(%arg10 : memref<100x64xf32, #tpu.memory_space<vmem>>) dst(%dma_wait3A_286 : memref<10000x64xf32, #tpu.memory_space<vmem_shared>>)
    %dma_wait3A_287 = arith.constant 199 : i32
    %dma_wait3A_288 = arith.constant 0 : i32
    %dma_wait3A_289 = tpu.memref_slice %arg7[%dma_wait3A_287, %dma_wait3A_288] : memref<200x100xi32, #tpu.memory_space<vmem>> -> memref<1x100xi32, #tpu.memory_space<vmem>>
    %dma_wait3A_290 = tpu.memref_squeeze %dma_wait3A_289 : memref<1x100xi32, #tpu.memory_space<vmem>> -> memref<100xi32, #tpu.memory_space<vmem>>
    %dma_wait3A_291 = arith.constant 0 : i32
    %dma_wait3A_292 = arith.constant 0 : i32
    %dma_wait3A_293 = tpu.memref_slice %arg20[%dma_wait3A_291, %dma_wait3A_292] : memref<10000x64xf32, #tpu.memory_space<vmem_shared>> -> memref<10000x64xf32, #tpu.memory_space<vmem_shared>>
    tpu.wait_indirect_dma semaphore(%arg19 : memref<!tpu.dma_semaphore, #tpu.memory_space<semaphore_mem>>) src(%arg11 : memref<100x64xf32, #tpu.memory_space<vmem>>) dst(%dma_wait3A_293 : memref<10000x64xf32, #tpu.memory_space<vmem_shared>>)
    %barrier3A_294 = arith.constant 0 : index
    tpu.barrier barrier_id(%barrier3A_294)
    %mul3A_295 = arith.constant 625 : i32
    %mul3A_296 = arith.muli %arg1, %mul3A_295 : i32
    %mul3A_297 = arith.constant 625 : i32
    %mul3A_298 = arith.muli %arg1, %mul3A_297 : i32
    "tpu.region"() ({
      %run_scoped3A = tpu.sem_alloc : memref<!tpu.dma_semaphore, #tpu.memory_space<semaphore_mem>>
      %dma_start3A_299 = arith.constant 0 : i32
      %dma_start3A_300 = tpu.memref_slice %arg5[%arg0, %mul3A_298, %dma_start3A_299] : memref<2x10000x64xf32, #tpu.memory_space<hbm>> -> memref<1x625x64xf32, #tpu.memory_space<hbm>>
      %dma_start3A_301 = tpu.memref_squeeze %dma_start3A_300 : memref<1x625x64xf32, #tpu.memory_space<hbm>> -> memref<625x64xf32, #tpu.memory_space<hbm>>
      %dma_start3A_302 = arith.constant 0 : i32
      %dma_start3A_303 = tpu.memref_slice %arg20[%mul3A_296, %dma_start3A_302] : memref<10000x64xf32, #tpu.memory_space<vmem_shared>> -> memref<625x64xf32, #tpu.memory_space<vmem_shared>>
      tpu.enqueue_dma source(%dma_start3A_303 : memref<625x64xf32, #tpu.memory_space<vmem_shared>>) target(%dma_start3A_301 : memref<625x64xf32, #tpu.memory_space<hbm>>) target_semaphore(%run_scoped3A : memref<!tpu.dma_semaphore, #tpu.memory_space<semaphore_mem>>)
      %dma_wait3A_304 = arith.constant 0 : i32
      %dma_wait3A_305 = tpu.memref_slice %arg5[%arg0, %mul3A_298, %dma_wait3A_304] : memref<2x10000x64xf32, #tpu.memory_space<hbm>> -> memref<1x625x64xf32, #tpu.memory_space<hbm>>
      %dma_wait3A_306 = tpu.memref_squeeze %dma_wait3A_305 : memref<1x625x64xf32, #tpu.memory_space<hbm>> -> memref<625x64xf32, #tpu.memory_space<hbm>>
      %dma_wait3A_307 = arith.constant 0 : i32
      %dma_wait3A_308 = tpu.memref_slice %arg20[%mul3A_296, %dma_wait3A_307] : memref<10000x64xf32, #tpu.memory_space<vmem_shared>> -> memref<625x64xf32, #tpu.memory_space<vmem_shared>>
      tpu.wait_dma2 semaphore(%run_scoped3A : memref<!tpu.dma_semaphore, #tpu.memory_space<semaphore_mem>>) src(%dma_wait3A_308 : memref<625x64xf32, #tpu.memory_space<vmem_shared>>) dst(%dma_wait3A_306 : memref<625x64xf32, #tpu.memory_space<hbm>>)
      tpu.yield
    }) : () -> ()
    return
  }
}

module attributes {stable_mosaic.version = 14 : i64} {
  func.func @_mm1_body(%arg0: i32, %arg1: memref<1000x128xf32, #tpu.memory_space<vmem>>, %arg2: memref<128x128xf32, #tpu.memory_space<vmem>>, %arg3: memref<1000x128xf32, #tpu.memory_space<vmem>>) attributes {dimension_semantics = [#tpu.dimension_semantics<arbitrary>], iteration_bounds = array<i64: 10>, scalar_prefetch = 0 : i64, scratch_operands = 0 : i64, tpu.core_type = #tpu.core_type<tc>, window_params = [{transform_indices = @transform_0, window_bounds = array<i64: 1000, 128>}, {pipeline_mode = #tpu.pipeline_mode<synchronous>, transform_indices = @transform_1, window_bounds = array<i64: 128, 128>}, {transform_indices = @transform_2, window_bounds = array<i64: 1000, 128>}]} {
    %get3A = arith.constant 0 : index
    %get3A_0 = arith.constant 0 : index
    %get3A_1 = vector.load %arg1[%get3A, %get3A_0] : memref<1000x128xf32, #tpu.memory_space<vmem>>, vector<1000x128xf32>
    %get3A_2 = arith.constant 0 : index
    %get3A_3 = arith.constant 0 : index
    %get3A_4 = vector.load %arg2[%get3A_2, %get3A_3] : memref<128x128xf32, #tpu.memory_space<vmem>>, vector<128x128xf32>
    %dot_general3A = arith.constant dense<0.000000e+00> : vector<1000x128xf32>
    %dot_general3A_5 = tpu.matmul %get3A_1, %get3A_4, %dot_general3A {dimension_numbers = #tpu.dot_dimension_numbers<[1], [0], [0], [1], [0, 0, 1, 1], [], []>, precision = #tpu.contract_precision<fp32>, transpose_lhs_hint = false} : vector<1000x128xf32>, vector<128x128xf32>, vector<1000x128xf32> -> vector<1000x128xf32>
    %swap3A = arith.constant 0 : index
    %swap3A_6 = arith.constant 0 : index
    %swap3A_7 = vector.load %arg3[%swap3A, %swap3A_6] : memref<1000x128xf32, #tpu.memory_space<vmem>>, vector<1000x128xf32>
    tpu.vector_store %arg3[%swap3A, %swap3A_6], %dot_general3A_5 {strides = array<i32>} : memref<1000x128xf32, #tpu.memory_space<vmem>>, vector<1000x128xf32>,
    return
  }
  func.func @transform_0(%arg0: i32) -> (i32, i32) {
    %c0_i32 = arith.constant 0 : i32
    %c0_i32_0 = arith.constant 0 : i32
    return %arg0, %c0_i32 : i32, i32
  }
  func.func @transform_1(%arg0: i32) -> (i32, i32) {
    %c0_i32 = arith.constant 0 : i32
    %c0_i32_0 = arith.constant 0 : i32
    %c0_i32_1 = arith.constant 0 : i32
    return %c0_i32, %c0_i32_0 : i32, i32
  }
  func.func @transform_2(%arg0: i32) -> (i32, i32) {
    %c0_i32 = arith.constant 0 : i32
    %c0_i32_0 = arith.constant 0 : i32
    return %arg0, %c0_i32 : i32, i32
  }
}

module attributes {stable_mosaic.version = 14 : i64} {
  func.func @_scale1_body(%arg0: i32, %arg1: memref<2x1000x16xf32, #tpu.memory_space<vmem>>, %arg2: memref<1000x128xf32, #tpu.memory_space<vmem>>, %arg3: memref<2x1000x64xf32, #tpu.memory_space<vmem>>) attributes {dimension_semantics = [#tpu.dimension_semantics<arbitrary>], iteration_bounds = array<i64: 10>, scalar_prefetch = 0 : i64, scratch_operands = 0 : i64, tpu.core_type = #tpu.core_type<tc>, window_params = [{transform_indices = @transform_0, window_bounds = array<i64: 2, 1000, 16>}, {transform_indices = @transform_1, window_bounds = array<i64: 1000, 128>}, {transform_indices = @transform_2, window_bounds = array<i64: 2, 1000, 64>}]} {
    %get3A = arith.constant 0 : index
    %get3A_0 = arith.constant 0 : index
    %get3A_1 = arith.constant 0 : index
    %get3A_2 = vector.load %arg1[%get3A, %get3A_0, %get3A_1] : memref<2x1000x16xf32, #tpu.memory_space<vmem>>, vector<2x1000x16xf32>
    %slice3A = vector.extract_strided_slice %get3A_2 {offsets = [0, 0, 0], sizes = [1, 1000, 1], strides = [1, 1, 1]} : vector<2x1000x16xf32> to vector<1x1000x1xf32>
    %squeeze3A = vector.shape_cast %slice3A : vector<1x1000x1xf32> to vector<1000xf32>
    %slice3A_3 = vector.extract_strided_slice %get3A_2 {offsets = [1, 0, 0], sizes = [1, 1000, 1], strides = [1, 1, 1]} : vector<2x1000x16xf32> to vector<1x1000x1xf32>
    %squeeze3A_4 = vector.shape_cast %slice3A_3 : vector<1x1000x1xf32> to vector<1000xf32>
    %add3A = arith.addf %squeeze3A, %squeeze3A_4 : vector<1000xf32>
    %sub3A = arith.constant 1.000000e+00 : f32
    %sub3A_5 = vector.broadcast %sub3A : f32 to vector<1000xf32>
    %sub3A_6 = arith.subf %add3A, %sub3A_5 : vector<1000xf32>
    %max3A = arith.constant 1.000000e+00 : f32
    %max3A_7 = vector.broadcast %max3A : f32 to vector<1000xf32>
    %max3A_8 = arith.maximumf %sub3A_6, %max3A_7 : vector<1000xf32>
    %rsqrt3A = math.rsqrt %max3A_8 : vector<1000xf32>
    %get3A_9 = arith.constant 0 : index
    %get3A_10 = arith.constant 0 : index
    %get3A_11 = vector.load %arg2[%get3A_9, %get3A_10] : memref<1000x128xf32, #tpu.memory_space<vmem>>, vector<1000x128xf32>
    %broadcast_in_dim3A = vector.shape_cast %rsqrt3A : vector<1000xf32> to vector<1000x1xf32>
    %mul3A = vector.broadcast %broadcast_in_dim3A : vector<1000x1xf32> to vector<1000x128xf32>
    %mul3A_12 = arith.mulf %get3A_11, %mul3A : vector<1000x128xf32>
    %slice3A_13 = vector.extract_strided_slice %mul3A_12 {offsets = [0, 0], sizes = [1000, 64], strides = [1, 1]} : vector<1000x128xf32> to vector<1000x64xf32>
    %swap3A = arith.constant 0 : index
    %swap3A_14 = arith.constant 0 : index
    %swap3A_15 = arith.constant 0 : index
    %swap3A_16 = vector.load %arg3[%swap3A, %swap3A_14, %swap3A_15] : memref<2x1000x64xf32, #tpu.memory_space<vmem>>, vector<1x1000x64xf32>
    %swap3A_17 = vector.shape_cast %swap3A_16 : vector<1x1000x64xf32> to vector<1000x64xf32>
    %swap3A_18 = vector.shape_cast %slice3A_13 : vector<1000x64xf32> to vector<1x1000x64xf32>
    tpu.vector_store %arg3[%swap3A, %swap3A_14, %swap3A_15], %swap3A_18 {strides = array<i32>} : memref<2x1000x64xf32, #tpu.memory_space<vmem>>, vector<1x1000x64xf32>,
    %slice3A_19 = vector.extract_strided_slice %mul3A_12 {offsets = [0, 64], sizes = [1000, 64], strides = [1, 1]} : vector<1000x128xf32> to vector<1000x64xf32>
    %swap3A_20 = arith.constant 1 : index
    %swap3A_21 = arith.constant 0 : index
    %swap3A_22 = arith.constant 0 : index
    %swap3A_23 = vector.load %arg3[%swap3A_20, %swap3A_21, %swap3A_22] : memref<2x1000x64xf32, #tpu.memory_space<vmem>>, vector<1x1000x64xf32>
    %swap3A_24 = vector.shape_cast %swap3A_23 : vector<1x1000x64xf32> to vector<1000x64xf32>
    %swap3A_25 = vector.shape_cast %slice3A_19 : vector<1000x64xf32> to vector<1x1000x64xf32>
    tpu.vector_store %arg3[%swap3A_20, %swap3A_21, %swap3A_22], %swap3A_25 {strides = array<i32>} : memref<2x1000x64xf32, #tpu.memory_space<vmem>>, vector<1x1000x64xf32>,
    return
  }
  func.func @transform_0(%arg0: i32) -> (i32, i32, i32) {
    %c0_i32 = arith.constant 0 : i32
    %c0_i32_0 = arith.constant 0 : i32
    %c0_i32_1 = arith.constant 0 : i32
    return %c0_i32, %arg0, %c0_i32_0 : i32, i32, i32
  }
  func.func @transform_1(%arg0: i32) -> (i32, i32) {
    %c0_i32 = arith.constant 0 : i32
    %c0_i32_0 = arith.constant 0 : i32
    return %arg0, %c0_i32 : i32, i32
  }
  func.func @transform_2(%arg0: i32) -> (i32, i32, i32) {
    %c0_i32 = arith.constant 0 : i32
    %c0_i32_0 = arith.constant 0 : i32
    %c0_i32_1 = arith.constant 0 : i32
    return %c0_i32, %arg0, %c0_i32_0 : i32, i32, i32
  }
}

module attributes {stable_mosaic.version = 14 : i64} {
  func.func @_l2_body(%arg0: i32, %arg1: memref<2x1000x16xf32, #tpu.memory_space<vmem>>, %arg2: memref<2x1000x64xf32, #tpu.memory_space<vmem>>, %arg3: memref<128x128xf32, #tpu.memory_space<vmem>>, %arg4: memref<1x128xf32, #tpu.memory_space<vmem>>, %arg5: memref<2x1000x64xf32, #tpu.memory_space<vmem>>) attributes {dimension_semantics = [#tpu.dimension_semantics<arbitrary>], iteration_bounds = array<i64: 10>, scalar_prefetch = 0 : i64, scratch_operands = 0 : i64, tpu.core_type = #tpu.core_type<tc>, window_params = [{transform_indices = @transform_0, window_bounds = array<i64: 2, 1000, 16>}, {transform_indices = @transform_1, window_bounds = array<i64: 2, 1000, 64>}, {pipeline_mode = #tpu.pipeline_mode<synchronous>, transform_indices = @transform_2, window_bounds = array<i64: 128, 128>}, {pipeline_mode = #tpu.pipeline_mode<synchronous>, transform_indices = @transform_3, window_bounds = array<i64: 1, 128>}, {transform_indices = @transform_4, window_bounds = array<i64: 2, 1000, 64>}]} {
    %get3A = arith.constant 0 : index
    %get3A_0 = arith.constant 0 : index
    %get3A_1 = arith.constant 0 : index
    %get3A_2 = vector.load %arg1[%get3A, %get3A_0, %get3A_1] : memref<2x1000x16xf32, #tpu.memory_space<vmem>>, vector<2x1000x16xf32>
    %slice3A = vector.extract_strided_slice %get3A_2 {offsets = [0, 0, 0], sizes = [1, 1000, 1], strides = [1, 1, 1]} : vector<2x1000x16xf32> to vector<1x1000x1xf32>
    %squeeze3A = vector.shape_cast %slice3A : vector<1x1000x1xf32> to vector<1000xf32>
    %slice3A_3 = vector.extract_strided_slice %get3A_2 {offsets = [1, 0, 0], sizes = [1, 1000, 1], strides = [1, 1, 1]} : vector<2x1000x16xf32> to vector<1x1000x1xf32>
    %squeeze3A_4 = vector.shape_cast %slice3A_3 : vector<1x1000x1xf32> to vector<1000xf32>
    %add3A = arith.addf %squeeze3A, %squeeze3A_4 : vector<1000xf32>
    %sub3A = arith.constant 1.000000e+00 : f32
    %sub3A_5 = vector.broadcast %sub3A : f32 to vector<1000xf32>
    %sub3A_6 = arith.subf %add3A, %sub3A_5 : vector<1000xf32>
    %max3A = arith.constant 1.000000e+00 : f32
    %max3A_7 = vector.broadcast %max3A : f32 to vector<1000xf32>
    %max3A_8 = arith.maximumf %sub3A_6, %max3A_7 : vector<1000xf32>
    %rsqrt3A = math.rsqrt %max3A_8 : vector<1000xf32>
    %get3A_9 = arith.constant 0 : index
    %get3A_10 = arith.constant 0 : index
    %get3A_11 = arith.constant 0 : index
    %get3A_12 = vector.load %arg2[%get3A_9, %get3A_10, %get3A_11] : memref<2x1000x64xf32, #tpu.memory_space<vmem>>, vector<2x1000x64xf32>
    %slice3A_13 = vector.extract_strided_slice %get3A_12 {offsets = [0, 0, 0], sizes = [1, 1000, 64], strides = [1, 1, 1]} : vector<2x1000x64xf32> to vector<1x1000x64xf32>
    %squeeze3A_14 = vector.shape_cast %slice3A_13 : vector<1x1000x64xf32> to vector<1000x64xf32>
    %slice3A_15 = vector.extract_strided_slice %get3A_12 {offsets = [1, 0, 0], sizes = [1, 1000, 64], strides = [1, 1, 1]} : vector<2x1000x64xf32> to vector<1x1000x64xf32>
    %squeeze3A_16 = vector.shape_cast %slice3A_15 : vector<1x1000x64xf32> to vector<1000x64xf32>
    %concatenate3A = tpu.concatenate %squeeze3A_14, %squeeze3A_16 in 1 : vector<1000x64xf32>, vector<1000x64xf32> -> vector<1000x128xf32>
    %broadcast_in_dim3A = vector.shape_cast %rsqrt3A : vector<1000xf32> to vector<1000x1xf32>
    %mul3A = vector.broadcast %broadcast_in_dim3A : vector<1000x1xf32> to vector<1000x128xf32>
    %mul3A_17 = arith.mulf %concatenate3A, %mul3A : vector<1000x128xf32>
    %get3A_18 = arith.constant 0 : index
    %get3A_19 = arith.constant 0 : index
    %get3A_20 = vector.load %arg4[%get3A_18, %get3A_19] : memref<1x128xf32, #tpu.memory_space<vmem>>, vector<1x128xf32>
    %add3A_21 = vector.broadcast %get3A_20 : vector<1x128xf32> to vector<1000x128xf32>
    %add3A_22 = arith.addf %mul3A_17, %add3A_21 : vector<1000x128xf32>
    %max3A_23 = arith.constant 0.000000e+00 : f32
    %max3A_24 = vector.broadcast %max3A_23 : f32 to vector<1000x128xf32>
    %max3A_25 = arith.maximumf %add3A_22, %max3A_24 : vector<1000x128xf32>
    %get3A_26 = arith.constant 0 : index
    %get3A_27 = arith.constant 0 : index
    %get3A_28 = vector.load %arg3[%get3A_26, %get3A_27] : memref<128x128xf32, #tpu.memory_space<vmem>>, vector<128x128xf32>
    %dot_general3A = arith.constant dense<0.000000e+00> : vector<1000x128xf32>
    %dot_general3A_29 = tpu.matmul %max3A_25, %get3A_28, %dot_general3A {dimension_numbers = #tpu.dot_dimension_numbers<[1], [0], [0], [1], [0, 0, 1, 1], [], []>, precision = #tpu.contract_precision<fp32>, transpose_lhs_hint = false} : vector<1000x128xf32>, vector<128x128xf32>, vector<1000x128xf32> -> vector<1000x128xf32>
    %broadcast_in_dim3A_30 = vector.shape_cast %rsqrt3A : vector<1000xf32> to vector<1000x1xf32>
    %mul3A_31 = vector.broadcast %broadcast_in_dim3A_30 : vector<1000x1xf32> to vector<1000x128xf32>
    %mul3A_32 = arith.mulf %dot_general3A_29, %mul3A_31 : vector<1000x128xf32>
    %slice3A_33 = vector.extract_strided_slice %mul3A_32 {offsets = [0, 0], sizes = [1000, 64], strides = [1, 1]} : vector<1000x128xf32> to vector<1000x64xf32>
    %swap3A = arith.constant 0 : index
    %swap3A_34 = arith.constant 0 : index
    %swap3A_35 = arith.constant 0 : index
    %swap3A_36 = vector.load %arg5[%swap3A, %swap3A_34, %swap3A_35] : memref<2x1000x64xf32, #tpu.memory_space<vmem>>, vector<1x1000x64xf32>
    %swap3A_37 = vector.shape_cast %swap3A_36 : vector<1x1000x64xf32> to vector<1000x64xf32>
    %swap3A_38 = vector.shape_cast %slice3A_33 : vector<1000x64xf32> to vector<1x1000x64xf32>
    tpu.vector_store %arg5[%swap3A, %swap3A_34, %swap3A_35], %swap3A_38 {strides = array<i32>} : memref<2x1000x64xf32, #tpu.memory_space<vmem>>, vector<1x1000x64xf32>,
    %slice3A_39 = vector.extract_strided_slice %mul3A_32 {offsets = [0, 64], sizes = [1000, 64], strides = [1, 1]} : vector<1000x128xf32> to vector<1000x64xf32>
    %swap3A_40 = arith.constant 1 : index
    %swap3A_41 = arith.constant 0 : index
    %swap3A_42 = arith.constant 0 : index
    %swap3A_43 = vector.load %arg5[%swap3A_40, %swap3A_41, %swap3A_42] : memref<2x1000x64xf32, #tpu.memory_space<vmem>>, vector<1x1000x64xf32>
    %swap3A_44 = vector.shape_cast %swap3A_43 : vector<1x1000x64xf32> to vector<1000x64xf32>
    %swap3A_45 = vector.shape_cast %slice3A_39 : vector<1000x64xf32> to vector<1x1000x64xf32>
    tpu.vector_store %arg5[%swap3A_40, %swap3A_41, %swap3A_42], %swap3A_45 {strides = array<i32>} : memref<2x1000x64xf32, #tpu.memory_space<vmem>>, vector<1x1000x64xf32>,
    return
  }
  func.func @transform_0(%arg0: i32) -> (i32, i32, i32) {
    %c0_i32 = arith.constant 0 : i32
    %c0_i32_0 = arith.constant 0 : i32
    %c0_i32_1 = arith.constant 0 : i32
    return %c0_i32, %arg0, %c0_i32_0 : i32, i32, i32
  }
  func.func @transform_1(%arg0: i32) -> (i32, i32, i32) {
    %c0_i32 = arith.constant 0 : i32
    %c0_i32_0 = arith.constant 0 : i32
    %c0_i32_1 = arith.constant 0 : i32
    return %c0_i32, %arg0, %c0_i32_0 : i32, i32, i32
  }
  func.func @transform_2(%arg0: i32) -> (i32, i32) {
    %c0_i32 = arith.constant 0 : i32
    %c0_i32_0 = arith.constant 0 : i32
    %c0_i32_1 = arith.constant 0 : i32
    return %c0_i32, %c0_i32_0 : i32, i32
  }
  func.func @transform_3(%arg0: i32) -> (i32, i32) {
    %c0_i32 = arith.constant 0 : i32
    %c0_i32_0 = arith.constant 0 : i32
    %c0_i32_1 = arith.constant 0 : i32
    return %c0_i32, %c0_i32_0 : i32, i32
  }
  func.func @transform_4(%arg0: i32) -> (i32, i32, i32) {
    %c0_i32 = arith.constant 0 : i32
    %c0_i32_0 = arith.constant 0 : i32
    %c0_i32_1 = arith.constant 0 : i32
    return %c0_i32, %arg0, %c0_i32_0 : i32, i32, i32
  }
}

module attributes {stable_mosaic.version = 14 : i64} {
  func.func @_out_body(%arg0: i32, %arg1: memref<2x1000x16xf32, #tpu.memory_space<vmem>>, %arg2: memref<2x1000x64xf32, #tpu.memory_space<vmem>>, %arg3: memref<1x128xf32, #tpu.memory_space<vmem>>, %arg4: memref<1000x128xf32, #tpu.memory_space<vmem>>) attributes {dimension_semantics = [#tpu.dimension_semantics<arbitrary>], iteration_bounds = array<i64: 10>, scalar_prefetch = 0 : i64, scratch_operands = 0 : i64, tpu.core_type = #tpu.core_type<tc>, window_params = [{transform_indices = @transform_0, window_bounds = array<i64: 2, 1000, 16>}, {transform_indices = @transform_1, window_bounds = array<i64: 2, 1000, 64>}, {pipeline_mode = #tpu.pipeline_mode<synchronous>, transform_indices = @transform_2, window_bounds = array<i64: 1, 128>}, {transform_indices = @transform_3, window_bounds = array<i64: 1000, 128>}]} {
    %get3A = arith.constant 0 : index
    %get3A_0 = arith.constant 0 : index
    %get3A_1 = arith.constant 0 : index
    %get3A_2 = vector.load %arg1[%get3A, %get3A_0, %get3A_1] : memref<2x1000x16xf32, #tpu.memory_space<vmem>>, vector<2x1000x16xf32>
    %slice3A = vector.extract_strided_slice %get3A_2 {offsets = [0, 0, 0], sizes = [1, 1000, 1], strides = [1, 1, 1]} : vector<2x1000x16xf32> to vector<1x1000x1xf32>
    %squeeze3A = vector.shape_cast %slice3A : vector<1x1000x1xf32> to vector<1000xf32>
    %slice3A_3 = vector.extract_strided_slice %get3A_2 {offsets = [1, 0, 0], sizes = [1, 1000, 1], strides = [1, 1, 1]} : vector<2x1000x16xf32> to vector<1x1000x1xf32>
    %squeeze3A_4 = vector.shape_cast %slice3A_3 : vector<1x1000x1xf32> to vector<1000xf32>
    %add3A = arith.addf %squeeze3A, %squeeze3A_4 : vector<1000xf32>
    %sub3A = arith.constant 1.000000e+00 : f32
    %sub3A_5 = vector.broadcast %sub3A : f32 to vector<1000xf32>
    %sub3A_6 = arith.subf %add3A, %sub3A_5 : vector<1000xf32>
    %max3A = arith.constant 1.000000e+00 : f32
    %max3A_7 = vector.broadcast %max3A : f32 to vector<1000xf32>
    %max3A_8 = arith.maximumf %sub3A_6, %max3A_7 : vector<1000xf32>
    %rsqrt3A = math.rsqrt %max3A_8 : vector<1000xf32>
    %get3A_9 = arith.constant 0 : index
    %get3A_10 = arith.constant 0 : index
    %get3A_11 = arith.constant 0 : index
    %get3A_12 = vector.load %arg2[%get3A_9, %get3A_10, %get3A_11] : memref<2x1000x64xf32, #tpu.memory_space<vmem>>, vector<2x1000x64xf32>
    %slice3A_13 = vector.extract_strided_slice %get3A_12 {offsets = [0, 0, 0], sizes = [1, 1000, 64], strides = [1, 1, 1]} : vector<2x1000x64xf32> to vector<1x1000x64xf32>
    %squeeze3A_14 = vector.shape_cast %slice3A_13 : vector<1x1000x64xf32> to vector<1000x64xf32>
    %slice3A_15 = vector.extract_strided_slice %get3A_12 {offsets = [1, 0, 0], sizes = [1, 1000, 64], strides = [1, 1, 1]} : vector<2x1000x64xf32> to vector<1x1000x64xf32>
    %squeeze3A_16 = vector.shape_cast %slice3A_15 : vector<1x1000x64xf32> to vector<1000x64xf32>
    %concatenate3A = tpu.concatenate %squeeze3A_14, %squeeze3A_16 in 1 : vector<1000x64xf32>, vector<1000x64xf32> -> vector<1000x128xf32>
    %broadcast_in_dim3A = vector.shape_cast %rsqrt3A : vector<1000xf32> to vector<1000x1xf32>
    %mul3A = vector.broadcast %broadcast_in_dim3A : vector<1000x1xf32> to vector<1000x128xf32>
    %mul3A_17 = arith.mulf %concatenate3A, %mul3A : vector<1000x128xf32>
    %get3A_18 = arith.constant 0 : index
    %get3A_19 = arith.constant 0 : index
    %get3A_20 = vector.load %arg3[%get3A_18, %get3A_19] : memref<1x128xf32, #tpu.memory_space<vmem>>, vector<1x128xf32>
    %add3A_21 = vector.broadcast %get3A_20 : vector<1x128xf32> to vector<1000x128xf32>
    %add3A_22 = arith.addf %mul3A_17, %add3A_21 : vector<1000x128xf32>
    %swap3A = arith.constant 0 : index
    %swap3A_23 = arith.constant 0 : index
    %swap3A_24 = vector.load %arg4[%swap3A, %swap3A_23] : memref<1000x128xf32, #tpu.memory_space<vmem>>, vector<1000x128xf32>
    tpu.vector_store %arg4[%swap3A, %swap3A_23], %add3A_22 {strides = array<i32>} : memref<1000x128xf32, #tpu.memory_space<vmem>>, vector<1000x128xf32>,
    return
  }
  func.func @transform_0(%arg0: i32) -> (i32, i32, i32) {
    %c0_i32 = arith.constant 0 : i32
    %c0_i32_0 = arith.constant 0 : i32
    %c0_i32_1 = arith.constant 0 : i32
    return %c0_i32, %arg0, %c0_i32_0 : i32, i32, i32
  }
  func.func @transform_1(%arg0: i32) -> (i32, i32, i32) {
    %c0_i32 = arith.constant 0 : i32
    %c0_i32_0 = arith.constant 0 : i32
    %c0_i32_1 = arith.constant 0 : i32
    return %c0_i32, %arg0, %c0_i32_0 : i32, i32, i32
  }
  func.func @transform_2(%arg0: i32) -> (i32, i32) {
    %c0_i32 = arith.constant 0 : i32
    %c0_i32_0 = arith.constant 0 : i32
    %c0_i32_1 = arith.constant 0 : i32
    return %c0_i32, %c0_i32_0 : i32, i32
  }
  func.func @transform_3(%arg0: i32) -> (i32, i32) {
    %c0_i32 = arith.constant 0 : i32
    %c0_i32_0 = arith.constant 0 : i32
    return %arg0, %c0_i32 : i32, i32
  }
}

</mosaic_0001>

<sc_bundles>
// kernel: kernel.12.cloned.1.call-start
scs
__scs_entry_jumppad:
0x0: {  	(pc) =	sbr.rel $0x88, $3  }
0x1: {  	(tag) =	ssettag $0x0;
	lr =	simm.s32 $0x1  }
0x2: {  	[smem:$0x3F9B] =	sst lr;
	_ =	strace $0xD0000000  }
0x3: {  	_ = 	snop  }
0x4: {  	_ = 	snop  }
0x5: {  	_ = 	snop  }
0x6: {  	_ = 	snop  }
0x7: {  	_ = 	snop  }
__scs_overlays_trampoline_lowered:
0x8: {  	[smem:$0x3FAA] =	sst s0  }
0x9: {  	[smem:$0x3FAB] =	sst s1  }
0xa: {  	[smem:$0x3FAC] =	sst s2  }
0xb: {  	[smem:$0x3FAD] =	sst s3  }
0xc: {  	[smem:$0x3FAE] =	sst s4  }
0xd: {  	[smem:$0x3FAF] =	sst s5  }
0xe: {  	[smem:$0x3FB0] =	sst s6  }
0xf: {  	[smem:$0x3FB1] =	sst s7  }
0x10: {  	[smem:$0x3FB2] =	sst s8  }
0x11: {  	[smem:$0x3FB3] =	sst s9;
	s0 =	simm.s32 @!p0 $0x0  }
0x12: {  	s1 =	sld [smem:$0x3F99];
	s0 =	simm.s32 @p0 $0x1  }
0x13: {  	[smem:$0x3FB4] =	sst s0;
	s0 =	simm.s32 @!p1 $0x0  }
0x14: {  	s2 =	sld [smem:$0x3F98];
	s0 =	simm.s32 @p1 $0x1  }
0x15: {  	[smem:$0x3FB5] =	sst s0;
	s0 =	simm.s32 @!p2 $0x0  }
0x16: {  	s3 =	sld [smem:$0x3FDB];
	s0 =	simm.s32 @p2 $0x1  }
0x17: {  	s4 =	simm.s32 $0x1BF5;
	[smem:$0x3FB7] =	sst s0  }
0x18: {  	s0 =	sld [smem:$0x3F9A];
	_ =	swait.ge [sflag:s4], $0x0  }
0x19: {  	s7 =	sld [smem:$0x3F9B]  }
0x1a: {  	s8 =	sadd.s32 $0xFFFFE003, lr  }
0x1b: {  	s9 =	sadd.s32 $0xFFFFFEF7, lr;
	s5 =	simm.s32 $0xFFFFFFFF;
	p2 =	slt.u32 s8, $0xFFFFF086  }
0x1c: {  	p1 =	slt.u32 s9, $0xF7A;
	s5 =	simm.s32 @!p2 $0x0  }
0x1d: {  	s5 =	simm.s32 @p1 $0x1;
	p0 =	seq.s32 s7, s2  }
0x1e: {  	s7 =	smul.u32 @!p0 $0xF7A, s2;
	p2 =	seq.s32 @!p0 s5, $0x0  }
0x1f: {  	s9 =	smul.u32 $0xF7A, s1;
	s8 =	simm.s32 @!p0 $0x1BF5;
	p2 =	por !p2, p0  }
0x20: {  	[sflag:s8] =	ssyncset.s32 @!p0 $0xFFFFF086;
	s6 =	sadd.s32 @!p0 s3, s7;
	s7 =	simm.s32 @!p0 $0x108  }
0x21: {  	s3 =	sadd.s32 s3, s9;
	s6 =	sadd.s32 @!p0 $0x88, s6;
	s7 =	simm.s32 @p2 $0x1082  }
0x22: {  	[simem:s7], [sflag:s8] =	dma.local @!p0 [hbm:s6], $0xF7A  }
0x23: {  	s9 =	sor.u32 $0xD0000000, s2;
	s6 =	simm.s32 $0x108;
	_ =	swait.ge @!p0 [sflag:s8], $0x0  }
0x24: {  	s3 =	sadd.s32 $0x88, s3;
	s6 =	simm.s32 @!p1 $0x1082;
	[sflag:s4] =	ssyncset.s32 $0xFFFFF086  }
0x25: {  	[simem:s6], [sflag:s4] =	dma.local [hbm:s3], $0xF7A  }
0x26: {  	[smem:$0x3F9B] =	sst s1;
	(tag) =	ssettag s2;
	_ =	strace s9  }
0x27: {  	s1 =	sld [smem:$0x3FAB]  }
0x28: {  	s2 =	sld [smem:$0x3FAC]  }
0x29: {  	s4 =	sld [smem:$0x3FAE]  }
0x2a: {  	p0 =	seq.s32 s5, $0x0;
	s5 =	sld [smem:$0x3FAF]  }
0x2b: {  	s6 =	sld [smem:$0x3FB0]  }
0x2c: {  	s7 =	sld [smem:$0x3FB1]  }
0x2d: {  	s3 =	simm.s32 $0x108;
	s8 =	sld [smem:$0x3FB2]  }
0x2e: {  	s3 =	simm.s32 @!p0 $0x1082;
	s9 =	sld [smem:$0x3FB3]  }
0x2f: {  	lr =	sadd.s32 s0, s3;
	s0 =	sld [smem:$0x3FAA]  }
0x30: {  	s3 =	sld [smem:$0x3FAD]  }
0x31: {  	[smem:$0x3FB6] =	sst s10  }
0x32: {  	s10 =	sld [smem:$0x3FB4];
	_ =	sdelay $0x3  }
0x33: {  	p0 =	seq.s32 s10, $0x1;
	s10 =	sld [smem:$0x3FB6];
	_ =	sdelay $0x3  }
0x34: {  	[smem:$0x3FB6] =	sst s10  }
0x35: {  	s10 =	sld [smem:$0x3FB5];
	_ =	sdelay $0x3  }
0x36: {  	p1 =	seq.s32 s10, $0x1;
	s10 =	sld [smem:$0x3FB6];
	_ =	sdelay $0x3  }
0x37: {  	[smem:$0x3FB6] =	sst s10  }
0x38: {  	s10 =	sld [smem:$0x3FB7]  }
0x39: {  	_ = 	snop;
	(pc) =	sbr.ind lr, $3  }
0x3a: {  	_ = 	snop  }
0x3b: {  	_ = 	snop  }
0x3c: {  	p2 =	seq.s32 s10, $0x1;
	s10 =	sld [smem:$0x3FB6]  }
0x3d: {  	_ =	shalt  }
0x3e: {  	_ =	shalt  }
0x3f: {  	_ =	shalt  }
0x40: {  	_ =	shalt  }
0x41: {  	_ =	shalt  }
0x42: {  	_ =	shalt  }
0x43: {  	_ =	shalt  }
0x44: {  	_ =	shalt  }
0x45: {  	_ =	shalt  }
0x46: {  	_ =	shalt  }
0x47: {  	_ =	shalt  }
0x48: {  	_ =	shalt  }
0x49: {  	_ =	shalt  }
0x4a: {  	_ =	shalt  }
0x4b: {  	_ =	shalt  }
0x4c: {  	_ =	shalt  }
0x4d: {  	_ =	shalt  }
0x4e: {  	_ =	shalt  }
0x4f: {  	_ =	shalt  }
0x50: {  	_ =	shalt  }
0x51: {  	_ =	shalt  }
0x52: {  	_ =	shalt  }
0x53: {  	_ =	shalt  }
0x54: {  	_ =	shalt  }
0x55: {  	_ =	shalt  }
0x56: {  	_ =	shalt  }
0x57: {  	_ =	shalt  }
0x58: {  	_ =	shalt  }
0x59: {  	_ =	shalt  }
0x5a: {  	_ =	shalt  }
0x5b: {  	_ =	shalt  }
0x5c: {  	_ =	shalt  }
0x5d: {  	_ =	shalt  }
0x5e: {  	_ =	shalt  }
0x5f: {  	_ =	shalt  }
0x60: {  	_ =	shalt  }
0x61: {  	_ =	shalt  }
0x62: {  	_ =	shalt  }
0x63: {  	_ =	shalt  }
0x64: {  	_ =	shalt  }
0x65: {  	_ =	shalt  }
0x66: {  	_ =	shalt  }
0x67: {  	_ =	shalt  }
0x68: {  	_ =	shalt  }
0x69: {  	_ =	shalt  }
0x6a: {  	_ =	shalt  }
0x6b: {  	_ =	shalt  }
0x6c: {  	_ =	shalt  }
0x6d: {  	_ =	shalt  }
0x6e: {  	_ =	shalt  }
0x6f: {  	_ =	shalt  }
0x70: {  	_ =	shalt  }
0x71: {  	_ =	shalt  }
0x72: {  	_ =	shalt  }
0x73: {  	_ =	shalt  }
0x74: {  	_ =	shalt  }
0x75: {  	_ =	shalt  }
0x76: {  	_ =	shalt  }
0x77: {  	_ =	shalt  }
0x78: {  	_ =	shalt  }
0x79: {  	_ =	shalt  }
0x7a: {  	_ =	shalt  }
0x7b: {  	_ =	shalt  }
0x7c: {  	_ =	shalt  }
0x7d: {  	_ =	shalt  }
0x7e: {  	_ =	shalt  }
0x7f: {  	_ =	shalt  }
0x80: {  	_ =	shalt  }
0x81: {  	_ =	shalt  }
0x82: {  	_ =	shalt  }
0x83: {  	_ =	shalt  }
0x84: {  	_ =	shalt  }
0x85: {  	_ =	shalt  }
0x86: {  	_ =	shalt  }
0x87: {  	_ =	shalt  }
.Lfunc_end0:
.L_simem_size_0:
called_computation.1_lowered:
.L_overlay_start_0:
0x88: {  	s2 =	sld [smem:$0x3FD9]  }
0x89: {  	s3 =	sld [smem:$0x3FFE];
	_ =	sdelay $0x1  }
0x8a: {  	s1 =	srdreg.scid  }
0x8b: {  	s0 =	sand.u32 $0x1, s1  }
0x8c: {  	s17 =	sshll.u32 s0, $0xA;
	s2 =	sadd.s32 s3, s2  }
0x8d: {  	s2 =	sadd.s32 s2, s17  }
0x8e: {  	[smem:$0x3FC2] =	sst s2  }
0x8f: {  	_ = 	snop  }
0x90: {  	s2 =	sld [smem:$0x3FD0];
	(tm) =	ssettm $0x1  }
0x91: {  	s18 =	sld [smem:$0x3FFB];
	_ =	sdelay $0x3  }
0x92: {  	_ =	strace s18  }
0x93: {  	s3 =	sld [smem:$0x3FFC];
	_ =	sdelay $0x3  }
0x94: {  	_ =	strace s3  }
0x95: {  	s3 =	sld [smem:$0x3FFD];
	_ =	sdelay $0x3  }
0x96: {  	_ =	strace s3  }
0x97: {  	_ =	strace $0x8FFFFFFF  }
0x98: {  	s19 =	sld [smem:$0x3FDB];
	_ =	sdelay $0x1  }
0x99: {  	s4 =	simm.s32 $_scs_section_size  }
0x9a: {  	s5 =	simm.s32 $_size__tile_overlayer_lowered;
	s6 =	simm.s32 $_tile_overlayer_lowered  }
0x9b: {  	s22 =	simm.s32 $0x1BFF;
	s21 =	sshll.u32 s6, $0x1;
	s3 =	sadd.s32 s4, s19  }
0x9c: {  	s7 =	simm.s32 $0x0;
	s20 =	sshll.u32 s5, $0x1;
	s5 =	sadd.s32 s21, s3  }
0x9d: {  	[timem:s7], [sflag:s22] =	dma.local [hbm:s5], s20  }
0x9e: {  	_ =	swait.ge [sflag:s22], s20  }
0x9f: {  	s4 =	ssub.s32 $0x0, s20;
	[sflag:s22] =	ssyncset.done $0x0  }
0xa0: {  	[sflag:s22] =	ssyncadd.s32 s4;
	_ =	sdelay $0x1  }
0xa1: {  	s23 =	simm.s32 $0x1B8B  }
0xa2: {  	_ =	swait.ge [sflag:s23], $0x1  }
0xa3: {  	[sflag:s23] =	ssyncset.done $0x0  }
0xa4: {  	s25 =	simm.s32 $0x1B8E;
	s24 =	sld [smem:$0x3FFE];
	[sflag:s23] =	ssyncadd.s32 $0xFFFFFFFF  }
0xa5: {  	s26 =	simm.s32 $execute0_lowered;
	[smem:$0x3FD2] =	sst s25  }
0xa6: {  	s5 =	sshll.u32 s26, $0x1;
	_ =	strace $0x80000049;
	[dreg:$0x1] =	wrdreg $0xFFFFFFFF  }
0xa7: {  	s28 =	simm.s32 $_size_execute0_lowered;
	s3 =	sadd.s32 s3, s5;
	[dreg:$0x0] =	wrdreg $0x0  }
0xa8: {  	s5 =	sshll.u32 s28, $0x1;
	[dreg:$0x2] =	wrdreg s3  }
0xa9: {  	[dreg:$0x3] =	wrdreg s5  }
0xaa: {  	[dreg:$0x4] =	wrdreg $0xC0  }
0xab: {  	_ =	task [dreg:s7], $0x5FFFF  }
0xac: {  	[dreg:$0x1] =	wrdreg $0xFFFFFFFF  }
0xad: {  	[dreg:$0x0] =	wrdreg $0x60  }
0xae: {  	[dreg:$0x2] =	wrdreg s2  }
0xaf: {  	[dreg:$0x3] =	wrdreg s24  }
0xb0: {  	[dreg:$0x4] =	wrdreg $0x106800  }
0xb1: {  	[dreg:$0x5] =	wrdreg $0x9  }
0xb2: {  	_ =	task.clear_ibuf [dreg:s7], $0x6FFFF;
	_ =	strace $0x90000049  }
0xb3: {  	s29 =	simm.s32 $0x9;
	_ =	strace $0x8000004B  }
0xb4: {  	_ =	swait.ge [sflag:s29], $0x1  }
0xb5: {  	[sflag:s29] =	ssyncadd.s32 $0xFFFFFFFF  }
0xb6: {  	_ =	strace $0x9000004B  }
0xb7: {  	_ =	sfence  }
0xb8: {  	s30 =	sld [smem:$0x0];
	_ =	sdelay $0x2  }
0xb9: {  	s31 =	sshll.u32 s1, $0xD;
	s1 =	sshrl.u32 s1, $0x2  }
0xba: {  	s3 =	sand.u32 $0x4000, s31;
	s1 =	sadd.s32 s1, s30  }
0xbb: {  	s0 =	sor.u32 s3, s0;
	s1 =	sshll.u32 s1, $0x11  }
0xbc: {  	s0 =	sor.u32 s1, s0  }
0xbd: {  	s0 =	sadd.s32 $0x8F2B, s0  }
0xbe: {  	[sflag:s0] =	ssyncadd.remote.s32 $0x1  }
0xbf: {  	_ =	sfence.sel $0xFFFF  }
0xc0: {  	[dreg:$0x0] =	wrdreg $0xFFFFFFFF;
	(pc) =	sbr.abs _section_cstart, $3  }
0xc1: {  	[dreg:$0x1] =	wrdreg $0xFFFFFFFF  }
0xc2: {  	_ =	task.clear_ibuf [dreg:s7], $0x2FFFF;
	_ =	strace $0x9FFFFFFF  }
0xc3: {  	(tm) =	ssettm $0x7FFFFFFF  }
tec
execute0_lowered:
.L_overlay_start_1:
0x0: {  	(tag) =	ssettag $0x1  }
0x1: {  	s0 =	rddreg [dreg:$0x0]  }
0x2: {  	s1 =	rddreg [dreg:$0x1]  }
0x3: {  	s12 =	stileid.u32;
	s3 =	srdreg.scid  }
0x4: {  	s2 =	rddreg [dreg:$0x2];
	s13 =	simm.s32 $0x5140;
	s14 =	simm.s32 $0x64  }
0x5: {  	s15 =	simm.s32 $0xA280;
	s17 =	simm.s32 $0xBB80;
	s18 =	simm.s32 $0x1  }
0x6: {  	s20 =	simm.s32 $0xD480;
	s21 =	simm.s32 $0x2;
	s28 =	simm.s32 $0x3  }
0x7: {  	s30 =	simm.s32 $0x6;
	s16 =	simm.s32 $0x7;
	s23 =	simm.s32 $0x8  }
0x8: {  	s31 =	simm.s32 $0xA1B0;
	s19 =	simm.s32 $0x0;
	s5 =	smul.u32 $0x9C40, s12  }
0x9: {  	s4 =	sand.u32 $0x1, s3;
	s3 =	simm.s32 $0x0;
	s7 =	smul.u32 $0xA28, s12  }
0xa: {  	s29 =	sshll.u32 s12, $0x6;
	s12 =	simm.s32 $0x9;
	[smem:$0x7FF] =	sst s3  }
0xb: {  	s6 =	smul.u32 $0x9C400, s4;
	s4 =	ssub.s32 $0x2, s4;
	_ =	strace $0x8000004A  }
0xc: {  	s9 =	sadd.s32 s7, s1;
	s25 =	sshrl.u32 s4, $0x1;
	s26 =	sshrl.u32 s5, $0x3  }
0xd: {  	s11 =	sadd.s32 s5, s2;
	s8 =	sadd.s32 s5, s6;
	s6 =	sshrl.u32 s6, $0x3  }
0xe: {  	s10 =	ssub.s32 s4, s25;
	s7 =	sadd.s32 $0xC600, s9;
	s11 =	sshrl.u32 s11, $0x3  }
0xf: {  	s25 =	simm.s32 $0x5;
	s24 =	sshrl.u32 s8, $0x3;
	s4 =	sadd.s32 s0, s6  }
0x10: {  	s6 =	sor.u32 $0x1C09, s29;
	s8 =	sadd.s32 $0x16A00, s9;
	s10 =	smax.u32 s10, $0x1  }
0x11: {  	s0 =	simm.s32 $0xA218;
	s1 =	sadd.s32 s24, s1;
	s5 =	sadd.s32 s26, s4  }
0x12: {  	s24 =	simm.s32 $0xED80;
	s9 =	sadd.s32 $0x6F000, s1;
	s1 =	simm.s32 $0x4  }
.LBB2_1:
0x13: {  	[spmem:s11], [sflag:s6] =	dma.local [hbm:s5], $0x1388  }
0x14: {  	_ =	swait.ge [sflag:s12], $0x1388  }
0x15: {  	[sflag:s12] =	ssyncset.done $0x0  }
0x16: {  	[sflag:s12] =	ssyncadd.s32 $0xFFFFEC78  }
0x17: {  	[tilespmem:s3], [sflag:$0x9] =	stream.linear.gather [hbm4b:s7+s3], $0x5140, $0x38;
	[tilespmem:$0x1A2C0] =	vst v63  }
0x18: {  	_ =	swait.ge [sflag:s12], $0x5140  }
0x19: {  	[sflag:s12] =	ssyncset.done $0x0  }
0x1a: {  	[sflag:s12] =	ssyncadd.s32 $0xFFFFAEC0  }
0x1b: {  	[tilespmem:s13], [sflag:$0x9] =	stream.linear.gather [hbm4b:s8+s3], $0x5140, $0x38;
	[tilespmem:$0x1A2C0] =	vst v63  }
0x1c: {  	_ =	swait.ge [sflag:s12], $0x5140  }
0x1d: {  	[sflag:s12] =	ssyncset.done $0x0  }
0x1e: {  	[sflag:s12] =	ssyncadd.s32 $0xFFFFAEC0  }
0x1f: {  	[bflag:$0x0] =	sbarrier.arrive $0xFFFF  }
0x20: {  	[tilespmem:s15], [sflag:$0x1] =	stream.indirect.gather [hbm4b:s4+s14], $0x40, s3, s14, $0xb8;
	[tilespmem:$0x1A2C0] =	vst v63  }
0x21: {  	s22 =	simm.s32 $0x68  }
0x22: {  	[tilespmem:s17], [sflag:$0x2] =	stream.indirect.gather [hbm4b:s4+s14], $0x40, s22, s14, $0xb8;
	[tilespmem:$0x1A2C0] =	vst v63  }
0x23: {  	_ =	swait.ge [sflag:s18], $0x1900  }
0x24: {  	[sflag:s18] =	ssyncset.done $0x0  }
0x25: {  	[sflag:s18] =	ssyncadd.s32 $0xFFFFE700  }
0x26: {  	[spmem:s2] =	stream.indirect.scatter.add.f32 [tilespmem:s15], [sflag:$0x5], $0x40, s13, s14, $0xb8;
	[tilespmem:$0x1A2C0] =	vst v63  }
0x27: {  	s26 =	simm.s32 $0xD0  }
0x28: {  	[tilespmem:s20], [sflag:$0x3] =	stream.indirect.gather [hbm4b:s4+s14], $0x40, s26, s14, $0xb8;
	[tilespmem:$0x1A2C0] =	vst v63  }
0x29: {  	_ =	swait.ge [sflag:s21], $0x1900  }
0x2a: {  	[sflag:s21] =	ssyncset.done $0x0  }
0x2b: {  	s29 =	simm.s32 $0x51A8;
	[sflag:s21] =	ssyncadd.s32 $0xFFFFE700  }
0x2c: {  	[spmem:s2] =	stream.indirect.scatter.add.f32 [tilespmem:s17], [sflag:$0x6], $0x40, s29, s14, $0xb8;
	[tilespmem:$0x1A2C0] =	vst v63  }
0x2d: {  	s26 =	simm.s32 $0x138  }
0x2e: {  	[tilespmem:s24], [sflag:$0x4] =	stream.indirect.gather [hbm4b:s4+s14], $0x40, s26, s14, $0xb8;
	[tilespmem:$0x1A2C0] =	vst v63  }
0x2f: {  	_ =	swait.ge [sflag:s25], $0x1900  }
0x30: {  	[sflag:s25] =	ssyncset.done $0x0  }
0x31: {  	s29 =	simm.s32 $0x1A0;
	[sflag:s25] =	ssyncadd.s32 $0xFFFFE700  }
0x32: {  	[tilespmem:s15], [sflag:$0x1] =	stream.indirect.gather [hbm4b:s4+s14], $0x40, s29, s14, $0xb8;
	[tilespmem:$0x1A2C0] =	vst v63  }
0x33: {  	_ =	swait.ge [sflag:s28], $0x1900  }
0x34: {  	[sflag:s28] =	ssyncset.done $0x0  }
0x35: {  	s26 =	simm.s32 $0x5210;
	[sflag:s28] =	ssyncadd.s32 $0xFFFFE700  }
0x36: {  	[spmem:s2] =	stream.indirect.scatter.add.f32 [tilespmem:s20], [sflag:$0x7], $0x40, s26, s14, $0xb8;
	[tilespmem:$0x1A2C0] =	vst v63  }
0x37: {  	_ =	swait.ge [sflag:s30], $0x1900  }
0x38: {  	[sflag:s30] =	ssyncset.done $0x0  }
0x39: {  	s29 =	simm.s32 $0x208;
	[sflag:s30] =	ssyncadd.s32 $0xFFFFE700  }
0x3a: {  	[tilespmem:s17], [sflag:$0x2] =	stream.indirect.gather [hbm4b:s4+s14], $0x40, s29, s14, $0xb8;
	[tilespmem:$0x1A2C0] =	vst v63  }
0x3b: {  	_ =	swait.ge [sflag:s1], $0x1900  }
0x3c: {  	[sflag:s1] =	ssyncset.done $0x0  }
0x3d: {  	s26 =	simm.s32 $0x5278;
	[sflag:s1] =	ssyncadd.s32 $0xFFFFE700  }
0x3e: {  	[spmem:s2] =	stream.indirect.scatter.add.f32 [tilespmem:s24], [sflag:$0x8], $0x40, s26, s14, $0xb8;
	[tilespmem:$0x1A2C0] =	vst v63  }
0x3f: {  	_ =	swait.ge [sflag:s16], $0x1900  }
0x40: {  	[sflag:s16] =	ssyncset.done $0x0  }
0x41: {  	s29 =	simm.s32 $0x270;
	[sflag:s16] =	ssyncadd.s32 $0xFFFFE700  }
0x42: {  	[tilespmem:s20], [sflag:$0x3] =	stream.indirect.gather [hbm4b:s4+s14], $0x40, s29, s14, $0xb8;
	[tilespmem:$0x1A2C0] =	vst v63  }
0x43: {  	_ =	swait.ge [sflag:s18], $0x1900  }
0x44: {  	[sflag:s18] =	ssyncset.done $0x0  }
0x45: {  	s26 =	simm.s32 $0x52E0;
	[sflag:s18] =	ssyncadd.s32 $0xFFFFE700  }
0x46: {  	[spmem:s2] =	stream.indirect.scatter.add.f32 [tilespmem:s15], [sflag:$0x5], $0x40, s26, s14, $0xb8;
	[tilespmem:$0x1A2C0] =	vst v63  }
0x47: {  	_ =	swait.ge [sflag:s23], $0x1900  }
0x48: {  	[sflag:s23] =	ssyncset.done $0x0  }
0x49: {  	s29 =	simm.s32 $0x2D8;
	[sflag:s23] =	ssyncadd.s32 $0xFFFFE700  }
0x4a: {  	[tilespmem:s24], [sflag:$0x4] =	stream.indirect.gather [hbm4b:s4+s14], $0x40, s29, s14, $0xb8;
	[tilespmem:$0x1A2C0] =	vst v63  }
0x4b: {  	_ =	swait.ge [sflag:s21], $0x1900  }
0x4c: {  	[sflag:s21] =	ssyncset.done $0x0  }
0x4d: {  	s26 =	simm.s32 $0x5348;
	[sflag:s21] =	ssyncadd.s32 $0xFFFFE700  }
0x4e: {  	[spmem:s2] =	stream.indirect.scatter.add.f32 [tilespmem:s17], [sflag:$0x6], $0x40, s26, s14, $0xb8;
	[tilespmem:$0x1A2C0] =	vst v63  }
0x4f: {  	_ =	swait.ge [sflag:s25], $0x1900  }
0x50: {  	[sflag:s25] =	ssyncset.done $0x0  }
0x51: {  	s29 =	simm.s32 $0x340;
	[sflag:s25] =	ssyncadd.s32 $0xFFFFE700  }
0x52: {  	[tilespmem:s15], [sflag:$0x1] =	stream.indirect.gather [hbm4b:s4+s14], $0x40, s29, s14, $0xb8;
	[tilespmem:$0x1A2C0] =	vst v63  }
0x53: {  	_ =	swait.ge [sflag:s28], $0x1900  }
0x54: {  	[sflag:s28] =	ssyncset.done $0x0  }
0x55: {  	s26 =	simm.s32 $0x53B0;
	[sflag:s28] =	ssyncadd.s32 $0xFFFFE700  }
0x56: {  	[spmem:s2] =	stream.indirect.scatter.add.f32 [tilespmem:s20], [sflag:$0x7], $0x40, s26, s14, $0xb8;
	[tilespmem:$0x1A2C0] =	vst v63  }
0x57: {  	_ =	swait.ge [sflag:s30], $0x1900  }
0x58: {  	[sflag:s30] =	ssyncset.done $0x0  }
0x59: {  	s29 =	simm.s32 $0x3A8;
	[sflag:s30] =	ssyncadd.s32 $0xFFFFE700  }
0x5a: {  	[tilespmem:s17], [sflag:$0x2] =	stream.indirect.gather [hbm4b:s4+s14], $0x40, s29, s14, $0xb8;
	[tilespmem:$0x1A2C0] =	vst v63  }
0x5b: {  	_ =	swait.ge [sflag:s1], $0x1900  }
0x5c: {  	[sflag:s1] =	ssyncset.done $0x0  }
0x5d: {  	s26 =	simm.s32 $0x5418;
	[sflag:s1] =	ssyncadd.s32 $0xFFFFE700  }
0x5e: {  	[spmem:s2] =	stream.indirect.scatter.add.f32 [tilespmem:s24], [sflag:$0x8], $0x40, s26, s14, $0xb8;
	[tilespmem:$0x1A2C0] =	vst v63  }
0x5f: {  	_ =	swait.ge [sflag:s16], $0x1900  }
0x60: {  	[sflag:s16] =	ssyncset.done $0x0  }
0x61: {  	s29 =	simm.s32 $0x410;
	[sflag:s16] =	ssyncadd.s32 $0xFFFFE700  }
0x62: {  	[tilespmem:s20], [sflag:$0x3] =	stream.indirect.gather [hbm4b:s4+s14], $0x40, s29, s14, $0xb8;
	[tilespmem:$0x1A2C0] =	vst v63  }
0x63: {  	_ =	swait.ge [sflag:s18], $0x1900  }
0x64: {  	[sflag:s18] =	ssyncset.done $0x0  }
0x65: {  	s26 =	simm.s32 $0x5480;
	[sflag:s18] =	ssyncadd.s32 $0xFFFFE700  }
0x66: {  	[spmem:s2] =	stream.indirect.scatter.add.f32 [tilespmem:s15], [sflag:$0x5], $0x40, s26, s14, $0xb8;
	[tilespmem:$0x1A2C0] =	vst v63  }
0x67: {  	_ =	swait.ge [sflag:s23], $0x1900  }
0x68: {  	[sflag:s23] =	ssyncset.done $0x0  }
0x69: {  	s29 =	simm.s32 $0x478;
	[sflag:s23] =	ssyncadd.s32 $0xFFFFE700  }
0x6a: {  	[tilespmem:s24], [sflag:$0x4] =	stream.indirect.gather [hbm4b:s4+s14], $0x40, s29, s14, $0xb8;
	[tilespmem:$0x1A2C0] =	vst v63  }
0x6b: {  	_ =	swait.ge [sflag:s21], $0x1900  }
0x6c: {  	[sflag:s21] =	ssyncset.done $0x0  }
0x6d: {  	s22 =	simm.s32 $0x680;
	s26 =	simm.s32 $0x54E8;
	[sflag:s21] =	ssyncadd.s32 $0xFFFFE700  }
.LBB2_2:
0x6e: {  	[spmem:s2] =	stream.indirect.scatter.add.f32 [tilespmem:s17], [sflag:$0x6], $0x40, s26, s14, $0xb8;
	[tilespmem:$0x1A2C0] =	vst v63  }
0x6f: {  	s26 =	smov.u32 s22  }
0x70: {  	p0 =	sne.s32 s22, $0x13180;
	s22 =	sadd.s32 $0x680, s22;
	_ =	swait.ge [sflag:s25], $0x1900  }
0x71: {  	s26 =	sshra.s32 s26, $0x2;
	[sflag:s25] =	ssyncset.done $0x0  }
0x72: {  	s29 =	sadd.s32 $0x340, s26;
	[sflag:s25] =	ssyncadd.s32 $0xFFFFE700  }
0x73: {  	[tilespmem:s15], [sflag:$0x1] =	stream.indirect.gather [hbm4b:s4+s14], $0x40, s29, s14, $0xb8;
	[tilespmem:$0x1A2C0] =	vst v63  }
0x74: {  	_ =	swait.ge [sflag:s28], $0x1900  }
0x75: {  	[sflag:s28] =	ssyncset.done $0x0  }
0x76: {  	s29 =	sadd.s32 $0x53B0, s26;
	[sflag:s28] =	ssyncadd.s32 $0xFFFFE700  }
0x77: {  	[spmem:s2] =	stream.indirect.scatter.add.f32 [tilespmem:s20], [sflag:$0x7], $0x40, s29, s14, $0xb8;
	[tilespmem:$0x1A2C0] =	vst v63  }
0x78: {  	_ =	swait.ge [sflag:s30], $0x1900  }
0x79: {  	[sflag:s30] =	ssyncset.done $0x0  }
0x7a: {  	s29 =	sadd.s32 $0x3A8, s26;
	[sflag:s30] =	ssyncadd.s32 $0xFFFFE700  }
0x7b: {  	[tilespmem:s17], [sflag:$0x2] =	stream.indirect.gather [hbm4b:s4+s14], $0x40, s29, s14, $0xb8;
	[tilespmem:$0x1A2C0] =	vst v63  }
0x7c: {  	_ =	swait.ge [sflag:s1], $0x1900  }
0x7d: {  	[sflag:s1] =	ssyncset.done $0x0  }
0x7e: {  	s29 =	sadd.s32 $0x5418, s26;
	[sflag:s1] =	ssyncadd.s32 $0xFFFFE700  }
0x7f: {  	[spmem:s2] =	stream.indirect.scatter.add.f32 [tilespmem:s24], [sflag:$0x8], $0x40, s29, s14, $0xb8;
	[tilespmem:$0x1A2C0] =	vst v63  }
0x80: {  	_ =	swait.ge [sflag:s16], $0x1900  }
0x81: {  	[sflag:s16] =	ssyncset.done $0x0  }
0x82: {  	s29 =	sadd.s32 $0x410, s26;
	[sflag:s16] =	ssyncadd.s32 $0xFFFFE700  }
0x83: {  	[tilespmem:s20], [sflag:$0x3] =	stream.indirect.gather [hbm4b:s4+s14], $0x40, s29, s14, $0xb8;
	[tilespmem:$0x1A2C0] =	vst v63  }
0x84: {  	_ =	swait.ge [sflag:s18], $0x1900  }
0x85: {  	[sflag:s18] =	ssyncset.done $0x0  }
0x86: {  	s29 =	sadd.s32 $0x5480, s26;
	[sflag:s18] =	ssyncadd.s32 $0xFFFFE700  }
0x87: {  	[spmem:s2] =	stream.indirect.scatter.add.f32 [tilespmem:s15], [sflag:$0x5], $0x40, s29, s14, $0xb8;
	[tilespmem:$0x1A2C0] =	vst v63  }
0x88: {  	_ =	swait.ge [sflag:s23], $0x1900  }
0x89: {  	[sflag:s23] =	ssyncset.done $0x0  }
.Ltmp0:
0x8a: {  	s29 =	sadd.s32 $0x478, s26;
	[sflag:s23] =	ssyncadd.s32 $0xFFFFE700;
	(pc) =	sbr.rel @p0 .LBB2_2-.Ltmp0, $4  }
0x8b: {  	[tilespmem:s24], [sflag:$0x4] =	stream.indirect.gather [hbm4b:s4+s14], $0x40, s29, s14, $0xb8;
	[tilespmem:$0x1A2C0] =	vst v63  }
0x8c: {  	_ =	swait.ge [sflag:s21], $0x1900  }
0x8d: {  	[sflag:s21] =	ssyncset.done $0x0  }
0x8e: {  	s26 =	sadd.s32 $0x54E8, s26;
	[sflag:s21] =	ssyncadd.s32 $0xFFFFE700  }
0x8f: {  	[spmem:s2] =	stream.indirect.scatter.add.f32 [tilespmem:s17], [sflag:$0x6], $0x40, s26, s14, $0xb8;
	[tilespmem:$0x1A2C0] =	vst v63  }
0x90: {  	_ =	swait.ge [sflag:s28], $0x1900  }
0x91: {  	[sflag:s28] =	ssyncset.done $0x0  }
0x92: {  	[sflag:s28] =	ssyncadd.s32 $0xFFFFE700  }
0x93: {  	[spmem:s2] =	stream.indirect.scatter.add.f32 [tilespmem:s20], [sflag:$0x7], $0x40, s31, s14, $0xb8;
	[tilespmem:$0x1A2C0] =	vst v63  }
0x94: {  	_ =	swait.ge [sflag:s1], $0x1900  }
0x95: {  	[sflag:s1] =	ssyncset.done $0x0  }
0x96: {  	[sflag:s1] =	ssyncadd.s32 $0xFFFFE700  }
0x97: {  	[spmem:s2] =	stream.indirect.scatter.add.f32 [tilespmem:s24], [sflag:$0x8], $0x40, s0, s14, $0xb8;
	[tilespmem:$0x1A2C0] =	vst v63  }
0x98: {  	_ =	swait.ge [sflag:s25], $0x1900  }
0x99: {  	[sflag:s25] =	ssyncset.done $0x0  }
0x9a: {  	[sflag:s25] =	ssyncadd.s32 $0xFFFFE700  }
0x9b: {  	_ =	swait.ge [sflag:s30], $0x1900  }
0x9c: {  	[sflag:s30] =	ssyncset.done $0x0  }
0x9d: {  	[sflag:s30] =	ssyncadd.s32 $0xFFFFE700  }
0x9e: {  	_ =	swait.ge [sflag:s16], $0x1900  }
0x9f: {  	[sflag:s16] =	ssyncset.done $0x0  }
0xa0: {  	[sflag:s16] =	ssyncadd.s32 $0xFFFFE700  }
0xa1: {  	_ =	swait.ge [sflag:s23], $0x1900  }
0xa2: {  	s19 =	sadd.s32 $0x1, s19;
	[sflag:s23] =	ssyncset.done $0x0  }
0xa3: {  	p0 =	sne.s32 s19, s10;
	[sflag:s23] =	ssyncadd.s32 $0xFFFFE700  }
.Ltmp1:
0xa4: {  	[bflag:$0x0] =	sbarrier.arrive $0xFFFF;
	(pc) =	sbr.rel @p0 .LBB2_1-.Ltmp1, $4  }
0xa5: {  	[hbm:s9], [sflag:s6] =	dma.local [spmem:s11], $0x1388  }
0xa6: {  	_ =	swait.ge [sflag:s12], $0x1388  }
0xa7: {  	[sflag:s12] =	ssyncset.done $0x0  }
0xa8: {  	[sflag:s12] =	ssyncadd.s32 $0xFFFFEC78  }
0xa9: {  	_ =	sfence.sel $0x180000  }
0xaa: {  	[bflag:$0x0] =	sbarrier.arrive $0xFFFF  }
0xab: {  	_ =	strace $0x9000004A  }
0xac: {  	s0 =	stileid.u32;
	[bflag:$0x2] =	sbarrier.arrive $0xFFFF  }
0xad: {  	p0 =	sne.s32 s0, $0x0;
	s0 =	rddreg [dreg:$0x3]  }
0xae: {  	s0 =	sadd.s32 @!p0 $0x100000, s0  }
0xaf: {  	[sflag:s0] =	ssyncadd.tile.s32 @!p0 $0x1;
	_ =	shalt  }
.Lfunc_end2:
_tile_overlayer_lowered:
.L_overlay_start_2:
0xb0: {  	(tag) =	ssettag $0x2  }
0xb1: {  	s0 =	rddreg [dreg:$0x0];
	s2 =	stileid.u32  }
0xb2: {  	s1 =	rddreg [dreg:$0x1];
	p0 =	sne.s32 s2, $0x0  }
0xb3: {  	s3 =	rddreg [dreg:$0x2];
	[bflag:$0x3] =	sbarrier.arrive $0xFFFF;
	s2 =	simm.s32 @!p0 $0x1C09  }
0xb4: {  	[timem:s3], [sflag:s2] =	dma.local @!p0 [hbm:s0], s1  }
0xb5: {  	s0 =	simm.s32 @!p0 $0x9  }
0xb6: {  	_ =	swait.ge @!p0 [sflag:s0], s1  }
0xb7: {  	s1 =	ssub.s32 @!p0 $0x0, s1;
	[sflag:s0] =	ssyncset.done @!p0 $0x0  }
0xb8: {  	[sflag:s0] =	ssyncadd.s32 @!p0 s1  }
0xb9: {  	[bflag:$0x3] =	sbarrier.arrive $0xFFFF  }
0xba: {  	_ =	shalt  }

// kernel: kernel.15.cloned.1.call-start
scs
__scs_entry_jumppad:
0x0: {  	(pc) =	sbr.rel $0x88, $3  }
0x1: {  	(tag) =	ssettag $0x0;
	lr =	simm.s32 $0x1  }
0x2: {  	[smem:$0x3F9B] =	sst lr;
	_ =	strace $0xD0000000  }
0x3: {  	_ = 	snop  }
0x4: {  	_ = 	snop  }
0x5: {  	_ = 	snop  }
0x6: {  	_ = 	snop  }
0x7: {  	_ = 	snop  }
__scs_overlays_trampoline_lowered:
0x8: {  	[smem:$0x3FAA] =	sst s0  }
0x9: {  	[smem:$0x3FAB] =	sst s1  }
0xa: {  	[smem:$0x3FAC] =	sst s2  }
0xb: {  	[smem:$0x3FAD] =	sst s3  }
0xc: {  	[smem:$0x3FAE] =	sst s4  }
0xd: {  	[smem:$0x3FAF] =	sst s5  }
0xe: {  	[smem:$0x3FB0] =	sst s6  }
0xf: {  	[smem:$0x3FB1] =	sst s7  }
0x10: {  	[smem:$0x3FB2] =	sst s8  }
0x11: {  	[smem:$0x3FB3] =	sst s9;
	s0 =	simm.s32 @!p0 $0x0  }
0x12: {  	s1 =	sld [smem:$0x3F99];
	s0 =	simm.s32 @p0 $0x1  }
0x13: {  	[smem:$0x3FB4] =	sst s0;
	s0 =	simm.s32 @!p1 $0x0  }
0x14: {  	s2 =	sld [smem:$0x3F98];
	s0 =	simm.s32 @p1 $0x1  }
0x15: {  	[smem:$0x3FB5] =	sst s0;
	s0 =	simm.s32 @!p2 $0x0  }
0x16: {  	s3 =	sld [smem:$0x3FDB];
	s0 =	simm.s32 @p2 $0x1  }
0x17: {  	s4 =	simm.s32 $0x1BF5;
	[smem:$0x3FB7] =	sst s0  }
0x18: {  	s0 =	sld [smem:$0x3F9A];
	_ =	swait.ge [sflag:s4], $0x0  }
0x19: {  	s7 =	sld [smem:$0x3F9B]  }
0x1a: {  	s8 =	sadd.s32 $0xFFFFE003, lr  }
0x1b: {  	s9 =	sadd.s32 $0xFFFFFEF7, lr;
	s5 =	simm.s32 $0xFFFFFFFF;
	p2 =	slt.u32 s8, $0xFFFFF086  }
0x1c: {  	p1 =	slt.u32 s9, $0xF7A;
	s5 =	simm.s32 @!p2 $0x0  }
0x1d: {  	s5 =	simm.s32 @p1 $0x1;
	p0 =	seq.s32 s7, s2  }
0x1e: {  	s7 =	smul.u32 @!p0 $0xF7A, s2;
	p2 =	seq.s32 @!p0 s5, $0x0  }
0x1f: {  	s9 =	smul.u32 $0xF7A, s1;
	s8 =	simm.s32 @!p0 $0x1BF5;
	p2 =	por !p2, p0  }
0x20: {  	[sflag:s8] =	ssyncset.s32 @!p0 $0xFFFFF086;
	s6 =	sadd.s32 @!p0 s3, s7;
	s7 =	simm.s32 @!p0 $0x108  }
0x21: {  	s3 =	sadd.s32 s3, s9;
	s6 =	sadd.s32 @!p0 $0x88, s6;
	s7 =	simm.s32 @p2 $0x1082  }
0x22: {  	[simem:s7], [sflag:s8] =	dma.local @!p0 [hbm:s6], $0xF7A  }
0x23: {  	s9 =	sor.u32 $0xD0000000, s2;
	s6 =	simm.s32 $0x108;
	_ =	swait.ge @!p0 [sflag:s8], $0x0  }
0x24: {  	s3 =	sadd.s32 $0x88, s3;
	s6 =	simm.s32 @!p1 $0x1082;
	[sflag:s4] =	ssyncset.s32 $0xFFFFF086  }
0x25: {  	[simem:s6], [sflag:s4] =	dma.local [hbm:s3], $0xF7A  }
0x26: {  	[smem:$0x3F9B] =	sst s1;
	(tag) =	ssettag s2;
	_ =	strace s9  }
0x27: {  	s1 =	sld [smem:$0x3FAB]  }
0x28: {  	s2 =	sld [smem:$0x3FAC]  }
0x29: {  	s4 =	sld [smem:$0x3FAE]  }
0x2a: {  	p0 =	seq.s32 s5, $0x0;
	s5 =	sld [smem:$0x3FAF]  }
0x2b: {  	s6 =	sld [smem:$0x3FB0]  }
0x2c: {  	s7 =	sld [smem:$0x3FB1]  }
0x2d: {  	s3 =	simm.s32 $0x108;
	s8 =	sld [smem:$0x3FB2]  }
0x2e: {  	s3 =	simm.s32 @!p0 $0x1082;
	s9 =	sld [smem:$0x3FB3]  }
0x2f: {  	lr =	sadd.s32 s0, s3;
	s0 =	sld [smem:$0x3FAA]  }
0x30: {  	s3 =	sld [smem:$0x3FAD]  }
0x31: {  	[smem:$0x3FB6] =	sst s10  }
0x32: {  	s10 =	sld [smem:$0x3FB4];
	_ =	sdelay $0x3  }
0x33: {  	p0 =	seq.s32 s10, $0x1;
	s10 =	sld [smem:$0x3FB6];
	_ =	sdelay $0x3  }
0x34: {  	[smem:$0x3FB6] =	sst s10  }
0x35: {  	s10 =	sld [smem:$0x3FB5];
	_ =	sdelay $0x3  }
0x36: {  	p1 =	seq.s32 s10, $0x1;
	s10 =	sld [smem:$0x3FB6];
	_ =	sdelay $0x3  }
0x37: {  	[smem:$0x3FB6] =	sst s10  }
0x38: {  	s10 =	sld [smem:$0x3FB7]  }
0x39: {  	_ = 	snop;
	(pc) =	sbr.ind lr, $3  }
0x3a: {  	_ = 	snop  }
0x3b: {  	_ = 	snop  }
0x3c: {  	p2 =	seq.s32 s10, $0x1;
	s10 =	sld [smem:$0x3FB6]  }
0x3d: {  	_ =	shalt  }
0x3e: {  	_ =	shalt  }
0x3f: {  	_ =	shalt  }
0x40: {  	_ =	shalt  }
0x41: {  	_ =	shalt  }
0x42: {  	_ =	shalt  }
0x43: {  	_ =	shalt  }
0x44: {  	_ =	shalt  }
0x45: {  	_ =	shalt  }
0x46: {  	_ =	shalt  }
0x47: {  	_ =	shalt  }
0x48: {  	_ =	shalt  }
0x49: {  	_ =	shalt  }
0x4a: {  	_ =	shalt  }
0x4b: {  	_ =	shalt  }
0x4c: {  	_ =	shalt  }
0x4d: {  	_ =	shalt  }
0x4e: {  	_ =	shalt  }
0x4f: {  	_ =	shalt  }
0x50: {  	_ =	shalt  }
0x51: {  	_ =	shalt  }
0x52: {  	_ =	shalt  }
0x53: {  	_ =	shalt  }
0x54: {  	_ =	shalt  }
0x55: {  	_ =	shalt  }
0x56: {  	_ =	shalt  }
0x57: {  	_ =	shalt  }
0x58: {  	_ =	shalt  }
0x59: {  	_ =	shalt  }
0x5a: {  	_ =	shalt  }
0x5b: {  	_ =	shalt  }
0x5c: {  	_ =	shalt  }
0x5d: {  	_ =	shalt  }
0x5e: {  	_ =	shalt  }
0x5f: {  	_ =	shalt  }
0x60: {  	_ =	shalt  }
0x61: {  	_ =	shalt  }
0x62: {  	_ =	shalt  }
0x63: {  	_ =	shalt  }
0x64: {  	_ =	shalt  }
0x65: {  	_ =	shalt  }
0x66: {  	_ =	shalt  }
0x67: {  	_ =	shalt  }
0x68: {  	_ =	shalt  }
0x69: {  	_ =	shalt  }
0x6a: {  	_ =	shalt  }
0x6b: {  	_ =	shalt  }
0x6c: {  	_ =	shalt  }
0x6d: {  	_ =	shalt  }
0x6e: {  	_ =	shalt  }
0x6f: {  	_ =	shalt  }
0x70: {  	_ =	shalt  }
0x71: {  	_ =	shalt  }
0x72: {  	_ =	shalt  }
0x73: {  	_ =	shalt  }
0x74: {  	_ =	shalt  }
0x75: {  	_ =	shalt  }
0x76: {  	_ =	shalt  }
0x77: {  	_ =	shalt  }
0x78: {  	_ =	shalt  }
0x79: {  	_ =	shalt  }
0x7a: {  	_ =	shalt  }
0x7b: {  	_ =	shalt  }
0x7c: {  	_ =	shalt  }
0x7d: {  	_ =	shalt  }
0x7e: {  	_ =	shalt  }
0x7f: {  	_ =	shalt  }
0x80: {  	_ =	shalt  }
0x81: {  	_ =	shalt  }
0x82: {  	_ =	shalt  }
0x83: {  	_ =	shalt  }
0x84: {  	_ =	shalt  }
0x85: {  	_ =	shalt  }
0x86: {  	_ =	shalt  }
0x87: {  	_ =	shalt  }
.Lfunc_end0:
.L_simem_size_0:
called_computation.2_lowered:
.L_overlay_start_0:
0x88: {  	s2 =	sld [smem:$0x3FD9]  }
0x89: {  	s3 =	sld [smem:$0x3FFE];
	_ =	sdelay $0x1  }
0x8a: {  	s1 =	srdreg.scid  }
0x8b: {  	s0 =	sand.u32 $0x1, s1  }
0x8c: {  	s17 =	sshll.u32 s0, $0xA;
	s2 =	sadd.s32 s3, s2  }
0x8d: {  	s2 =	sadd.s32 s2, s17  }
0x8e: {  	[smem:$0x3FC2] =	sst s2  }
0x8f: {  	_ = 	snop  }
0x90: {  	s2 =	sld [smem:$0x3FD0];
	(tm) =	ssettm $0x1  }
0x91: {  	s18 =	sld [smem:$0x3FFB];
	_ =	sdelay $0x3  }
0x92: {  	_ =	strace s18  }
0x93: {  	s3 =	sld [smem:$0x3FFC];
	_ =	sdelay $0x3  }
0x94: {  	_ =	strace s3  }
0x95: {  	s3 =	sld [smem:$0x3FFD];
	_ =	sdelay $0x3  }
0x96: {  	_ =	strace s3  }
0x97: {  	_ =	strace $0x8FFFFFFF  }
0x98: {  	s19 =	sld [smem:$0x3FDB];
	_ =	sdelay $0x1  }
0x99: {  	s4 =	simm.s32 $_scs_section_size  }
0x9a: {  	s5 =	simm.s32 $_size__tile_overlayer_lowered;
	s6 =	simm.s32 $_tile_overlayer_lowered  }
0x9b: {  	s22 =	simm.s32 $0x1BFF;
	s21 =	sshll.u32 s6, $0x1;
	s3 =	sadd.s32 s4, s19  }
0x9c: {  	s7 =	simm.s32 $0x0;
	s20 =	sshll.u32 s5, $0x1;
	s5 =	sadd.s32 s21, s3  }
0x9d: {  	[timem:s7], [sflag:s22] =	dma.local [hbm:s5], s20  }
0x9e: {  	_ =	swait.ge [sflag:s22], s20  }
0x9f: {  	s4 =	ssub.s32 $0x0, s20;
	[sflag:s22] =	ssyncset.done $0x0  }
0xa0: {  	[sflag:s22] =	ssyncadd.s32 s4;
	_ =	sdelay $0x1  }
0xa1: {  	s23 =	simm.s32 $0x1B8B  }
0xa2: {  	_ =	swait.ge [sflag:s23], $0x1  }
0xa3: {  	[sflag:s23] =	ssyncset.done $0x0  }
0xa4: {  	s25 =	simm.s32 $0x1B8E;
	s24 =	sld [smem:$0x3FFE];
	[sflag:s23] =	ssyncadd.s32 $0xFFFFFFFF  }
0xa5: {  	s26 =	simm.s32 $execute0_lowered;
	[smem:$0x3FD2] =	sst s25  }
0xa6: {  	s5 =	sshll.u32 s26, $0x1;
	_ =	strace $0x8000004C;
	[dreg:$0x1] =	wrdreg $0xFFFFFFFF  }
0xa7: {  	s28 =	simm.s32 $_size_execute0_lowered;
	s3 =	sadd.s32 s3, s5;
	[dreg:$0x0] =	wrdreg $0x0  }
0xa8: {  	s5 =	sshll.u32 s28, $0x1;
	[dreg:$0x2] =	wrdreg s3  }
0xa9: {  	[dreg:$0x3] =	wrdreg s5  }
0xaa: {  	[dreg:$0x4] =	wrdreg $0xC0  }
0xab: {  	_ =	task [dreg:s7], $0x5FFFF  }
0xac: {  	[dreg:$0x1] =	wrdreg $0xFFFFFFFF  }
0xad: {  	[dreg:$0x0] =	wrdreg $0x60  }
0xae: {  	[dreg:$0x2] =	wrdreg s2  }
0xaf: {  	[dreg:$0x3] =	wrdreg s24  }
0xb0: {  	[dreg:$0x4] =	wrdreg $0x106800  }
0xb1: {  	[dreg:$0x5] =	wrdreg $0x9  }
0xb2: {  	_ =	task.clear_ibuf [dreg:s7], $0x6FFFF;
	_ =	strace $0x9000004C  }
0xb3: {  	s29 =	simm.s32 $0x9;
	_ =	strace $0x8000004E  }
0xb4: {  	_ =	swait.ge [sflag:s29], $0x1  }
0xb5: {  	[sflag:s29] =	ssyncadd.s32 $0xFFFFFFFF  }
0xb6: {  	_ =	strace $0x9000004E  }
0xb7: {  	_ =	sfence  }
0xb8: {  	s30 =	sld [smem:$0x0];
	_ =	sdelay $0x2  }
0xb9: {  	s31 =	sshll.u32 s1, $0xD;
	s1 =	sshrl.u32 s1, $0x2  }
0xba: {  	s3 =	sand.u32 $0x4000, s31;
	s1 =	sadd.s32 s1, s30  }
0xbb: {  	s0 =	sor.u32 s3, s0;
	s1 =	sshll.u32 s1, $0x11  }
0xbc: {  	s0 =	sor.u32 s1, s0  }
0xbd: {  	s0 =	sadd.s32 $0x8F2B, s0  }
0xbe: {  	[sflag:s0] =	ssyncadd.remote.s32 $0x1  }
0xbf: {  	_ =	sfence.sel $0xFFFF  }
0xc0: {  	[dreg:$0x0] =	wrdreg $0xFFFFFFFF;
	(pc) =	sbr.abs _section_cstart, $3  }
0xc1: {  	[dreg:$0x1] =	wrdreg $0xFFFFFFFF  }
0xc2: {  	_ =	task.clear_ibuf [dreg:s7], $0x2FFFF;
	_ =	strace $0x9FFFFFFF  }
0xc3: {  	(tm) =	ssettm $0x7FFFFFFF  }
tec
execute0_lowered:
.L_overlay_start_1:
0x0: {  	(tag) =	ssettag $0x1  }
0x1: {  	s0 =	rddreg [dreg:$0x0]  }
0x2: {  	s1 =	rddreg [dreg:$0x1]  }
0x3: {  	s12 =	stileid.u32;
	s3 =	srdreg.scid  }
0x4: {  	s2 =	rddreg [dreg:$0x2];
	s13 =	simm.s32 $0x5140;
	s14 =	simm.s32 $0x64  }
0x5: {  	s15 =	simm.s32 $0xA280;
	s17 =	simm.s32 $0xBB80;
	s18 =	simm.s32 $0x1  }
0x6: {  	s20 =	simm.s32 $0xD480;
	s21 =	simm.s32 $0x2;
	s28 =	simm.s32 $0x3  }
0x7: {  	s30 =	simm.s32 $0x6;
	s16 =	simm.s32 $0x7;
	s23 =	simm.s32 $0x8  }
0x8: {  	s31 =	simm.s32 $0xA1B0;
	s19 =	simm.s32 $0x0;
	s5 =	smul.u32 $0x9C40, s12  }
0x9: {  	s4 =	sand.u32 $0x1, s3;
	s3 =	simm.s32 $0x0;
	s7 =	smul.u32 $0xA28, s12  }
0xa: {  	s29 =	sshll.u32 s12, $0x6;
	s12 =	simm.s32 $0x9;
	[smem:$0x7FF] =	sst s3  }
0xb: {  	s6 =	smul.u32 $0x9C400, s4;
	s4 =	ssub.s32 $0x2, s4;
	_ =	strace $0x8000004D  }
0xc: {  	s9 =	sadd.s32 s7, s1;
	s25 =	sshrl.u32 s4, $0x1;
	s26 =	sshrl.u32 s5, $0x3  }
0xd: {  	s11 =	sadd.s32 s5, s2;
	s8 =	sadd.s32 s5, s6;
	s6 =	sshrl.u32 s6, $0x3  }
0xe: {  	s10 =	ssub.s32 s4, s25;
	s7 =	sadd.s32 $0xC600, s9;
	s11 =	sshrl.u32 s11, $0x3  }
0xf: {  	s25 =	simm.s32 $0x5;
	s24 =	sshrl.u32 s8, $0x3;
	s4 =	sadd.s32 s0, s6  }
0x10: {  	s6 =	sor.u32 $0x1C09, s29;
	s8 =	sadd.s32 $0x16A00, s9;
	s10 =	smax.u32 s10, $0x1  }
0x11: {  	s0 =	simm.s32 $0xA218;
	s1 =	sadd.s32 s24, s1;
	s5 =	sadd.s32 s26, s4  }
0x12: {  	s24 =	simm.s32 $0xED80;
	s9 =	sadd.s32 $0x20E00, s1;
	s1 =	simm.s32 $0x4  }
.LBB2_1:
0x13: {  	[spmem:s11], [sflag:s6] =	dma.local [hbm:s5], $0x1388  }
0x14: {  	_ =	swait.ge [sflag:s12], $0x1388  }
0x15: {  	[sflag:s12] =	ssyncset.done $0x0  }
0x16: {  	[sflag:s12] =	ssyncadd.s32 $0xFFFFEC78  }
0x17: {  	[tilespmem:s3], [sflag:$0x9] =	stream.linear.gather [hbm4b:s7+s3], $0x5140, $0x38;
	[tilespmem:$0x1A2C0] =	vst v63  }
0x18: {  	_ =	swait.ge [sflag:s12], $0x5140  }
0x19: {  	[sflag:s12] =	ssyncset.done $0x0  }
0x1a: {  	[sflag:s12] =	ssyncadd.s32 $0xFFFFAEC0  }
0x1b: {  	[tilespmem:s13], [sflag:$0x9] =	stream.linear.gather [hbm4b:s8+s3], $0x5140, $0x38;
	[tilespmem:$0x1A2C0] =	vst v63  }
0x1c: {  	_ =	swait.ge [sflag:s12], $0x5140  }
0x1d: {  	[sflag:s12] =	ssyncset.done $0x0  }
0x1e: {  	[sflag:s12] =	ssyncadd.s32 $0xFFFFAEC0  }
0x1f: {  	[bflag:$0x0] =	sbarrier.arrive $0xFFFF  }
0x20: {  	[tilespmem:s15], [sflag:$0x1] =	stream.indirect.gather [hbm4b:s4+s14], $0x40, s3, s14, $0xb8;
	[tilespmem:$0x1A2C0] =	vst v63  }
0x21: {  	s22 =	simm.s32 $0x68  }
0x22: {  	[tilespmem:s17], [sflag:$0x2] =	stream.indirect.gather [hbm4b:s4+s14], $0x40, s22, s14, $0xb8;
	[tilespmem:$0x1A2C0] =	vst v63  }
0x23: {  	_ =	swait.ge [sflag:s18], $0x1900  }
0x24: {  	[sflag:s18] =	ssyncset.done $0x0  }
0x25: {  	[sflag:s18] =	ssyncadd.s32 $0xFFFFE700  }
0x26: {  	[spmem:s2] =	stream.indirect.scatter.add.f32 [tilespmem:s15], [sflag:$0x5], $0x40, s13, s14, $0xb8;
	[tilespmem:$0x1A2C0] =	vst v63  }
0x27: {  	s26 =	simm.s32 $0xD0  }
0x28: {  	[tilespmem:s20], [sflag:$0x3] =	stream.indirect.gather [hbm4b:s4+s14], $0x40, s26, s14, $0xb8;
	[tilespmem:$0x1A2C0] =	vst v63  }
0x29: {  	_ =	swait.ge [sflag:s21], $0x1900  }
0x2a: {  	[sflag:s21] =	ssyncset.done $0x0  }
0x2b: {  	s29 =	simm.s32 $0x51A8;
	[sflag:s21] =	ssyncadd.s32 $0xFFFFE700  }
0x2c: {  	[spmem:s2] =	stream.indirect.scatter.add.f32 [tilespmem:s17], [sflag:$0x6], $0x40, s29, s14, $0xb8;
	[tilespmem:$0x1A2C0] =	vst v63  }
0x2d: {  	s26 =	simm.s32 $0x138  }
0x2e: {  	[tilespmem:s24], [sflag:$0x4] =	stream.indirect.gather [hbm4b:s4+s14], $0x40, s26, s14, $0xb8;
	[tilespmem:$0x1A2C0] =	vst v63  }
0x2f: {  	_ =	swait.ge [sflag:s25], $0x1900  }
0x30: {  	[sflag:s25] =	ssyncset.done $0x0  }
0x31: {  	s29 =	simm.s32 $0x1A0;
	[sflag:s25] =	ssyncadd.s32 $0xFFFFE700  }
0x32: {  	[tilespmem:s15], [sflag:$0x1] =	stream.indirect.gather [hbm4b:s4+s14], $0x40, s29, s14, $0xb8;
	[tilespmem:$0x1A2C0] =	vst v63  }
0x33: {  	_ =	swait.ge [sflag:s28], $0x1900  }
0x34: {  	[sflag:s28] =	ssyncset.done $0x0  }
0x35: {  	s26 =	simm.s32 $0x5210;
	[sflag:s28] =	ssyncadd.s32 $0xFFFFE700  }
0x36: {  	[spmem:s2] =	stream.indirect.scatter.add.f32 [tilespmem:s20], [sflag:$0x7], $0x40, s26, s14, $0xb8;
	[tilespmem:$0x1A2C0] =	vst v63  }
0x37: {  	_ =	swait.ge [sflag:s30], $0x1900  }
0x38: {  	[sflag:s30] =	ssyncset.done $0x0  }
0x39: {  	s29 =	simm.s32 $0x208;
	[sflag:s30] =	ssyncadd.s32 $0xFFFFE700  }
0x3a: {  	[tilespmem:s17], [sflag:$0x2] =	stream.indirect.gather [hbm4b:s4+s14], $0x40, s29, s14, $0xb8;
	[tilespmem:$0x1A2C0] =	vst v63  }
0x3b: {  	_ =	swait.ge [sflag:s1], $0x1900  }
0x3c: {  	[sflag:s1] =	ssyncset.done $0x0  }
0x3d: {  	s26 =	simm.s32 $0x5278;
	[sflag:s1] =	ssyncadd.s32 $0xFFFFE700  }
0x3e: {  	[spmem:s2] =	stream.indirect.scatter.add.f32 [tilespmem:s24], [sflag:$0x8], $0x40, s26, s14, $0xb8;
	[tilespmem:$0x1A2C0] =	vst v63  }
0x3f: {  	_ =	swait.ge [sflag:s16], $0x1900  }
0x40: {  	[sflag:s16] =	ssyncset.done $0x0  }
0x41: {  	s29 =	simm.s32 $0x270;
	[sflag:s16] =	ssyncadd.s32 $0xFFFFE700  }
0x42: {  	[tilespmem:s20], [sflag:$0x3] =	stream.indirect.gather [hbm4b:s4+s14], $0x40, s29, s14, $0xb8;
	[tilespmem:$0x1A2C0] =	vst v63  }
0x43: {  	_ =	swait.ge [sflag:s18], $0x1900  }
0x44: {  	[sflag:s18] =	ssyncset.done $0x0  }
0x45: {  	s26 =	simm.s32 $0x52E0;
	[sflag:s18] =	ssyncadd.s32 $0xFFFFE700  }
0x46: {  	[spmem:s2] =	stream.indirect.scatter.add.f32 [tilespmem:s15], [sflag:$0x5], $0x40, s26, s14, $0xb8;
	[tilespmem:$0x1A2C0] =	vst v63  }
0x47: {  	_ =	swait.ge [sflag:s23], $0x1900  }
0x48: {  	[sflag:s23] =	ssyncset.done $0x0  }
0x49: {  	s29 =	simm.s32 $0x2D8;
	[sflag:s23] =	ssyncadd.s32 $0xFFFFE700  }
0x4a: {  	[tilespmem:s24], [sflag:$0x4] =	stream.indirect.gather [hbm4b:s4+s14], $0x40, s29, s14, $0xb8;
	[tilespmem:$0x1A2C0] =	vst v63  }
0x4b: {  	_ =	swait.ge [sflag:s21], $0x1900  }
0x4c: {  	[sflag:s21] =	ssyncset.done $0x0  }
0x4d: {  	s26 =	simm.s32 $0x5348;
	[sflag:s21] =	ssyncadd.s32 $0xFFFFE700  }
0x4e: {  	[spmem:s2] =	stream.indirect.scatter.add.f32 [tilespmem:s17], [sflag:$0x6], $0x40, s26, s14, $0xb8;
	[tilespmem:$0x1A2C0] =	vst v63  }
0x4f: {  	_ =	swait.ge [sflag:s25], $0x1900  }
0x50: {  	[sflag:s25] =	ssyncset.done $0x0  }
0x51: {  	s29 =	simm.s32 $0x340;
	[sflag:s25] =	ssyncadd.s32 $0xFFFFE700  }
0x52: {  	[tilespmem:s15], [sflag:$0x1] =	stream.indirect.gather [hbm4b:s4+s14], $0x40, s29, s14, $0xb8;
	[tilespmem:$0x1A2C0] =	vst v63  }
0x53: {  	_ =	swait.ge [sflag:s28], $0x1900  }
0x54: {  	[sflag:s28] =	ssyncset.done $0x0  }
0x55: {  	s26 =	simm.s32 $0x53B0;
	[sflag:s28] =	ssyncadd.s32 $0xFFFFE700  }
0x56: {  	[spmem:s2] =	stream.indirect.scatter.add.f32 [tilespmem:s20], [sflag:$0x7], $0x40, s26, s14, $0xb8;
	[tilespmem:$0x1A2C0] =	vst v63  }
0x57: {  	_ =	swait.ge [sflag:s30], $0x1900  }
0x58: {  	[sflag:s30] =	ssyncset.done $0x0  }
0x59: {  	s29 =	simm.s32 $0x3A8;
	[sflag:s30] =	ssyncadd.s32 $0xFFFFE700  }
0x5a: {  	[tilespmem:s17], [sflag:$0x2] =	stream.indirect.gather [hbm4b:s4+s14], $0x40, s29, s14, $0xb8;
	[tilespmem:$0x1A2C0] =	vst v63  }
0x5b: {  	_ =	swait.ge [sflag:s1], $0x1900  }
0x5c: {  	[sflag:s1] =	ssyncset.done $0x0  }
0x5d: {  	s26 =	simm.s32 $0x5418;
	[sflag:s1] =	ssyncadd.s32 $0xFFFFE700  }
0x5e: {  	[spmem:s2] =	stream.indirect.scatter.add.f32 [tilespmem:s24], [sflag:$0x8], $0x40, s26, s14, $0xb8;
	[tilespmem:$0x1A2C0] =	vst v63  }
0x5f: {  	_ =	swait.ge [sflag:s16], $0x1900  }
0x60: {  	[sflag:s16] =	ssyncset.done $0x0  }
0x61: {  	s29 =	simm.s32 $0x410;
	[sflag:s16] =	ssyncadd.s32 $0xFFFFE700  }
0x62: {  	[tilespmem:s20], [sflag:$0x3] =	stream.indirect.gather [hbm4b:s4+s14], $0x40, s29, s14, $0xb8;
	[tilespmem:$0x1A2C0] =	vst v63  }
0x63: {  	_ =	swait.ge [sflag:s18], $0x1900  }
0x64: {  	[sflag:s18] =	ssyncset.done $0x0  }
0x65: {  	s26 =	simm.s32 $0x5480;
	[sflag:s18] =	ssyncadd.s32 $0xFFFFE700  }
0x66: {  	[spmem:s2] =	stream.indirect.scatter.add.f32 [tilespmem:s15], [sflag:$0x5], $0x40, s26, s14, $0xb8;
	[tilespmem:$0x1A2C0] =	vst v63  }
0x67: {  	_ =	swait.ge [sflag:s23], $0x1900  }
0x68: {  	[sflag:s23] =	ssyncset.done $0x0  }
0x69: {  	s29 =	simm.s32 $0x478;
	[sflag:s23] =	ssyncadd.s32 $0xFFFFE700  }
0x6a: {  	[tilespmem:s24], [sflag:$0x4] =	stream.indirect.gather [hbm4b:s4+s14], $0x40, s29, s14, $0xb8;
	[tilespmem:$0x1A2C0] =	vst v63  }
0x6b: {  	_ =	swait.ge [sflag:s21], $0x1900  }
0x6c: {  	[sflag:s21] =	ssyncset.done $0x0  }
0x6d: {  	s22 =	simm.s32 $0x680;
	s26 =	simm.s32 $0x54E8;
	[sflag:s21] =	ssyncadd.s32 $0xFFFFE700  }
.LBB2_2:
0x6e: {  	[spmem:s2] =	stream.indirect.scatter.add.f32 [tilespmem:s17], [sflag:$0x6], $0x40, s26, s14, $0xb8;
	[tilespmem:$0x1A2C0] =	vst v63  }
0x6f: {  	s26 =	smov.u32 s22  }
0x70: {  	p0 =	sne.s32 s22, $0x13180;
	s22 =	sadd.s32 $0x680, s22;
	_ =	swait.ge [sflag:s25], $0x1900  }
0x71: {  	s26 =	sshra.s32 s26, $0x2;
	[sflag:s25] =	ssyncset.done $0x0  }
0x72: {  	s29 =	sadd.s32 $0x340, s26;
	[sflag:s25] =	ssyncadd.s32 $0xFFFFE700  }
0x73: {  	[tilespmem:s15], [sflag:$0x1] =	stream.indirect.gather [hbm4b:s4+s14], $0x40, s29, s14, $0xb8;
	[tilespmem:$0x1A2C0] =	vst v63  }
0x74: {  	_ =	swait.ge [sflag:s28], $0x1900  }
0x75: {  	[sflag:s28] =	ssyncset.done $0x0  }
0x76: {  	s29 =	sadd.s32 $0x53B0, s26;
	[sflag:s28] =	ssyncadd.s32 $0xFFFFE700  }
0x77: {  	[spmem:s2] =	stream.indirect.scatter.add.f32 [tilespmem:s20], [sflag:$0x7], $0x40, s29, s14, $0xb8;
	[tilespmem:$0x1A2C0] =	vst v63  }
0x78: {  	_ =	swait.ge [sflag:s30], $0x1900  }
0x79: {  	[sflag:s30] =	ssyncset.done $0x0  }
0x7a: {  	s29 =	sadd.s32 $0x3A8, s26;
	[sflag:s30] =	ssyncadd.s32 $0xFFFFE700  }
0x7b: {  	[tilespmem:s17], [sflag:$0x2] =	stream.indirect.gather [hbm4b:s4+s14], $0x40, s29, s14, $0xb8;
	[tilespmem:$0x1A2C0] =	vst v63  }
0x7c: {  	_ =	swait.ge [sflag:s1], $0x1900  }
0x7d: {  	[sflag:s1] =	ssyncset.done $0x0  }
0x7e: {  	s29 =	sadd.s32 $0x5418, s26;
	[sflag:s1] =	ssyncadd.s32 $0xFFFFE700  }
0x7f: {  	[spmem:s2] =	stream.indirect.scatter.add.f32 [tilespmem:s24], [sflag:$0x8], $0x40, s29, s14, $0xb8;
	[tilespmem:$0x1A2C0] =	vst v63  }
0x80: {  	_ =	swait.ge [sflag:s16], $0x1900  }
0x81: {  	[sflag:s16] =	ssyncset.done $0x0  }
0x82: {  	s29 =	sadd.s32 $0x410, s26;
	[sflag:s16] =	ssyncadd.s32 $0xFFFFE700  }
0x83: {  	[tilespmem:s20], [sflag:$0x3] =	stream.indirect.gather [hbm4b:s4+s14], $0x40, s29, s14, $0xb8;
	[tilespmem:$0x1A2C0] =	vst v63  }
0x84: {  	_ =	swait.ge [sflag:s18], $0x1900  }
0x85: {  	[sflag:s18] =	ssyncset.done $0x0  }
0x86: {  	s29 =	sadd.s32 $0x5480, s26;
	[sflag:s18] =	ssyncadd.s32 $0xFFFFE700  }
0x87: {  	[spmem:s2] =	stream.indirect.scatter.add.f32 [tilespmem:s15], [sflag:$0x5], $0x40, s29, s14, $0xb8;
	[tilespmem:$0x1A2C0] =	vst v63  }
0x88: {  	_ =	swait.ge [sflag:s23], $0x1900  }
0x89: {  	[sflag:s23] =	ssyncset.done $0x0  }
.Ltmp0:
0x8a: {  	s29 =	sadd.s32 $0x478, s26;
	[sflag:s23] =	ssyncadd.s32 $0xFFFFE700;
	(pc) =	sbr.rel @p0 .LBB2_2-.Ltmp0, $4  }
0x8b: {  	[tilespmem:s24], [sflag:$0x4] =	stream.indirect.gather [hbm4b:s4+s14], $0x40, s29, s14, $0xb8;
	[tilespmem:$0x1A2C0] =	vst v63  }
0x8c: {  	_ =	swait.ge [sflag:s21], $0x1900  }
0x8d: {  	[sflag:s21] =	ssyncset.done $0x0  }
0x8e: {  	s26 =	sadd.s32 $0x54E8, s26;
	[sflag:s21] =	ssyncadd.s32 $0xFFFFE700  }
0x8f: {  	[spmem:s2] =	stream.indirect.scatter.add.f32 [tilespmem:s17], [sflag:$0x6], $0x40, s26, s14, $0xb8;
	[tilespmem:$0x1A2C0] =	vst v63  }
0x90: {  	_ =	swait.ge [sflag:s28], $0x1900  }
0x91: {  	[sflag:s28] =	ssyncset.done $0x0  }
0x92: {  	[sflag:s28] =	ssyncadd.s32 $0xFFFFE700  }
0x93: {  	[spmem:s2] =	stream.indirect.scatter.add.f32 [tilespmem:s20], [sflag:$0x7], $0x40, s31, s14, $0xb8;
	[tilespmem:$0x1A2C0] =	vst v63  }
0x94: {  	_ =	swait.ge [sflag:s1], $0x1900  }
0x95: {  	[sflag:s1] =	ssyncset.done $0x0  }
0x96: {  	[sflag:s1] =	ssyncadd.s32 $0xFFFFE700  }
0x97: {  	[spmem:s2] =	stream.indirect.scatter.add.f32 [tilespmem:s24], [sflag:$0x8], $0x40, s0, s14, $0xb8;
	[tilespmem:$0x1A2C0] =	vst v63  }
0x98: {  	_ =	swait.ge [sflag:s25], $0x1900  }
0x99: {  	[sflag:s25] =	ssyncset.done $0x0  }
0x9a: {  	[sflag:s25] =	ssyncadd.s32 $0xFFFFE700  }
0x9b: {  	_ =	swait.ge [sflag:s30], $0x1900  }
0x9c: {  	[sflag:s30] =	ssyncset.done $0x0  }
0x9d: {  	[sflag:s30] =	ssyncadd.s32 $0xFFFFE700  }
0x9e: {  	_ =	swait.ge [sflag:s16], $0x1900  }
0x9f: {  	[sflag:s16] =	ssyncset.done $0x0  }
0xa0: {  	[sflag:s16] =	ssyncadd.s32 $0xFFFFE700  }
0xa1: {  	_ =	swait.ge [sflag:s23], $0x1900  }
0xa2: {  	s19 =	sadd.s32 $0x1, s19;
	[sflag:s23] =	ssyncset.done $0x0  }
0xa3: {  	p0 =	sne.s32 s19, s10;
	[sflag:s23] =	ssyncadd.s32 $0xFFFFE700  }
.Ltmp1:
0xa4: {  	[bflag:$0x0] =	sbarrier.arrive $0xFFFF;
	(pc) =	sbr.rel @p0 .LBB2_1-.Ltmp1, $4  }
0xa5: {  	[hbm:s9], [sflag:s6] =	dma.local [spmem:s11], $0x1388  }
0xa6: {  	_ =	swait.ge [sflag:s12], $0x1388  }
0xa7: {  	[sflag:s12] =	ssyncset.done $0x0  }
0xa8: {  	[sflag:s12] =	ssyncadd.s32 $0xFFFFEC78  }
0xa9: {  	_ =	sfence.sel $0x180000  }
0xaa: {  	[bflag:$0x0] =	sbarrier.arrive $0xFFFF  }
0xab: {  	_ =	strace $0x9000004D  }
0xac: {  	s0 =	stileid.u32;
	[bflag:$0x2] =	sbarrier.arrive $0xFFFF  }
0xad: {  	p0 =	sne.s32 s0, $0x0;
	s0 =	rddreg [dreg:$0x3]  }
0xae: {  	s0 =	sadd.s32 @!p0 $0x100000, s0  }
0xaf: {  	[sflag:s0] =	ssyncadd.tile.s32 @!p0 $0x1;
	_ =	shalt  }
.Lfunc_end2:
_tile_overlayer_lowered:
.L_overlay_start_2:
0xb0: {  	(tag) =	ssettag $0x2  }
0xb1: {  	s0 =	rddreg [dreg:$0x0];
	s2 =	stileid.u32  }
0xb2: {  	s1 =	rddreg [dreg:$0x1];
	p0 =	sne.s32 s2, $0x0  }
0xb3: {  	s3 =	rddreg [dreg:$0x2];
	[bflag:$0x3] =	sbarrier.arrive $0xFFFF;
	s2 =	simm.s32 @!p0 $0x1C09  }
0xb4: {  	[timem:s3], [sflag:s2] =	dma.local @!p0 [hbm:s0], s1  }
0xb5: {  	s0 =	simm.s32 @!p0 $0x9  }
0xb6: {  	_ =	swait.ge @!p0 [sflag:s0], s1  }
0xb7: {  	s1 =	ssub.s32 @!p0 $0x0, s1;
	[sflag:s0] =	ssyncset.done @!p0 $0x0  }
0xb8: {  	[sflag:s0] =	ssyncadd.s32 @!p0 s1  }
0xb9: {  	[bflag:$0x3] =	sbarrier.arrive $0xFFFF  }
0xba: {  	_ =	shalt  }

// kernel: kernel.9.cloned.1.call-start
scs
__scs_entry_jumppad:
0x0: {  	(pc) =	sbr.rel $0x88, $3  }
0x1: {  	(tag) =	ssettag $0x0;
	lr =	simm.s32 $0x1  }
0x2: {  	[smem:$0x3F9B] =	sst lr;
	_ =	strace $0xD0000000  }
0x3: {  	_ = 	snop  }
0x4: {  	_ = 	snop  }
0x5: {  	_ = 	snop  }
0x6: {  	_ = 	snop  }
0x7: {  	_ = 	snop  }
__scs_overlays_trampoline_lowered:
0x8: {  	[smem:$0x3FAA] =	sst s0  }
0x9: {  	[smem:$0x3FAB] =	sst s1  }
0xa: {  	[smem:$0x3FAC] =	sst s2  }
0xb: {  	[smem:$0x3FAD] =	sst s3  }
0xc: {  	[smem:$0x3FAE] =	sst s4  }
0xd: {  	[smem:$0x3FAF] =	sst s5  }
0xe: {  	[smem:$0x3FB0] =	sst s6  }
0xf: {  	[smem:$0x3FB1] =	sst s7  }
0x10: {  	[smem:$0x3FB2] =	sst s8  }
0x11: {  	[smem:$0x3FB3] =	sst s9;
	s0 =	simm.s32 @!p0 $0x0  }
0x12: {  	s1 =	sld [smem:$0x3F99];
	s0 =	simm.s32 @p0 $0x1  }
0x13: {  	[smem:$0x3FB4] =	sst s0;
	s0 =	simm.s32 @!p1 $0x0  }
0x14: {  	s2 =	sld [smem:$0x3F98];
	s0 =	simm.s32 @p1 $0x1  }
0x15: {  	[smem:$0x3FB5] =	sst s0;
	s0 =	simm.s32 @!p2 $0x0  }
0x16: {  	s3 =	sld [smem:$0x3FDB];
	s0 =	simm.s32 @p2 $0x1  }
0x17: {  	s4 =	simm.s32 $0x1BF5;
	[smem:$0x3FB7] =	sst s0  }
0x18: {  	s0 =	sld [smem:$0x3F9A];
	_ =	swait.ge [sflag:s4], $0x0  }
0x19: {  	s7 =	sld [smem:$0x3F9B]  }
0x1a: {  	s8 =	sadd.s32 $0xFFFFE003, lr  }
0x1b: {  	s9 =	sadd.s32 $0xFFFFFEF7, lr;
	s5 =	simm.s32 $0xFFFFFFFF;
	p2 =	slt.u32 s8, $0xFFFFF086  }
0x1c: {  	p1 =	slt.u32 s9, $0xF7A;
	s5 =	simm.s32 @!p2 $0x0  }
0x1d: {  	s5 =	simm.s32 @p1 $0x1;
	p0 =	seq.s32 s7, s2  }
0x1e: {  	s7 =	smul.u32 @!p0 $0xF7A, s2;
	p2 =	seq.s32 @!p0 s5, $0x0  }
0x1f: {  	s9 =	smul.u32 $0xF7A, s1;
	s8 =	simm.s32 @!p0 $0x1BF5;
	p2 =	por !p2, p0  }
0x20: {  	[sflag:s8] =	ssyncset.s32 @!p0 $0xFFFFF086;
	s6 =	sadd.s32 @!p0 s3, s7;
	s7 =	simm.s32 @!p0 $0x108  }
0x21: {  	s3 =	sadd.s32 s3, s9;
	s6 =	sadd.s32 @!p0 $0x88, s6;
	s7 =	simm.s32 @p2 $0x1082  }
0x22: {  	[simem:s7], [sflag:s8] =	dma.local @!p0 [hbm:s6], $0xF7A  }
0x23: {  	s9 =	sor.u32 $0xD0000000, s2;
	s6 =	simm.s32 $0x108;
	_ =	swait.ge @!p0 [sflag:s8], $0x0  }
0x24: {  	s3 =	sadd.s32 $0x88, s3;
	s6 =	simm.s32 @!p1 $0x1082;
	[sflag:s4] =	ssyncset.s32 $0xFFFFF086  }
0x25: {  	[simem:s6], [sflag:s4] =	dma.local [hbm:s3], $0xF7A  }
0x26: {  	[smem:$0x3F9B] =	sst s1;
	(tag) =	ssettag s2;
	_ =	strace s9  }
0x27: {  	s1 =	sld [smem:$0x3FAB]  }
0x28: {  	s2 =	sld [smem:$0x3FAC]  }
0x29: {  	s4 =	sld [smem:$0x3FAE]  }
0x2a: {  	p0 =	seq.s32 s5, $0x0;
	s5 =	sld [smem:$0x3FAF]  }
0x2b: {  	s6 =	sld [smem:$0x3FB0]  }
0x2c: {  	s7 =	sld [smem:$0x3FB1]  }
0x2d: {  	s3 =	simm.s32 $0x108;
	s8 =	sld [smem:$0x3FB2]  }
0x2e: {  	s3 =	simm.s32 @!p0 $0x1082;
	s9 =	sld [smem:$0x3FB3]  }
0x2f: {  	lr =	sadd.s32 s0, s3;
	s0 =	sld [smem:$0x3FAA]  }
0x30: {  	s3 =	sld [smem:$0x3FAD]  }
0x31: {  	[smem:$0x3FB6] =	sst s10  }
0x32: {  	s10 =	sld [smem:$0x3FB4];
	_ =	sdelay $0x3  }
0x33: {  	p0 =	seq.s32 s10, $0x1;
	s10 =	sld [smem:$0x3FB6];
	_ =	sdelay $0x3  }
0x34: {  	[smem:$0x3FB6] =	sst s10  }
0x35: {  	s10 =	sld [smem:$0x3FB5];
	_ =	sdelay $0x3  }
0x36: {  	p1 =	seq.s32 s10, $0x1;
	s10 =	sld [smem:$0x3FB6];
	_ =	sdelay $0x3  }
0x37: {  	[smem:$0x3FB6] =	sst s10  }
0x38: {  	s10 =	sld [smem:$0x3FB7]  }
0x39: {  	_ = 	snop;
	(pc) =	sbr.ind lr, $3  }
0x3a: {  	_ = 	snop  }
0x3b: {  	_ = 	snop  }
0x3c: {  	p2 =	seq.s32 s10, $0x1;
	s10 =	sld [smem:$0x3FB6]  }
0x3d: {  	_ =	shalt  }
0x3e: {  	_ =	shalt  }
0x3f: {  	_ =	shalt  }
0x40: {  	_ =	shalt  }
0x41: {  	_ =	shalt  }
0x42: {  	_ =	shalt  }
0x43: {  	_ =	shalt  }
0x44: {  	_ =	shalt  }
0x45: {  	_ =	shalt  }
0x46: {  	_ =	shalt  }
0x47: {  	_ =	shalt  }
0x48: {  	_ =	shalt  }
0x49: {  	_ =	shalt  }
0x4a: {  	_ =	shalt  }
0x4b: {  	_ =	shalt  }
0x4c: {  	_ =	shalt  }
0x4d: {  	_ =	shalt  }
0x4e: {  	_ =	shalt  }
0x4f: {  	_ =	shalt  }
0x50: {  	_ =	shalt  }
0x51: {  	_ =	shalt  }
0x52: {  	_ =	shalt  }
0x53: {  	_ =	shalt  }
0x54: {  	_ =	shalt  }
0x55: {  	_ =	shalt  }
0x56: {  	_ =	shalt  }
0x57: {  	_ =	shalt  }
0x58: {  	_ =	shalt  }
0x59: {  	_ =	shalt  }
0x5a: {  	_ =	shalt  }
0x5b: {  	_ =	shalt  }
0x5c: {  	_ =	shalt  }
0x5d: {  	_ =	shalt  }
0x5e: {  	_ =	shalt  }
0x5f: {  	_ =	shalt  }
0x60: {  	_ =	shalt  }
0x61: {  	_ =	shalt  }
0x62: {  	_ =	shalt  }
0x63: {  	_ =	shalt  }
0x64: {  	_ =	shalt  }
0x65: {  	_ =	shalt  }
0x66: {  	_ =	shalt  }
0x67: {  	_ =	shalt  }
0x68: {  	_ =	shalt  }
0x69: {  	_ =	shalt  }
0x6a: {  	_ =	shalt  }
0x6b: {  	_ =	shalt  }
0x6c: {  	_ =	shalt  }
0x6d: {  	_ =	shalt  }
0x6e: {  	_ =	shalt  }
0x6f: {  	_ =	shalt  }
0x70: {  	_ =	shalt  }
0x71: {  	_ =	shalt  }
0x72: {  	_ =	shalt  }
0x73: {  	_ =	shalt  }
0x74: {  	_ =	shalt  }
0x75: {  	_ =	shalt  }
0x76: {  	_ =	shalt  }
0x77: {  	_ =	shalt  }
0x78: {  	_ =	shalt  }
0x79: {  	_ =	shalt  }
0x7a: {  	_ =	shalt  }
0x7b: {  	_ =	shalt  }
0x7c: {  	_ =	shalt  }
0x7d: {  	_ =	shalt  }
0x7e: {  	_ =	shalt  }
0x7f: {  	_ =	shalt  }
0x80: {  	_ =	shalt  }
0x81: {  	_ =	shalt  }
0x82: {  	_ =	shalt  }
0x83: {  	_ =	shalt  }
0x84: {  	_ =	shalt  }
0x85: {  	_ =	shalt  }
0x86: {  	_ =	shalt  }
0x87: {  	_ =	shalt  }
.Lfunc_end0:
.L_simem_size_0:
called_computation_lowered:
.L_overlay_start_0:
0x88: {  	s2 =	sld [smem:$0x3FD9]  }
0x89: {  	s3 =	sld [smem:$0x3FFE];
	_ =	sdelay $0x1  }
0x8a: {  	s1 =	srdreg.scid  }
0x8b: {  	s0 =	sand.u32 $0x1, s1  }
0x8c: {  	s17 =	sshll.u32 s0, $0xA;
	s2 =	sadd.s32 s3, s2  }
0x8d: {  	s2 =	sadd.s32 s2, s17  }
0x8e: {  	[smem:$0x3FC2] =	sst s2  }
0x8f: {  	_ = 	snop  }
0x90: {  	s2 =	sld [smem:$0x3FD0];
	(tm) =	ssettm $0x1  }
0x91: {  	s18 =	sld [smem:$0x3FFB];
	_ =	sdelay $0x3  }
0x92: {  	_ =	strace s18  }
0x93: {  	s3 =	sld [smem:$0x3FFC];
	_ =	sdelay $0x3  }
0x94: {  	_ =	strace s3  }
0x95: {  	s3 =	sld [smem:$0x3FFD];
	_ =	sdelay $0x3  }
0x96: {  	_ =	strace s3  }
0x97: {  	_ =	strace $0x8FFFFFFF  }
0x98: {  	s19 =	sld [smem:$0x3FDB];
	_ =	sdelay $0x1  }
0x99: {  	s4 =	simm.s32 $_scs_section_size  }
0x9a: {  	s5 =	simm.s32 $_size__tile_overlayer_lowered;
	s6 =	simm.s32 $_tile_overlayer_lowered  }
0x9b: {  	s22 =	simm.s32 $0x1BFF;
	s21 =	sshll.u32 s6, $0x1;
	s3 =	sadd.s32 s4, s19  }
0x9c: {  	s7 =	simm.s32 $0x0;
	s20 =	sshll.u32 s5, $0x1;
	s5 =	sadd.s32 s21, s3  }
0x9d: {  	[timem:s7], [sflag:s22] =	dma.local [hbm:s5], s20  }
0x9e: {  	_ =	swait.ge [sflag:s22], s20  }
0x9f: {  	s4 =	ssub.s32 $0x0, s20;
	[sflag:s22] =	ssyncset.done $0x0  }
0xa0: {  	[sflag:s22] =	ssyncadd.s32 s4;
	_ =	sdelay $0x1  }
0xa1: {  	s23 =	simm.s32 $0x1B8B  }
0xa2: {  	_ =	swait.ge [sflag:s23], $0x1  }
0xa3: {  	[sflag:s23] =	ssyncset.done $0x0  }
0xa4: {  	s25 =	simm.s32 $0x1B8E;
	s24 =	sld [smem:$0x3FFE];
	[sflag:s23] =	ssyncadd.s32 $0xFFFFFFFF  }
0xa5: {  	s26 =	simm.s32 $execute0_lowered;
	[smem:$0x3FD2] =	sst s25  }
0xa6: {  	s5 =	sshll.u32 s26, $0x1;
	_ =	strace $0x80000046;
	[dreg:$0x1] =	wrdreg $0xFFFFFFFF  }
0xa7: {  	s28 =	simm.s32 $_size_execute0_lowered;
	s3 =	sadd.s32 s3, s5;
	[dreg:$0x0] =	wrdreg $0x0  }
0xa8: {  	s5 =	sshll.u32 s28, $0x1;
	[dreg:$0x2] =	wrdreg s3  }
0xa9: {  	[dreg:$0x3] =	wrdreg s5  }
0xaa: {  	[dreg:$0x4] =	wrdreg $0xC0  }
0xab: {  	_ =	task [dreg:s7], $0x5FFFF  }
0xac: {  	[dreg:$0x1] =	wrdreg $0xFFFFFFFF  }
0xad: {  	[dreg:$0x0] =	wrdreg $0x60  }
0xae: {  	[dreg:$0x2] =	wrdreg s2  }
0xaf: {  	[dreg:$0x3] =	wrdreg s24  }
0xb0: {  	[dreg:$0x4] =	wrdreg $0x29900  }
0xb1: {  	[dreg:$0x5] =	wrdreg $0x9  }
0xb2: {  	_ =	task.clear_ibuf [dreg:s7], $0x6FFFF;
	_ =	strace $0x90000046  }
0xb3: {  	s29 =	simm.s32 $0x9;
	_ =	strace $0x80000048  }
0xb4: {  	_ =	swait.ge [sflag:s29], $0x1  }
0xb5: {  	[sflag:s29] =	ssyncadd.s32 $0xFFFFFFFF  }
0xb6: {  	_ =	strace $0x90000048  }
0xb7: {  	_ =	sfence  }
0xb8: {  	s30 =	sld [smem:$0x0];
	_ =	sdelay $0x2  }
0xb9: {  	s31 =	sshll.u32 s1, $0xD;
	s1 =	sshrl.u32 s1, $0x2  }
0xba: {  	s3 =	sand.u32 $0x4000, s31;
	s1 =	sadd.s32 s1, s30  }
0xbb: {  	s0 =	sor.u32 s3, s0;
	s1 =	sshll.u32 s1, $0x11  }
0xbc: {  	s0 =	sor.u32 s1, s0  }
0xbd: {  	s0 =	sadd.s32 $0x8F2B, s0  }
0xbe: {  	[sflag:s0] =	ssyncadd.remote.s32 $0x1  }
0xbf: {  	_ =	sfence.sel $0xFFFF  }
0xc0: {  	[dreg:$0x0] =	wrdreg $0xFFFFFFFF;
	(pc) =	sbr.abs _section_cstart, $3  }
0xc1: {  	[dreg:$0x1] =	wrdreg $0xFFFFFFFF  }
0xc2: {  	_ =	task.clear_ibuf [dreg:s7], $0x2FFFF;
	_ =	strace $0x9FFFFFFF  }
0xc3: {  	(tm) =	ssettm $0x7FFFFFFF  }
tec
execute0_lowered:
.L_overlay_start_1:
0x0: {  	(tag) =	ssettag $0x1  }
0x1: {  	s6 =	rddreg [dreg:$0x0]  }
0x2: {  	s5 =	rddreg [dreg:$0x1]  }
0x3: {  	s2 =	rddreg [dreg:$0x2]  }
0x4: {  	s0 =	rddreg [dreg:$0x3];
	s4 =	srdreg.scid  }
0x5: {  	s1 =	stileid.u32;
	s3 =	simm.s32 $0x0;
	s13 =	simm.s32 $0x1  }
0x6: {  	s14 =	simm.s32 $0x2;
	s15 =	simm.s32 $0x0;
	s7 =	sand.u32 $0x1, s4  }
0x7: {  	s8 =	smul.u32 $0x2710, s1;
	[smem:$0x7FF] =	sst s3;
	s4 =	sadd.s32 $0x2200, s5  }
0x8: {  	s31 =	sshll.u32 s1, $0x6;
	s9 =	smul.u32 $0x27100, s7;
	s10 =	sshll.u32 s7, $0x4  }
0x9: {  	_ =	strace $0x80000047;
	s7 =	ssub.s32 $0x2, s7;
	s10 =	sor.u32 s1, s10  }
0xa: {  	s11 =	sshrl.u32 s7, $0x1;
	s12 =	sadd.s32 s8, s2;
	s9 =	sadd.s32 s8, s9  }
0xb: {  	s10 =	smul.u32 $0x4E2, s10;
	s11 =	ssub.s32 s7, s11;
	s9 =	sshrl.u32 s9, $0x3  }
0xc: {  	s8 =	smax.u32 s11, $0x1;
	s11 =	simm.s32 $0x2710;
	s9 =	sadd.s32 s9, s5  }
0xd: {  	s5 =	sor.u32 $0x1C03, s31;
	s6 =	sadd.s32 s6, s10;
	s10 =	simm.s32 $0x3  }
0xe: {  	s7 =	sadd.s32 $0x2800, s9;
	s9 =	sshrl.u32 s12, $0x3;
	s12 =	simm.s32 $0x28  }
.LBB2_1:
0xf: {  	[spmem:s9], [sflag:s5] =	dma.local [hbm:s4], $0x4E2  }
0x10: {  	_ =	swait.ge [sflag:s10], $0x4E2  }
0x11: {  	[sflag:s10] =	ssyncset.done $0x0  }
0x12: {  	[sflag:s10] =	ssyncadd.s32 $0xFFFFFB1E  }
0x13: {  	[tilespmem:s3], [sflag:$0x3] =	stream.linear.gather [hbm4b:s6+s3], $0x2710, $0x38;
	[tilespmem:$0x50A0] =	vst v63  }
0x14: {  	_ =	swait.ge [sflag:s10], $0x2710  }
0x15: {  	[sflag:s10] =	ssyncset.done $0x0  }
0x16: {  	[sflag:s10] =	ssyncadd.s32 $0xFFFFD8F0  }
0x17: {  	[tilespmem:s11], [sflag:$0x3] =	stream.linear.gather [hbm4b:s4+s3], $0x280, $0x38;
	[tilespmem:$0x50A0] =	vst v63  }
0x18: {  	_ =	swait.ge [sflag:s10], $0x280  }
0x19: {  	[sflag:s10] =	ssyncset.done $0x0  }
0x1a: {  	[sflag:s10] =	ssyncadd.s32 $0xFFFFFD80  }
0x1b: {  	[bflag:$0x0] =	sbarrier.arrive $0xFFFF  }
0x1c: {  	[spmem:s2] =	stream.indirect.scatter.add.f32 [tilespmem:s11], [sflag:$0x1], $0x10, s3, s12, $0xb8;
	[tilespmem:$0x50A0] =	vst v63  }
0x1d: {  	_ = 	snop  }
0x1e: {  	[spmem:s2] =	stream.indirect.scatter.add.f32 [tilespmem:s11], [sflag:$0x2], $0x10, s12, s12, $0xb8;
	[tilespmem:$0x50A0] =	vst v63  }
0x1f: {  	_ =	swait.ge [sflag:s13], $0x280  }
0x20: {  	[sflag:s13] =	ssyncset.done $0x0  }
0x21: {  	s16 =	simm.s32 $0x50;
	[sflag:s13] =	ssyncadd.s32 $0xFFFFFD80  }
0x22: {  	[spmem:s2] =	stream.indirect.scatter.add.f32 [tilespmem:s11], [sflag:$0x1], $0x10, s16, s12, $0xb8;
	[tilespmem:$0x50A0] =	vst v63  }
0x23: {  	_ =	swait.ge [sflag:s14], $0x280  }
0x24: {  	[sflag:s14] =	ssyncset.done $0x0  }
0x25: {  	s17 =	simm.s32 $0x78;
	s16 =	simm.s32 $0xFFFF6640;
	[sflag:s14] =	ssyncadd.s32 $0xFFFFFD80  }
.LBB2_2:
0x26: {  	[spmem:s2] =	stream.indirect.scatter.add.f32 [tilespmem:s11], [sflag:$0x2], $0x10, s17, s12, $0xb8;
	[tilespmem:$0x50A0] =	vst v63  }
0x27: {  	s17 =	smov.u32 s16  }
0x28: {  	p0 =	sne.s32 s16, $0xFFFFFEC0;
	s16 =	sadd.s32 $0x140, s16;
	_ =	swait.ge [sflag:s13], $0x280  }
0x29: {  	s17 =	sshra.s32 s17, $0x2;
	[sflag:s13] =	ssyncset.done $0x0  }
.Ltmp0:
0x2a: {  	s18 =	sadd.s32 $0x2710, s17;
	[sflag:s13] =	ssyncadd.s32 $0xFFFFFD80;
	(pc) =	sbr.rel @p0 .LBB2_2-.Ltmp0, $4  }
0x2b: {  	[spmem:s2] =	stream.indirect.scatter.add.f32 [tilespmem:s11], [sflag:$0x1], $0x10, s18, s12, $0xb8;
	[tilespmem:$0x50A0] =	vst v63  }
0x2c: {  	_ =	swait.ge [sflag:s14], $0x280  }
0x2d: {  	[sflag:s14] =	ssyncset.done $0x0  }
0x2e: {  	s17 =	sadd.s32 $0x2738, s17;
	[sflag:s14] =	ssyncadd.s32 $0xFFFFFD80  }
0x2f: {  	[spmem:s2] =	stream.indirect.scatter.add.f32 [tilespmem:s11], [sflag:$0x2], $0x10, s17, s12, $0xb8;
	[tilespmem:$0x50A0] =	vst v63  }
0x30: {  	_ =	swait.ge [sflag:s13], $0x280  }
0x31: {  	[sflag:s13] =	ssyncset.done $0x0  }
0x32: {  	[sflag:s13] =	ssyncadd.s32 $0xFFFFFD80  }
0x33: {  	_ =	swait.ge [sflag:s14], $0x280  }
0x34: {  	s15 =	sadd.s32 $0x1, s15;
	[sflag:s14] =	ssyncset.done $0x0  }
0x35: {  	p0 =	sne.s32 s15, s8;
	[sflag:s14] =	ssyncadd.s32 $0xFFFFFD80  }
.Ltmp1:
0x36: {  	[bflag:$0x0] =	sbarrier.arrive $0xFFFF;
	(pc) =	sbr.rel @p0 .LBB2_1-.Ltmp1, $4  }
0x37: {  	[hbm:s7], [sflag:s5] =	dma.local [spmem:s9], $0x4E2  }
0x38: {  	_ =	swait.ge [sflag:s10], $0x4E2  }
0x39: {  	[sflag:s10] =	ssyncset.done $0x0  }
0x3a: {  	[sflag:s10] =	ssyncadd.s32 $0xFFFFFB1E  }
0x3b: {  	_ =	sfence.sel $0x180000  }
0x3c: {  	[bflag:$0x0] =	sbarrier.arrive $0xFFFF  }
0x3d: {  	p0 =	sne.s32 s1, $0x0;
	_ =	strace $0x90000047  }
0x3e: {  	s0 =	sadd.s32 @!p0 $0x100000, s0;
	[bflag:$0x2] =	sbarrier.arrive $0xFFFF  }
0x3f: {  	[sflag:s0] =	ssyncadd.tile.s32 @!p0 $0x1;
	_ =	shalt  }
.Lfunc_end2:
_tile_overlayer_lowered:
.L_overlay_start_2:
0x40: {  	(tag) =	ssettag $0x2  }
0x41: {  	s0 =	rddreg [dreg:$0x0];
	s2 =	stileid.u32  }
0x42: {  	s1 =	rddreg [dreg:$0x1];
	p0 =	sne.s32 s2, $0x0  }
0x43: {  	s3 =	rddreg [dreg:$0x2];
	[bflag:$0x3] =	sbarrier.arrive $0xFFFF;
	s2 =	simm.s32 @!p0 $0x1C03  }
0x44: {  	[timem:s3], [sflag:s2] =	dma.local @!p0 [hbm:s0], s1  }
0x45: {  	s0 =	simm.s32 @!p0 $0x3  }
0x46: {  	_ =	swait.ge @!p0 [sflag:s0], s1  }
0x47: {  	s1 =	ssub.s32 @!p0 $0x0, s1;
	[sflag:s0] =	ssyncset.done @!p0 $0x0  }
0x48: {  	[sflag:s0] =	ssyncadd.s32 @!p0 s1  }
0x49: {  	[bflag:$0x3] =	sbarrier.arrive $0xFFFF  }
0x4a: {  	_ =	shalt  }

</sc_bundles>
